<compile_context>
chip_gen: v7x
topology: tpu7x:2x2x1
jax: 0.10.2.dev20260603
libtpu: 0.0.44.dev20260713+nightly
codegen_flags: <defaults>
</compile_context>

<pallas_src>
import functools

import jax
import jax.numpy as jnp
from jax import lax
from jax.experimental import pallas as pl
from jax.experimental.pallas import tpu as pltpu
from jax.experimental.pallas import tpu_sc as plsc

B = 16384
EMB_DIM = 32
BERT_DIM = 768
L = 16
NC, NS = 2, 16
NW = NC * NS
BPW = B // NW
EPR = 128 // EMB_DIM
N_EMB_ROWS = 100000 * EMB_DIM // 128

CHT = 32
NCHT = BPW // CHT
CHE = 64
NCHE = BPW // CHE

_GATHER_DNUMS = lax.GatherDimensionNumbers(
    offset_dims=(), collapsed_slice_dims=(0,), start_index_map=(0,))


def _lane_shuffle(v, idx):
    return lax.gather(v, idx[:, None], _GATHER_DNUMS, (1,),
                      mode=lax.GatherScatterMode.PROMISE_IN_BOUNDS)


def _mesh():
    return plsc.VectorSubcoreMesh(core_axis_name="c", subcore_axis_name="s")


def _load_ids(uidf_hbm, iidf_hbm, uidf_v, iidf_v, idq, wid, sem):
    idq[pl.ds(0, L)] = jnp.broadcast_to(wid, (L,)).astype(jnp.int32)
    row = idq.at[pl.ds(0, 1)]
    cu = pltpu.make_async_copy(uidf_hbm.at[row], uidf_v, sem)
    ci = pltpu.make_async_copy(iidf_hbm.at[row], iidf_v, sem)
    cu.start()
    ci.start()
    cu.wait()
    ci.wait()


def _store_i32(dst_ref, ds, value):
    dst_ref[ds] = value


@functools.partial(
    pl.kernel,
    out_type=jax.ShapeDtypeStruct((B,), jnp.float32),
    mesh=_mesh(),
    compiler_params=pltpu.CompilerParams(needs_layout_passes=False),
    scratch_types=[
        pltpu.VMEM((1, BPW), jnp.float32),
        pltpu.VMEM((1, BPW), jnp.float32),
        pltpu.VMEM((L,), jnp.int32),
        pltpu.VMEM((2, CHT), jnp.int32),
        pltpu.VMEM((2, CHT), jnp.int32),
        pltpu.VMEM((2, CHT, BERT_DIM), jnp.float32),
        pltpu.VMEM((2, CHT, BERT_DIM), jnp.float32),
        pltpu.VMEM((BPW,), jnp.float32),
        pltpu.SemaphoreType.DMA((2,)),
    ],
)
def _sc_text(uidf_hbm, iidf_hbm, utext_hbm, itext_hbm, out_hbm,
             uidf_v, iidf_v, idq, uix_c, iix_c, ut_v, it_v, out_v, sem):
    wid = lax.axis_index("s") * NC + lax.axis_index("c")
    base = wid * BPW
    _load_ids(uidf_hbm, iidf_hbm, uidf_v, iidf_v, idq, wid, sem.at[0])
    lane = lax.iota(jnp.int32, L)
    lane0 = lane == 0

    def issue_chunk(j, p):
        for g in range(CHT // L):
            ds = pl.ds(g * L, L)
            uix_c[p, ds] = plsc.bitcast(
                uidf_v[0, pl.ds(j * CHT + g * L, L)], jnp.int32)
            iix_c[p, ds] = plsc.bitcast(
                iidf_v[0, pl.ds(j * CHT + g * L, L)], jnp.int32)
        cps = _chunk_cps(p)
        for c in cps:
            c.start()

    def _chunk_cps(p):
        return [
            pltpu.make_async_copy(utext_hbm.at[uix_c.at[p]], ut_v.at[p],
                                  sem.at[p]),
            pltpu.make_async_copy(itext_hbm.at[iix_c.at[p]], it_v.at[p],
                                  sem.at[p]),
        ]

    issue_chunk(0, 0)

    def chunk_body(j, carry):
        p = lax.rem(j, 2)
        q = 1 - p

        @pl.when(j < NCHT - 1)
        def _issue_next():
            issue_chunk(j + 1, q)

        for c in _chunk_cps(p):
            c.wait()

        def pair_body(i, carry2):
            acc = ut_v[p, i, pl.ds(0, L)] * it_v[p, i, pl.ds(0, L)]
            for t in range(1, BERT_DIM // L):
                acc = acc + (ut_v[p, i, pl.ds(t * L, L)]
                             * it_v[p, i, pl.ds(t * L, L)])
            for sh in (8, 4, 2, 1):
                acc = acc + _lane_shuffle(acc, lane ^ sh)
            pos = jnp.broadcast_to(j * CHT + i, (L,)).astype(jnp.int32)
            plsc.store_scatter(out_v, [pos], acc, mask=lane0)
            return carry2

        lax.fori_loop(0, CHT, pair_body, 0)
        return carry

    lax.fori_loop(0, NCHT, chunk_body, 0)
    pltpu.sync_copy(out_v, out_hbm.at[pl.ds(base, BPW)])


@functools.partial(
    pl.kernel,
    out_type=jax.ShapeDtypeStruct((B,), jnp.float32),
    mesh=_mesh(),
    compiler_params=pltpu.CompilerParams(needs_layout_passes=False),
    scratch_types=[
        pltpu.VMEM((1, BPW), jnp.float32),
        pltpu.VMEM((1, BPW), jnp.float32),
        pltpu.VMEM((L,), jnp.int32),
        pltpu.VMEM((BPW,), jnp.int32),
        pltpu.VMEM((BPW,), jnp.int32),
        pltpu.VMEM((2, CHE), jnp.int32),
        pltpu.VMEM((2, CHE), jnp.int32),
        pltpu.VMEM((2, CHE, 128), jnp.float32),
        pltpu.VMEM((2, CHE, 128), jnp.float32),
        pltpu.VMEM((2, CHE), jnp.float32),
        pltpu.VMEM((2, CHE), jnp.float32),
        pltpu.VMEM((BPW,), jnp.float32),
        pltpu.VMEM((L,), jnp.float32),
        pltpu.SemaphoreType.DMA((2,)),
    ],
)
def _sc_emb(uidf_hbm, iidf_hbm, uemb_hbm, iemb_hbm, ubias_hbm, ibias_hbm,
            bias16_hbm, out_hbm,
            uidf_v, iidf_v, idq, uid_v, iid_v, urow_c, irow_c, ue_v, ie_v,
            ub_v, ib_v, out_v, bias_v, sem):
    wid = lax.axis_index("s") * NC + lax.axis_index("c")
    base = wid * BPW
    _load_ids(uidf_hbm, iidf_hbm, uidf_v, iidf_v, idq, wid, sem.at[0])
    pltpu.sync_copy(bias16_hbm, bias_v)
    bias_vec = bias_v[pl.ds(0, L)]

    def ids_body(g, carry):
        ds = pl.ds(g * L, L)
        uid_v[ds] = plsc.bitcast(uidf_v[0, ds], jnp.int32)
        iid_v[ds] = plsc.bitcast(iidf_v[0, ds], jnp.int32)
        return carry

    lax.fori_loop(0, BPW // L, ids_body, 0)

    lane = lax.iota(jnp.int32, L)
    lane0 = lane == 0

    def _chunk_cps(j, p):
        uids = uid_v.at[pl.ds(j * CHE, CHE)]
        iids = iid_v.at[pl.ds(j * CHE, CHE)]
        return [
            pltpu.make_async_copy(uemb_hbm.at[urow_c.at[p]], ue_v.at[p],
                                  sem.at[p]),
            pltpu.make_async_copy(iemb_hbm.at[irow_c.at[p]], ie_v.at[p],
                                  sem.at[p]),
            pltpu.make_async_copy(ubias_hbm.at[uids], ub_v.at[p], sem.at[p]),
            pltpu.make_async_copy(ibias_hbm.at[iids], ib_v.at[p], sem.at[p]),
        ]

    def issue_chunk(j, p):
        for g in range(CHE // L):
            ds = pl.ds(g * L, L)
            urow_c[p, ds] = lax.shift_right_logical(
                uid_v[pl.ds(j * CHE + g * L, L)], 2)
            irow_c[p, ds] = lax.shift_right_logical(
                iid_v[pl.ds(j * CHE + g * L, L)], 2)
        for c in _chunk_cps(j, p):
            c.start()

    issue_chunk(0, 0)

    def chunk_body(j, carry):
        p = lax.rem(j, 2)
        q = 1 - p

        @pl.when(j < NCHE - 1)
        def _issue_next():
            issue_chunk(j + 1, q)

        for c in _chunk_cps(j, p):
            c.wait()

        def pair_body(i, carry2):
            grp = j * CHE + i - lax.rem(i, L)
            pos_in_grp = jnp.broadcast_to(lax.rem(i, L), (L,))
            uid_b = _lane_shuffle(uid_v[pl.ds(grp, L)], pos_in_grp)
            iid_b = _lane_shuffle(iid_v[pl.ds(grp, L)], pos_in_grp)
            uq = (uid_b & (EPR - 1)) * EMB_DIM + lane
            iq = (iid_b & (EPR - 1)) * EMB_DIM + lane
            i_b = jnp.broadcast_to(i, (L,)).astype(jnp.int32)
            p_b = jnp.broadcast_to(p, (L,)).astype(jnp.int32)
            ue0 = plsc.load_gather(ue_v, [p_b, i_b, uq])
            ie0 = plsc.load_gather(ie_v, [p_b, i_b, iq])
            ue1 = plsc.load_gather(ue_v, [p_b, i_b, uq + L])
            ie1 = plsc.load_gather(ie_v, [p_b, i_b, iq + L])
            acc = ue0 * ie0 + ue1 * ie1
            for sh in (8, 4, 2, 1):
                acc = acc + _lane_shuffle(acc, lane ^ sh)
            pos = jnp.broadcast_to(j * CHE + i, (L,)).astype(jnp.int32)
            plsc.store_scatter(out_v, [pos], acc, mask=lane0)
            return carry2

        lax.fori_loop(0, CHE, pair_body, 0)

        for gg in range(CHE // L):
            off = j * CHE + gg * L
            out_v[pl.ds(off, L)] = (out_v[pl.ds(off, L)]
                                    + ub_v[p, pl.ds(gg * L, L)]
                                    + ib_v[p, pl.ds(gg * L, L)] + bias_vec)
        return carry

    lax.fori_loop(0, NCHE, chunk_body, 0)
    pltpu.sync_copy(out_v, out_hbm.at[pl.ds(base, BPW)])


def kernel(user_ids, item_ids, user_emb_w, item_emb_w, user_text_w,
           item_text_w, user_bias, item_bias, bias):
    uidf = lax.bitcast_convert_type(user_ids, jnp.float32).reshape(NW, BPW)
    iidf = lax.bitcast_convert_type(item_ids, jnp.float32).reshape(NW, BPW)
    uemb2 = user_emb_w.reshape(N_EMB_ROWS, 128)
    iemb2 = item_emb_w.reshape(N_EMB_ROWS, 128)
    bias16 = jnp.broadcast_to(bias, (L,))
    out_t = _sc_text(uidf, iidf, user_text_w, item_text_w)
    out_e = _sc_emb(uidf, iidf, uemb2, iemb2, user_bias, item_bias, bias16)
    return (out_t + out_e)[:, None]

# --- scband reference (transcript-rebuilt; emitter-appended) ---
"""Pipeline reference for scband-matrix-factorizatoin-text-dot-product-25220047962797 (READ-ONLY COPY).

The authoritative reference and input builder live on the scoring server;
editing this copy changes nothing except your own understanding.
"""

import jax, jax.numpy as jnp
import numpy as np

N_USERS = 100000
N_ITEMS = 100000
B = 16384
EMB_DIM = 32
BERT_DIM = 768


def setup_inputs(seed: int = 0) -> dict:
    key = jax.random.key(seed)
    ks = jax.random.split(key, 8)
    return {
        "user_ids": jax.random.randint(ks[0], (B,), 0, N_USERS, dtype=jnp.int32),
        "item_ids": jax.random.randint(ks[1], (B,), 0, N_ITEMS, dtype=jnp.int32),
        "user_emb_w": jax.random.normal(ks[2], (N_USERS, EMB_DIM), dtype=jnp.float32) * 0.05,
        "item_emb_w": jax.random.normal(ks[3], (N_ITEMS, EMB_DIM), dtype=jnp.float32) * 0.05,
        "user_text_w": jax.random.normal(ks[4], (N_USERS, BERT_DIM), dtype=jnp.float32) * 0.05,
        "item_text_w": jax.random.normal(ks[5], (N_ITEMS, BERT_DIM), dtype=jnp.float32) * 0.05,
        "user_bias": jnp.zeros((N_USERS,), dtype=jnp.float32),
        "item_bias": jnp.zeros((N_ITEMS,), dtype=jnp.float32),
        "bias": jnp.zeros((1,), dtype=jnp.float32),
    }


def reference(user_ids, item_ids, user_emb_w, item_emb_w, user_text_w, item_text_w, user_bias, item_bias, bias):
    # embedding lookups (gathers)
    user_embeds = jnp.take(user_emb_w, user_ids, axis=0)
    item_embeds = jnp.take(item_emb_w, item_ids, axis=0)
    user_t_rep = jnp.take(user_text_w, user_ids, axis=0)
    item_t_rep = jnp.take(item_text_w, item_ids, axis=0)
    # config['k'] == 0 -> no text transform branch
    user_rep = jnp.concatenate([user_embeds, user_t_rep], axis=1)
    item_rep = jnp.concatenate([item_embeds, item_t_rep], axis=1)
    output = jnp.sum(user_rep * item_rep, axis=1)
    output = output + jnp.take(item_bias, item_ids) + jnp.take(user_bias, user_ids)
    output = output + bias[0]
    return output[:, None]

if __name__ == "__main__":
    import jax
    _d = setup_inputs()
    print(jax.jit(kernel)(*tuple(_d.values())))

</pallas_src>

<mosaic_0001>
#map = affine_map<(d0, d1) -> (0, 0)>
#map1 = affine_map<(d0, d1) -> (0)>
module attributes {stable_mosaic.version = 14 : i64} {
  func.func @_sc_emb(%arg0: i32, %arg1: i32, %arg2: memref<32x512xf32, #tpu.memory_space<hbm>>, %arg3: memref<32x512xf32, #tpu.memory_space<hbm>>, %arg4: memref<25000x128xf32, #tpu.memory_space<hbm>>, %arg5: memref<25000x128xf32, #tpu.memory_space<hbm>>, %arg6: memref<100000xf32, #tpu.memory_space<hbm>>, %arg7: memref<100000xf32, #tpu.memory_space<hbm>>, %arg8: memref<16xf32, #tpu.memory_space<hbm>>, %arg9: memref<16384xf32, #tpu.memory_space<hbm>>, %arg10: memref<1x512xf32, #tpu.memory_space<vmem>>, %arg11: memref<1x512xf32, #tpu.memory_space<vmem>>, %arg12: memref<16xi32, #tpu.memory_space<vmem>>, %arg13: memref<512xi32, #tpu.memory_space<vmem>>, %arg14: memref<512xi32, #tpu.memory_space<vmem>>, %arg15: memref<2x64xi32, #tpu.memory_space<vmem>>, %arg16: memref<2x64xi32, #tpu.memory_space<vmem>>, %arg17: memref<2x64x128xf32, #tpu.memory_space<vmem>>, %arg18: memref<2x64x128xf32, #tpu.memory_space<vmem>>, %arg19: memref<2x64xf32, #tpu.memory_space<vmem>>, %arg20: memref<2x64xf32, #tpu.memory_space<vmem>>, %arg21: memref<512xf32, #tpu.memory_space<vmem>>, %arg22: memref<16xf32, #tpu.memory_space<vmem>>, %arg23: memref<2x!tpu.dma_semaphore, #tpu.memory_space<semaphore_mem>>) attributes {dimension_semantics = [#tpu.dimension_semantics<core_parallel>, #tpu.dimension_semantics<subcore_parallel>], iteration_bounds = array<i64: 2, 16>, scalar_prefetch = 0 : i64, scratch_operands = 14 : i64, tpu.core_type = #tpu.core_type<sc_vector_subcore>, window_params = [{transform_indices = #map}, {transform_indices = #map}, {transform_indices = #map}, {transform_indices = #map}, {transform_indices = #map1}, {transform_indices = #map1}, {transform_indices = #map1}, {transform_indices = #map1}]} {
    %mul3A = arith.constant 2 : i32
    %mul3A_0 = arith.muli %arg1, %mul3A : i32
    %add3A = arith.addi %mul3A_0, %arg0 : i32
    %mul3A_1 = arith.constant 512 : i32
    %mul3A_2 = arith.muli %add3A, %mul3A_1 : i32
    %broadcast_in_dim3A = vector.broadcast %add3A : i32 to vector<16xi32>
    %swap3A = arith.constant 0 : index
    %swap3A_3 = tpu.vector_load %arg12[%swap3A] {strides = array<i32>} : memref<16xi32, #tpu.memory_space<vmem>>, vector<16xi32>,
    tpu.vector_store %arg12[%swap3A], %broadcast_in_dim3A {strides = array<i32>} : memref<16xi32, #tpu.memory_space<vmem>>, vector<16xi32>,
    %dma_start3A = arith.constant 0 : i32
    %dma_start3A_4 = arith.constant 0 : i32
    %dma_start3A_5 = tpu.memref_slice %arg12[%dma_start3A_4] : memref<16xi32, #tpu.memory_space<vmem>> -> memref<1xi32, #tpu.memory_space<vmem>>
    %dma_start3A_6 = arith.constant 0 : i32
    %dma_start3A_7 = arith.constant 0 : i32
    %dma_start3A_8 = tpu.memref_slice %arg2[%dma_start3A_6, %dma_start3A_7] : memref<32x512xf32, #tpu.memory_space<hbm>> -> memref<32x512xf32, #tpu.memory_space<hbm>>
    %dma_start3A_9 = tpu.memref_slice %arg23[%dma_start3A] : memref<2x!tpu.dma_semaphore, #tpu.memory_space<semaphore_mem>> -> memref<1x!tpu.dma_semaphore, #tpu.memory_space<semaphore_mem>>
    %dma_start3A_10 = tpu.memref_squeeze %dma_start3A_9 : memref<1x!tpu.dma_semaphore, #tpu.memory_space<semaphore_mem>> -> memref<!tpu.dma_semaphore, #tpu.memory_space<semaphore_mem>>
    tpu.enqueue_indirect_dma source(%dma_start3A_8 : memref<32x512xf32, #tpu.memory_space<hbm>>) target(%arg10 : memref<1x512xf32, #tpu.memory_space<vmem>>) offsets(%dma_start3A_5 : memref<1xi32, #tpu.memory_space<vmem>>) semaphore(%dma_start3A_10 : memref<!tpu.dma_semaphore, #tpu.memory_space<semaphore_mem>>)
    %dma_start3A_11 = arith.constant 0 : i32
    %dma_start3A_12 = arith.constant 0 : i32
    %dma_start3A_13 = tpu.memref_slice %arg12[%dma_start3A_12] : memref<16xi32, #tpu.memory_space<vmem>> -> memref<1xi32, #tpu.memory_space<vmem>>
    %dma_start3A_14 = arith.constant 0 : i32
    %dma_start3A_15 = arith.constant 0 : i32
    %dma_start3A_16 = tpu.memref_slice %arg3[%dma_start3A_14, %dma_start3A_15] : memref<32x512xf32, #tpu.memory_space<hbm>> -> memref<32x512xf32, #tpu.memory_space<hbm>>
    %dma_start3A_17 = tpu.memref_slice %arg23[%dma_start3A_11] : memref<2x!tpu.dma_semaphore, #tpu.memory_space<semaphore_mem>> -> memref<1x!tpu.dma_semaphore, #tpu.memory_space<semaphore_mem>>
    %dma_start3A_18 = tpu.memref_squeeze %dma_start3A_17 : memref<1x!tpu.dma_semaphore, #tpu.memory_space<semaphore_mem>> -> memref<!tpu.dma_semaphore, #tpu.memory_space<semaphore_mem>>
    tpu.enqueue_indirect_dma source(%dma_start3A_16 : memref<32x512xf32, #tpu.memory_space<hbm>>) target(%arg11 : memref<1x512xf32, #tpu.memory_space<vmem>>) offsets(%dma_start3A_13 : memref<1xi32, #tpu.memory_space<vmem>>) semaphore(%dma_start3A_18 : memref<!tpu.dma_semaphore, #tpu.memory_space<semaphore_mem>>)
    %dma_wait3A = arith.constant 0 : i32
    %dma_wait3A_19 = arith.constant 0 : i32
    %dma_wait3A_20 = tpu.memref_slice %arg12[%dma_wait3A_19] : memref<16xi32, #tpu.memory_space<vmem>> -> memref<1xi32, #tpu.memory_space<vmem>>
    %dma_wait3A_21 = arith.constant 0 : i32
    %dma_wait3A_22 = arith.constant 0 : i32
    %dma_wait3A_23 = tpu.memref_slice %arg2[%dma_wait3A_21, %dma_wait3A_22] : memref<32x512xf32, #tpu.memory_space<hbm>> -> memref<32x512xf32, #tpu.memory_space<hbm>>
    %dma_wait3A_24 = tpu.memref_slice %arg23[%dma_wait3A] : memref<2x!tpu.dma_semaphore, #tpu.memory_space<semaphore_mem>> -> memref<1x!tpu.dma_semaphore, #tpu.memory_space<semaphore_mem>>
    %dma_wait3A_25 = tpu.memref_squeeze %dma_wait3A_24 : memref<1x!tpu.dma_semaphore, #tpu.memory_space<semaphore_mem>> -> memref<!tpu.dma_semaphore, #tpu.memory_space<semaphore_mem>>
    tpu.wait_indirect_dma semaphore(%dma_wait3A_25 : memref<!tpu.dma_semaphore, #tpu.memory_space<semaphore_mem>>) src(%dma_wait3A_23 : memref<32x512xf32, #tpu.memory_space<hbm>>) dst(%arg10 : memref<1x512xf32, #tpu.memory_space<vmem>>)
    %dma_wait3A_26 = arith.constant 0 : i32
    %dma_wait3A_27 = arith.constant 0 : i32
    %dma_wait3A_28 = tpu.memref_slice %arg12[%dma_wait3A_27] : memref<16xi32, #tpu.memory_space<vmem>> -> memref<1xi32, #tpu.memory_space<vmem>>
    %dma_wait3A_29 = arith.constant 0 : i32
    %dma_wait3A_30 = arith.constant 0 : i32
    %dma_wait3A_31 = tpu.memref_slice %arg3[%dma_wait3A_29, %dma_wait3A_30] : memref<32x512xf32, #tpu.memory_space<hbm>> -> memref<32x512xf32, #tpu.memory_space<hbm>>
    %dma_wait3A_32 = tpu.memref_slice %arg23[%dma_wait3A_26] : memref<2x!tpu.dma_semaphore, #tpu.memory_space<semaphore_mem>> -> memref<1x!tpu.dma_semaphore, #tpu.memory_space<semaphore_mem>>
    %dma_wait3A_33 = tpu.memref_squeeze %dma_wait3A_32 : memref<1x!tpu.dma_semaphore, #tpu.memory_space<semaphore_mem>> -> memref<!tpu.dma_semaphore, #tpu.memory_space<semaphore_mem>>
    tpu.wait_indirect_dma semaphore(%dma_wait3A_33 : memref<!tpu.dma_semaphore, #tpu.memory_space<semaphore_mem>>) src(%dma_wait3A_31 : memref<32x512xf32, #tpu.memory_space<hbm>>) dst(%arg11 : memref<1x512xf32, #tpu.memory_space<vmem>>)
    "tpu.region"() ({
      %run_scoped3A = tpu.sem_alloc : memref<!tpu.dma_semaphore, #tpu.memory_space<semaphore_mem>>
      tpu.enqueue_dma source(%arg8 : memref<16xf32, #tpu.memory_space<hbm>>) target(%arg22 : memref<16xf32, #tpu.memory_space<vmem>>) target_semaphore(%run_scoped3A : memref<!tpu.dma_semaphore, #tpu.memory_space<semaphore_mem>>)
      tpu.wait_dma2 semaphore(%run_scoped3A : memref<!tpu.dma_semaphore, #tpu.memory_space<semaphore_mem>>) src(%arg8 : memref<16xf32, #tpu.memory_space<hbm>>) dst(%arg22 : memref<16xf32, #tpu.memory_space<vmem>>)
      tpu.yield
    }) : () -> ()
    %get3A = arith.constant 0 : index
    %get3A_34 = tpu.vector_load %arg22[%get3A] {strides = array<i32>} : memref<16xf32, #tpu.memory_space<vmem>>, vector<16xf32>,
    %scan3A = arith.constant 0 : i32
    %scan3A_35 = arith.constant 0 : i32
    %scan3A_36 = arith.constant 32 : i32
    %scan3A_37 = arith.addi %scan3A_35, %scan3A_36 : i32
    %scan3A_38 = arith.constant 1 : i32
    scf.for %scan3A_171 = %scan3A_35 to %scan3A_37 step %scan3A_38  : i32 {
      %mul3A_172 = arith.constant 16 : i32
      %mul3A_173 = arith.muli %scan3A_171, %mul3A_172 : i32
      %get3A_174 = arith.constant 0 : i32
      %get3A_175 = arith.index_cast %get3A_174 : i32 to index
      %get3A_176 = arith.index_cast %mul3A_173 : i32 to index
      %get3A_177 = tpu.vector_load %arg10[%get3A_175, %get3A_176] {strides = array<i32>} : memref<1x512xf32, #tpu.memory_space<vmem>>, vector<16xf32>,
      %bitcast3A = vector.bitcast %get3A_177 : vector<16xf32> to vector<16xi32>
      %swap3A_178 = arith.index_cast %mul3A_173 : i32 to index
      %swap3A_179 = tpu.vector_load %arg13[%swap3A_178] {strides = array<i32>} : memref<512xi32, #tpu.memory_space<vmem>>, vector<16xi32>,
      tpu.vector_store %arg13[%swap3A_178], %bitcast3A {strides = array<i32>} : memref<512xi32, #tpu.memory_space<vmem>>, vector<16xi32>,
      %get3A_180 = arith.constant 0 : i32
      %get3A_181 = arith.index_cast %get3A_180 : i32 to index
      %get3A_182 = arith.index_cast %mul3A_173 : i32 to index
      %get3A_183 = tpu.vector_load %arg11[%get3A_181, %get3A_182] {strides = array<i32>} : memref<1x512xf32, #tpu.memory_space<vmem>>, vector<16xf32>,
      %bitcast3A_184 = vector.bitcast %get3A_183 : vector<16xf32> to vector<16xi32>
      %swap3A_185 = arith.index_cast %mul3A_173 : i32 to index
      %swap3A_186 = tpu.vector_load %arg14[%swap3A_185] {strides = array<i32>} : memref<512xi32, #tpu.memory_space<vmem>>, vector<16xi32>,
      tpu.vector_store %arg14[%swap3A_185], %bitcast3A_184 {strides = array<i32>} : memref<512xi32, #tpu.memory_space<vmem>>, vector<16xi32>,
    }
    %scan3A_39 = arith.constant 32 : i32
    %iota3A = tpu.iota {dimensions = array<i32: 0>} : vector<16xi32>
    %eq3A = arith.constant 0 : i32
    %eq3A_40 = vector.broadcast %eq3A : i32 to vector<16xi32>
    %eq3A_41 = arith.cmpi eq, %iota3A, %eq3A_40 : vector<16xi32>
    %get3A_42 = arith.constant 0 : index
    %get3A_43 = tpu.vector_load %arg13[%get3A_42] {strides = array<i32>} : memref<512xi32, #tpu.memory_space<vmem>>, vector<16xi32>,
    %shift_right_logical3A = arith.constant 2 : i32
    %shift_right_logical3A_44 = vector.broadcast %shift_right_logical3A : i32 to vector<16xi32>
    %shift_right_logical3A_45 = arith.shrui %get3A_43, %shift_right_logical3A_44 : vector<16xi32>
    %swap3A_46 = arith.constant 0 : i32
    %swap3A_47 = arith.index_cast %swap3A_46 : i32 to index
    %swap3A_48 = arith.constant 0 : index
    %swap3A_49 = tpu.vector_load %arg15[%swap3A_47, %swap3A_48] {strides = array<i32>} : memref<2x64xi32, #tpu.memory_space<vmem>>, vector<16xi32>,
    tpu.vector_store %arg15[%swap3A_47, %swap3A_48], %shift_right_logical3A_45 {strides = array<i32>} : memref<2x64xi32, #tpu.memory_space<vmem>>, vector<16xi32>,
    %get3A_50 = arith.constant 0 : index
    %get3A_51 = tpu.vector_load %arg14[%get3A_50] {strides = array<i32>} : memref<512xi32, #tpu.memory_space<vmem>>, vector<16xi32>,
    %shift_right_logical3A_52 = arith.constant 2 : i32
    %shift_right_logical3A_53 = vector.broadcast %shift_right_logical3A_52 : i32 to vector<16xi32>
    %shift_right_logical3A_54 = arith.shrui %get3A_51, %shift_right_logical3A_53 : vector<16xi32>
    %swap3A_55 = arith.constant 0 : i32
    %swap3A_56 = arith.index_cast %swap3A_55 : i32 to index
    %swap3A_57 = arith.constant 0 : index
    %swap3A_58 = tpu.vector_load %arg16[%swap3A_56, %swap3A_57] {strides = array<i32>} : memref<2x64xi32, #tpu.memory_space<vmem>>, vector<16xi32>,
    tpu.vector_store %arg16[%swap3A_56, %swap3A_57], %shift_right_logical3A_54 {strides = array<i32>} : memref<2x64xi32, #tpu.memory_space<vmem>>, vector<16xi32>,
    %get3A_59 = arith.constant 16 : index
    %get3A_60 = tpu.vector_load %arg13[%get3A_59] {strides = array<i32>} : memref<512xi32, #tpu.memory_space<vmem>>, vector<16xi32>,
    %shift_right_logical3A_61 = arith.constant 2 : i32
    %shift_right_logical3A_62 = vector.broadcast %shift_right_logical3A_61 : i32 to vector<16xi32>
    %shift_right_logical3A_63 = arith.shrui %get3A_60, %shift_right_logical3A_62 : vector<16xi32>
    %swap3A_64 = arith.constant 0 : i32
    %swap3A_65 = arith.index_cast %swap3A_64 : i32 to index
    %swap3A_66 = arith.constant 16 : index
    %swap3A_67 = tpu.vector_load %arg15[%swap3A_65, %swap3A_66] {strides = array<i32>} : memref<2x64xi32, #tpu.memory_space<vmem>>, vector<16xi32>,
    tpu.vector_store %arg15[%swap3A_65, %swap3A_66], %shift_right_logical3A_63 {strides = array<i32>} : memref<2x64xi32, #tpu.memory_space<vmem>>, vector<16xi32>,
    %get3A_68 = arith.constant 16 : index
    %get3A_69 = tpu.vector_load %arg14[%get3A_68] {strides = array<i32>} : memref<512xi32, #tpu.memory_space<vmem>>, vector<16xi32>,
    %shift_right_logical3A_70 = arith.constant 2 : i32
    %shift_right_logical3A_71 = vector.broadcast %shift_right_logical3A_70 : i32 to vector<16xi32>
    %shift_right_logical3A_72 = arith.shrui %get3A_69, %shift_right_logical3A_71 : vector<16xi32>
    %swap3A_73 = arith.constant 0 : i32
    %swap3A_74 = arith.index_cast %swap3A_73 : i32 to index
    %swap3A_75 = arith.constant 16 : index
    %swap3A_76 = tpu.vector_load %arg16[%swap3A_74, %swap3A_75] {strides = array<i32>} : memref<2x64xi32, #tpu.memory_space<vmem>>, vector<16xi32>,
    tpu.vector_store %arg16[%swap3A_74, %swap3A_75], %shift_right_logical3A_72 {strides = array<i32>} : memref<2x64xi32, #tpu.memory_space<vmem>>, vector<16xi32>,
    %get3A_77 = arith.constant 32 : index
    %get3A_78 = tpu.vector_load %arg13[%get3A_77] {strides = array<i32>} : memref<512xi32, #tpu.memory_space<vmem>>, vector<16xi32>,
    %shift_right_logical3A_79 = arith.constant 2 : i32
    %shift_right_logical3A_80 = vector.broadcast %shift_right_logical3A_79 : i32 to vector<16xi32>
    %shift_right_logical3A_81 = arith.shrui %get3A_78, %shift_right_logical3A_80 : vector<16xi32>
    %swap3A_82 = arith.constant 0 : i32
    %swap3A_83 = arith.index_cast %swap3A_82 : i32 to index
    %swap3A_84 = arith.constant 32 : index
    %swap3A_85 = tpu.vector_load %arg15[%swap3A_83, %swap3A_84] {strides = array<i32>} : memref<2x64xi32, #tpu.memory_space<vmem>>, vector<16xi32>,
    tpu.vector_store %arg15[%swap3A_83, %swap3A_84], %shift_right_logical3A_81 {strides = array<i32>} : memref<2x64xi32, #tpu.memory_space<vmem>>, vector<16xi32>,
    %get3A_86 = arith.constant 32 : index
    %get3A_87 = tpu.vector_load %arg14[%get3A_86] {strides = array<i32>} : memref<512xi32, #tpu.memory_space<vmem>>, vector<16xi32>,
    %shift_right_logical3A_88 = arith.constant 2 : i32
    %shift_right_logical3A_89 = vector.broadcast %shift_right_logical3A_88 : i32 to vector<16xi32>
    %shift_right_logical3A_90 = arith.shrui %get3A_87, %shift_right_logical3A_89 : vector<16xi32>
    %swap3A_91 = arith.constant 0 : i32
    %swap3A_92 = arith.index_cast %swap3A_91 : i32 to index
    %swap3A_93 = arith.constant 32 : index
    %swap3A_94 = tpu.vector_load %arg16[%swap3A_92, %swap3A_93] {strides = array<i32>} : memref<2x64xi32, #tpu.memory_space<vmem>>, vector<16xi32>,
    tpu.vector_store %arg16[%swap3A_92, %swap3A_93], %shift_right_logical3A_90 {strides = array<i32>} : memref<2x64xi32, #tpu.memory_space<vmem>>, vector<16xi32>,
    %get3A_95 = arith.constant 48 : index
    %get3A_96 = tpu.vector_load %arg13[%get3A_95] {strides = array<i32>} : memref<512xi32, #tpu.memory_space<vmem>>, vector<16xi32>,
    %shift_right_logical3A_97 = arith.constant 2 : i32
    %shift_right_logical3A_98 = vector.broadcast %shift_right_logical3A_97 : i32 to vector<16xi32>
    %shift_right_logical3A_99 = arith.shrui %get3A_96, %shift_right_logical3A_98 : vector<16xi32>
    %swap3A_100 = arith.constant 0 : i32
    %swap3A_101 = arith.index_cast %swap3A_100 : i32 to index
    %swap3A_102 = arith.constant 48 : index
    %swap3A_103 = tpu.vector_load %arg15[%swap3A_101, %swap3A_102] {strides = array<i32>} : memref<2x64xi32, #tpu.memory_space<vmem>>, vector<16xi32>,
    tpu.vector_store %arg15[%swap3A_101, %swap3A_102], %shift_right_logical3A_99 {strides = array<i32>} : memref<2x64xi32, #tpu.memory_space<vmem>>, vector<16xi32>,
    %get3A_104 = arith.constant 48 : index
    %get3A_105 = tpu.vector_load %arg14[%get3A_104] {strides = array<i32>} : memref<512xi32, #tpu.memory_space<vmem>>, vector<16xi32>,
    %shift_right_logical3A_106 = arith.constant 2 : i32
    %shift_right_logical3A_107 = vector.broadcast %shift_right_logical3A_106 : i32 to vector<16xi32>
    %shift_right_logical3A_108 = arith.shrui %get3A_105, %shift_right_logical3A_107 : vector<16xi32>
    %swap3A_109 = arith.constant 0 : i32
    %swap3A_110 = arith.index_cast %swap3A_109 : i32 to index
    %swap3A_111 = arith.constant 48 : index
    %swap3A_112 = tpu.vector_load %arg16[%swap3A_110, %swap3A_111] {strides = array<i32>} : memref<2x64xi32, #tpu.memory_space<vmem>>, vector<16xi32>,
    tpu.vector_store %arg16[%swap3A_110, %swap3A_111], %shift_right_logical3A_108 {strides = array<i32>} : memref<2x64xi32, #tpu.memory_space<vmem>>, vector<16xi32>,
    %dma_start3A_113 = arith.constant 0 : i32
    %dma_start3A_114 = arith.constant 0 : i32
    %dma_start3A_115 = arith.constant 0 : i32
    %dma_start3A_116 = arith.constant 0 : i32
    %dma_start3A_117 = arith.constant 0 : i32
    %dma_start3A_118 = tpu.memref_slice %arg17[%dma_start3A_114, %dma_start3A_116, %dma_start3A_117] : memref<2x64x128xf32, #tpu.memory_space<vmem>> -> memref<1x64x128xf32, #tpu.memory_space<vmem>>
    %dma_start3A_119 = tpu.memref_squeeze %dma_start3A_118 : memref<1x64x128xf32, #tpu.memory_space<vmem>> -> memref<64x128xf32, #tpu.memory_space<vmem>>
    %dma_start3A_120 = arith.constant 0 : i32
    %dma_start3A_121 = tpu.memref_slice %arg15[%dma_start3A_113, %dma_start3A_120] : memref<2x64xi32, #tpu.memory_space<vmem>> -> memref<1x64xi32, #tpu.memory_space<vmem>>
    %dma_start3A_122 = tpu.memref_squeeze %dma_start3A_121 : memref<1x64xi32, #tpu.memory_space<vmem>> -> memref<64xi32, #tpu.memory_space<vmem>>
    %dma_start3A_123 = arith.constant 0 : i32
    %dma_start3A_124 = arith.constant 0 : i32
    %dma_start3A_125 = tpu.memref_slice %arg4[%dma_start3A_123, %dma_start3A_124] : memref<25000x128xf32, #tpu.memory_space<hbm>> -> memref<25000x128xf32, #tpu.memory_space<hbm>>
    %dma_start3A_126 = tpu.memref_slice %arg23[%dma_start3A_115] : memref<2x!tpu.dma_semaphore, #tpu.memory_space<semaphore_mem>> -> memref<1x!tpu.dma_semaphore, #tpu.memory_space<semaphore_mem>>
    %dma_start3A_127 = tpu.memref_squeeze %dma_start3A_126 : memref<1x!tpu.dma_semaphore, #tpu.memory_space<semaphore_mem>> -> memref<!tpu.dma_semaphore, #tpu.memory_space<semaphore_mem>>
    tpu.enqueue_indirect_dma source(%dma_start3A_125 : memref<25000x128xf32, #tpu.memory_space<hbm>>) target(%dma_start3A_119 : memref<64x128xf32, #tpu.memory_space<vmem>>) offsets(%dma_start3A_122 : memref<64xi32, #tpu.memory_space<vmem>>) semaphore(%dma_start3A_127 : memref<!tpu.dma_semaphore, #tpu.memory_space<semaphore_mem>>)
    %dma_start3A_128 = arith.constant 0 : i32
    %dma_start3A_129 = arith.constant 0 : i32
    %dma_start3A_130 = arith.constant 0 : i32
    %dma_start3A_131 = arith.constant 0 : i32
    %dma_start3A_132 = arith.constant 0 : i32
    %dma_start3A_133 = tpu.memref_slice %arg18[%dma_start3A_129, %dma_start3A_131, %dma_start3A_132] : memref<2x64x128xf32, #tpu.memory_space<vmem>> -> memref<1x64x128xf32, #tpu.memory_space<vmem>>
    %dma_start3A_134 = tpu.memref_squeeze %dma_start3A_133 : memref<1x64x128xf32, #tpu.memory_space<vmem>> -> memref<64x128xf32, #tpu.memory_space<vmem>>
    %dma_start3A_135 = arith.constant 0 : i32
    %dma_start3A_136 = tpu.memref_slice %arg16[%dma_start3A_128, %dma_start3A_135] : memref<2x64xi32, #tpu.memory_space<vmem>> -> memref<1x64xi32, #tpu.memory_space<vmem>>
    %dma_start3A_137 = tpu.memref_squeeze %dma_start3A_136 : memref<1x64xi32, #tpu.memory_space<vmem>> -> memref<64xi32, #tpu.memory_space<vmem>>
    %dma_start3A_138 = arith.constant 0 : i32
    %dma_start3A_139 = arith.constant 0 : i32
    %dma_start3A_140 = tpu.memref_slice %arg5[%dma_start3A_138, %dma_start3A_139] : memref<25000x128xf32, #tpu.memory_space<hbm>> -> memref<25000x128xf32, #tpu.memory_space<hbm>>
    %dma_start3A_141 = tpu.memref_slice %arg23[%dma_start3A_130] : memref<2x!tpu.dma_semaphore, #tpu.memory_space<semaphore_mem>> -> memref<1x!tpu.dma_semaphore, #tpu.memory_space<semaphore_mem>>
    %dma_start3A_142 = tpu.memref_squeeze %dma_start3A_141 : memref<1x!tpu.dma_semaphore, #tpu.memory_space<semaphore_mem>> -> memref<!tpu.dma_semaphore, #tpu.memory_space<semaphore_mem>>
    tpu.enqueue_indirect_dma source(%dma_start3A_140 : memref<25000x128xf32, #tpu.memory_space<hbm>>) target(%dma_start3A_134 : memref<64x128xf32, #tpu.memory_space<vmem>>) offsets(%dma_start3A_137 : memref<64xi32, #tpu.memory_space<vmem>>) semaphore(%dma_start3A_142 : memref<!tpu.dma_semaphore, #tpu.memory_space<semaphore_mem>>)
    %dma_start3A_143 = arith.constant 0 : i32
    %dma_start3A_144 = arith.constant 0 : i32
    %dma_start3A_145 = arith.constant 0 : i32
    %dma_start3A_146 = tpu.memref_slice %arg19[%dma_start3A_143, %dma_start3A_145] : memref<2x64xf32, #tpu.memory_space<vmem>> -> memref<1x64xf32, #tpu.memory_space<vmem>>
    %dma_start3A_147 = tpu.memref_squeeze %dma_start3A_146 : memref<1x64xf32, #tpu.memory_space<vmem>> -> memref<64xf32, #tpu.memory_space<vmem>>
    %dma_start3A_148 = arith.constant 0 : i32
    %dma_start3A_149 = tpu.memref_slice %arg13[%dma_start3A_148] : memref<512xi32, #tpu.memory_space<vmem>> -> memref<64xi32, #tpu.memory_space<vmem>>
    %dma_start3A_150 = arith.constant 0 : i32
    %dma_start3A_151 = tpu.memref_slice %arg6[%dma_start3A_150] : memref<100000xf32, #tpu.memory_space<hbm>> -> memref<100000xf32, #tpu.memory_space<hbm>>
    %dma_start3A_152 = tpu.memref_slice %arg23[%dma_start3A_144] : memref<2x!tpu.dma_semaphore, #tpu.memory_space<semaphore_mem>> -> memref<1x!tpu.dma_semaphore, #tpu.memory_space<semaphore_mem>>
    %dma_start3A_153 = tpu.memref_squeeze %dma_start3A_152 : memref<1x!tpu.dma_semaphore, #tpu.memory_space<semaphore_mem>> -> memref<!tpu.dma_semaphore, #tpu.memory_space<semaphore_mem>>
    tpu.enqueue_indirect_dma source(%dma_start3A_151 : memref<100000xf32, #tpu.memory_space<hbm>>) target(%dma_start3A_147 : memref<64xf32, #tpu.memory_space<vmem>>) offsets(%dma_start3A_149 : memref<64xi32, #tpu.memory_space<vmem>>) semaphore(%dma_start3A_153 : memref<!tpu.dma_semaphore, #tpu.memory_space<semaphore_mem>>)
    %dma_start3A_154 = arith.constant 0 : i32
    %dma_start3A_155 = arith.constant 0 : i32
    %dma_start3A_156 = arith.constant 0 : i32
    %dma_start3A_157 = tpu.memref_slice %arg20[%dma_start3A_154, %dma_start3A_156] : memref<2x64xf32, #tpu.memory_space<vmem>> -> memref<1x64xf32, #tpu.memory_space<vmem>>
    %dma_start3A_158 = tpu.memref_squeeze %dma_start3A_157 : memref<1x64xf32, #tpu.memory_space<vmem>> -> memref<64xf32, #tpu.memory_space<vmem>>
    %dma_start3A_159 = arith.constant 0 : i32
    %dma_start3A_160 = tpu.memref_slice %arg14[%dma_start3A_159] : memref<512xi32, #tpu.memory_space<vmem>> -> memref<64xi32, #tpu.memory_space<vmem>>
    %dma_start3A_161 = arith.constant 0 : i32
    %dma_start3A_162 = tpu.memref_slice %arg7[%dma_start3A_161] : memref<100000xf32, #tpu.memory_space<hbm>> -> memref<100000xf32, #tpu.memory_space<hbm>>
    %dma_start3A_163 = tpu.memref_slice %arg23[%dma_start3A_155] : memref<2x!tpu.dma_semaphore, #tpu.memory_space<semaphore_mem>> -> memref<1x!tpu.dma_semaphore, #tpu.memory_space<semaphore_mem>>
    %dma_start3A_164 = tpu.memref_squeeze %dma_start3A_163 : memref<1x!tpu.dma_semaphore, #tpu.memory_space<semaphore_mem>> -> memref<!tpu.dma_semaphore, #tpu.memory_space<semaphore_mem>>
    tpu.enqueue_indirect_dma source(%dma_start3A_162 : memref<100000xf32, #tpu.memory_space<hbm>>) target(%dma_start3A_158 : memref<64xf32, #tpu.memory_space<vmem>>) offsets(%dma_start3A_160 : memref<64xi32, #tpu.memory_space<vmem>>) semaphore(%dma_start3A_164 : memref<!tpu.dma_semaphore, #tpu.memory_space<semaphore_mem>>)
    %scan3A_165 = arith.constant 0 : i32
    %scan3A_166 = arith.constant 0 : i32
    %scan3A_167 = arith.constant 8 : i32
    %scan3A_168 = arith.addi %scan3A_166, %scan3A_167 : i32
    %scan3A_169 = arith.constant 1 : i32
    scf.for %scan3A_171 = %scan3A_166 to %scan3A_168 step %scan3A_169  : i32 {
      %rem3A = arith.constant 2 : i32
      %rem3A_172 = arith.remsi %scan3A_171, %rem3A : i32
      %sub3A = arith.constant 1 : i32
      %sub3A_173 = arith.subi %sub3A, %rem3A_172 : i32
      %lt3A = arith.constant 7 : i32
      %lt3A_174 = arith.cmpi slt, %scan3A_171, %lt3A : i32
      %convert_element_type3A = arith.extui %lt3A_174 : i1 to i32
      %cond3A = arith.constant 0 : i32
      %cond3A_175 = arith.cmpi ne, %convert_element_type3A, %cond3A : i32
      scf.if %cond3A_175 {
        %add3A_294 = arith.constant 1 : i32
        %add3A_295 = arith.addi %scan3A_171, %add3A_294 : i32
        %mul3A_296 = arith.constant 64 : i32
        %mul3A_297 = arith.muli %add3A_295, %mul3A_296 : i32
        %add3A_298 = arith.constant 0 : i32
        %add3A_299 = arith.addi %mul3A_297, %add3A_298 : i32
        %get3A_300 = arith.index_cast %add3A_299 : i32 to index
        %get3A_301 = tpu.vector_load %arg13[%get3A_300] {strides = array<i32>} : memref<512xi32, #tpu.memory_space<vmem>>, vector<16xi32>,
        %shift_right_logical3A_302 = arith.constant 2 : i32
        %shift_right_logical3A_303 = vector.broadcast %shift_right_logical3A_302 : i32 to vector<16xi32>
        %shift_right_logical3A_304 = arith.shrui %get3A_301, %shift_right_logical3A_303 : vector<16xi32>
        %swap3A_305 = arith.index_cast %sub3A_173 : i32 to index
        %swap3A_306 = arith.constant 0 : index
        %swap3A_307 = tpu.vector_load %arg15[%swap3A_305, %swap3A_306] {strides = array<i32>} : memref<2x64xi32, #tpu.memory_space<vmem>>, vector<16xi32>,
        tpu.vector_store %arg15[%swap3A_305, %swap3A_306], %shift_right_logical3A_304 {strides = array<i32>} : memref<2x64xi32, #tpu.memory_space<vmem>>, vector<16xi32>,
        %mul3A_308 = arith.constant 64 : i32
        %mul3A_309 = arith.muli %add3A_295, %mul3A_308 : i32
        %add3A_310 = arith.constant 0 : i32
        %add3A_311 = arith.addi %mul3A_309, %add3A_310 : i32
        %get3A_312 = arith.index_cast %add3A_311 : i32 to index
        %get3A_313 = tpu.vector_load %arg14[%get3A_312] {strides = array<i32>} : memref<512xi32, #tpu.memory_space<vmem>>, vector<16xi32>,
        %shift_right_logical3A_314 = arith.constant 2 : i32
        %shift_right_logical3A_315 = vector.broadcast %shift_right_logical3A_314 : i32 to vector<16xi32>
        %shift_right_logical3A_316 = arith.shrui %get3A_313, %shift_right_logical3A_315 : vector<16xi32>
        %swap3A_317 = arith.index_cast %sub3A_173 : i32 to index
        %swap3A_318 = arith.constant 0 : index
        %swap3A_319 = tpu.vector_load %arg16[%swap3A_317, %swap3A_318] {strides = array<i32>} : memref<2x64xi32, #tpu.memory_space<vmem>>, vector<16xi32>,
        tpu.vector_store %arg16[%swap3A_317, %swap3A_318], %shift_right_logical3A_316 {strides = array<i32>} : memref<2x64xi32, #tpu.memory_space<vmem>>, vector<16xi32>,
        %mul3A_320 = arith.constant 64 : i32
        %mul3A_321 = arith.muli %add3A_295, %mul3A_320 : i32
        %add3A_322 = arith.constant 16 : i32
        %add3A_323 = arith.addi %mul3A_321, %add3A_322 : i32
        %get3A_324 = arith.index_cast %add3A_323 : i32 to index
        %get3A_325 = tpu.vector_load %arg13[%get3A_324] {strides = array<i32>} : memref<512xi32, #tpu.memory_space<vmem>>, vector<16xi32>,
        %shift_right_logical3A_326 = arith.constant 2 : i32
        %shift_right_logical3A_327 = vector.broadcast %shift_right_logical3A_326 : i32 to vector<16xi32>
        %shift_right_logical3A_328 = arith.shrui %get3A_325, %shift_right_logical3A_327 : vector<16xi32>
        %swap3A_329 = arith.index_cast %sub3A_173 : i32 to index
        %swap3A_330 = arith.constant 16 : index
        %swap3A_331 = tpu.vector_load %arg15[%swap3A_329, %swap3A_330] {strides = array<i32>} : memref<2x64xi32, #tpu.memory_space<vmem>>, vector<16xi32>,
        tpu.vector_store %arg15[%swap3A_329, %swap3A_330], %shift_right_logical3A_328 {strides = array<i32>} : memref<2x64xi32, #tpu.memory_space<vmem>>, vector<16xi32>,
        %mul3A_332 = arith.constant 64 : i32
        %mul3A_333 = arith.muli %add3A_295, %mul3A_332 : i32
        %add3A_334 = arith.constant 16 : i32
        %add3A_335 = arith.addi %mul3A_333, %add3A_334 : i32
        %get3A_336 = arith.index_cast %add3A_335 : i32 to index
        %get3A_337 = tpu.vector_load %arg14[%get3A_336] {strides = array<i32>} : memref<512xi32, #tpu.memory_space<vmem>>, vector<16xi32>,
        %shift_right_logical3A_338 = arith.constant 2 : i32
        %shift_right_logical3A_339 = vector.broadcast %shift_right_logical3A_338 : i32 to vector<16xi32>
        %shift_right_logical3A_340 = arith.shrui %get3A_337, %shift_right_logical3A_339 : vector<16xi32>
        %swap3A_341 = arith.index_cast %sub3A_173 : i32 to index
        %swap3A_342 = arith.constant 16 : index
        %swap3A_343 = tpu.vector_load %arg16[%swap3A_341, %swap3A_342] {strides = array<i32>} : memref<2x64xi32, #tpu.memory_space<vmem>>, vector<16xi32>,
        tpu.vector_store %arg16[%swap3A_341, %swap3A_342], %shift_right_logical3A_340 {strides = array<i32>} : memref<2x64xi32, #tpu.memory_space<vmem>>, vector<16xi32>,
        %mul3A_344 = arith.constant 64 : i32
        %mul3A_345 = arith.muli %add3A_295, %mul3A_344 : i32
        %add3A_346 = arith.constant 32 : i32
        %add3A_347 = arith.addi %mul3A_345, %add3A_346 : i32
        %get3A_348 = arith.index_cast %add3A_347 : i32 to index
        %get3A_349 = tpu.vector_load %arg13[%get3A_348] {strides = array<i32>} : memref<512xi32, #tpu.memory_space<vmem>>, vector<16xi32>,
        %shift_right_logical3A_350 = arith.constant 2 : i32
        %shift_right_logical3A_351 = vector.broadcast %shift_right_logical3A_350 : i32 to vector<16xi32>
        %shift_right_logical3A_352 = arith.shrui %get3A_349, %shift_right_logical3A_351 : vector<16xi32>
        %swap3A_353 = arith.index_cast %sub3A_173 : i32 to index
        %swap3A_354 = arith.constant 32 : index
        %swap3A_355 = tpu.vector_load %arg15[%swap3A_353, %swap3A_354] {strides = array<i32>} : memref<2x64xi32, #tpu.memory_space<vmem>>, vector<16xi32>,
        tpu.vector_store %arg15[%swap3A_353, %swap3A_354], %shift_right_logical3A_352 {strides = array<i32>} : memref<2x64xi32, #tpu.memory_space<vmem>>, vector<16xi32>,
        %mul3A_356 = arith.constant 64 : i32
        %mul3A_357 = arith.muli %add3A_295, %mul3A_356 : i32
        %add3A_358 = arith.constant 32 : i32
        %add3A_359 = arith.addi %mul3A_357, %add3A_358 : i32
        %get3A_360 = arith.index_cast %add3A_359 : i32 to index
        %get3A_361 = tpu.vector_load %arg14[%get3A_360] {strides = array<i32>} : memref<512xi32, #tpu.memory_space<vmem>>, vector<16xi32>,
        %shift_right_logical3A_362 = arith.constant 2 : i32
        %shift_right_logical3A_363 = vector.broadcast %shift_right_logical3A_362 : i32 to vector<16xi32>
        %shift_right_logical3A_364 = arith.shrui %get3A_361, %shift_right_logical3A_363 : vector<16xi32>
        %swap3A_365 = arith.index_cast %sub3A_173 : i32 to index
        %swap3A_366 = arith.constant 32 : index
        %swap3A_367 = tpu.vector_load %arg16[%swap3A_365, %swap3A_366] {strides = array<i32>} : memref<2x64xi32, #tpu.memory_space<vmem>>, vector<16xi32>,
        tpu.vector_store %arg16[%swap3A_365, %swap3A_366], %shift_right_logical3A_364 {strides = array<i32>} : memref<2x64xi32, #tpu.memory_space<vmem>>, vector<16xi32>,
        %mul3A_368 = arith.constant 64 : i32
        %mul3A_369 = arith.muli %add3A_295, %mul3A_368 : i32
        %add3A_370 = arith.constant 48 : i32
        %add3A_371 = arith.addi %mul3A_369, %add3A_370 : i32
        %get3A_372 = arith.index_cast %add3A_371 : i32 to index
        %get3A_373 = tpu.vector_load %arg13[%get3A_372] {strides = array<i32>} : memref<512xi32, #tpu.memory_space<vmem>>, vector<16xi32>,
        %shift_right_logical3A_374 = arith.constant 2 : i32
        %shift_right_logical3A_375 = vector.broadcast %shift_right_logical3A_374 : i32 to vector<16xi32>
        %shift_right_logical3A_376 = arith.shrui %get3A_373, %shift_right_logical3A_375 : vector<16xi32>
        %swap3A_377 = arith.index_cast %sub3A_173 : i32 to index
        %swap3A_378 = arith.constant 48 : index
        %swap3A_379 = tpu.vector_load %arg15[%swap3A_377, %swap3A_378] {strides = array<i32>} : memref<2x64xi32, #tpu.memory_space<vmem>>, vector<16xi32>,
        tpu.vector_store %arg15[%swap3A_377, %swap3A_378], %shift_right_logical3A_376 {strides = array<i32>} : memref<2x64xi32, #tpu.memory_space<vmem>>, vector<16xi32>,
        %mul3A_380 = arith.constant 64 : i32
        %mul3A_381 = arith.muli %add3A_295, %mul3A_380 : i32
        %add3A_382 = arith.constant 48 : i32
        %add3A_383 = arith.addi %mul3A_381, %add3A_382 : i32
        %get3A_384 = arith.index_cast %add3A_383 : i32 to index
        %get3A_385 = tpu.vector_load %arg14[%get3A_384] {strides = array<i32>} : memref<512xi32, #tpu.memory_space<vmem>>, vector<16xi32>,
        %shift_right_logical3A_386 = arith.constant 2 : i32
        %shift_right_logical3A_387 = vector.broadcast %shift_right_logical3A_386 : i32 to vector<16xi32>
        %shift_right_logical3A_388 = arith.shrui %get3A_385, %shift_right_logical3A_387 : vector<16xi32>
        %swap3A_389 = arith.index_cast %sub3A_173 : i32 to index
        %swap3A_390 = arith.constant 48 : index
        %swap3A_391 = tpu.vector_load %arg16[%swap3A_389, %swap3A_390] {strides = array<i32>} : memref<2x64xi32, #tpu.memory_space<vmem>>, vector<16xi32>,
        tpu.vector_store %arg16[%swap3A_389, %swap3A_390], %shift_right_logical3A_388 {strides = array<i32>} : memref<2x64xi32, #tpu.memory_space<vmem>>, vector<16xi32>,
        %mul3A_392 = arith.constant 64 : i32
        %mul3A_393 = arith.muli %add3A_295, %mul3A_392 : i32
        %mul3A_394 = arith.constant 64 : i32
        %mul3A_395 = arith.muli %add3A_295, %mul3A_394 : i32
        %dma_start3A_396 = arith.constant 0 : i32
        %dma_start3A_397 = arith.constant 0 : i32
        %dma_start3A_398 = tpu.memref_slice %arg17[%sub3A_173, %dma_start3A_396, %dma_start3A_397] : memref<2x64x128xf32, #tpu.memory_space<vmem>> -> memref<1x64x128xf32, #tpu.memory_space<vmem>>
        %dma_start3A_399 = tpu.memref_squeeze %dma_start3A_398 : memref<1x64x128xf32, #tpu.memory_space<vmem>> -> memref<64x128xf32, #tpu.memory_space<vmem>>
        %dma_start3A_400 = arith.constant 0 : i32
        %dma_start3A_401 = tpu.memref_slice %arg15[%sub3A_173, %dma_start3A_400] : memref<2x64xi32, #tpu.memory_space<vmem>> -> memref<1x64xi32, #tpu.memory_space<vmem>>
        %dma_start3A_402 = tpu.memref_squeeze %dma_start3A_401 : memref<1x64xi32, #tpu.memory_space<vmem>> -> memref<64xi32, #tpu.memory_space<vmem>>
        %dma_start3A_403 = arith.constant 0 : i32
        %dma_start3A_404 = arith.constant 0 : i32
        %dma_start3A_405 = tpu.memref_slice %arg4[%dma_start3A_403, %dma_start3A_404] : memref<25000x128xf32, #tpu.memory_space<hbm>> -> memref<25000x128xf32, #tpu.memory_space<hbm>>
        %dma_start3A_406 = tpu.memref_slice %arg23[%sub3A_173] : memref<2x!tpu.dma_semaphore, #tpu.memory_space<semaphore_mem>> -> memref<1x!tpu.dma_semaphore, #tpu.memory_space<semaphore_mem>>
        %dma_start3A_407 = tpu.memref_squeeze %dma_start3A_406 : memref<1x!tpu.dma_semaphore, #tpu.memory_space<semaphore_mem>> -> memref<!tpu.dma_semaphore, #tpu.memory_space<semaphore_mem>>
        tpu.enqueue_indirect_dma source(%dma_start3A_405 : memref<25000x128xf32, #tpu.memory_space<hbm>>) target(%dma_start3A_399 : memref<64x128xf32, #tpu.memory_space<vmem>>) offsets(%dma_start3A_402 : memref<64xi32, #tpu.memory_space<vmem>>) semaphore(%dma_start3A_407 : memref<!tpu.dma_semaphore, #tpu.memory_space<semaphore_mem>>)
        %dma_start3A_408 = arith.constant 0 : i32
        %dma_start3A_409 = arith.constant 0 : i32
        %dma_start3A_410 = tpu.memref_slice %arg18[%sub3A_173, %dma_start3A_408, %dma_start3A_409] : memref<2x64x128xf32, #tpu.memory_space<vmem>> -> memref<1x64x128xf32, #tpu.memory_space<vmem>>
        %dma_start3A_411 = tpu.memref_squeeze %dma_start3A_410 : memref<1x64x128xf32, #tpu.memory_space<vmem>> -> memref<64x128xf32, #tpu.memory_space<vmem>>
        %dma_start3A_412 = arith.constant 0 : i32
        %dma_start3A_413 = tpu.memref_slice %arg16[%sub3A_173, %dma_start3A_412] : memref<2x64xi32, #tpu.memory_space<vmem>> -> memref<1x64xi32, #tpu.memory_space<vmem>>
        %dma_start3A_414 = tpu.memref_squeeze %dma_start3A_413 : memref<1x64xi32, #tpu.memory_space<vmem>> -> memref<64xi32, #tpu.memory_space<vmem>>
        %dma_start3A_415 = arith.constant 0 : i32
        %dma_start3A_416 = arith.constant 0 : i32
        %dma_start3A_417 = tpu.memref_slice %arg5[%dma_start3A_415, %dma_start3A_416] : memref<25000x128xf32, #tpu.memory_space<hbm>> -> memref<25000x128xf32, #tpu.memory_space<hbm>>
        %dma_start3A_418 = tpu.memref_slice %arg23[%sub3A_173] : memref<2x!tpu.dma_semaphore, #tpu.memory_space<semaphore_mem>> -> memref<1x!tpu.dma_semaphore, #tpu.memory_space<semaphore_mem>>
        %dma_start3A_419 = tpu.memref_squeeze %dma_start3A_418 : memref<1x!tpu.dma_semaphore, #tpu.memory_space<semaphore_mem>> -> memref<!tpu.dma_semaphore, #tpu.memory_space<semaphore_mem>>
        tpu.enqueue_indirect_dma source(%dma_start3A_417 : memref<25000x128xf32, #tpu.memory_space<hbm>>) target(%dma_start3A_411 : memref<64x128xf32, #tpu.memory_space<vmem>>) offsets(%dma_start3A_414 : memref<64xi32, #tpu.memory_space<vmem>>) semaphore(%dma_start3A_419 : memref<!tpu.dma_semaphore, #tpu.memory_space<semaphore_mem>>)
        %dma_start3A_420 = arith.constant 0 : i32
        %dma_start3A_421 = tpu.memref_slice %arg19[%sub3A_173, %dma_start3A_420] : memref<2x64xf32, #tpu.memory_space<vmem>> -> memref<1x64xf32, #tpu.memory_space<vmem>>
        %dma_start3A_422 = tpu.memref_squeeze %dma_start3A_421 : memref<1x64xf32, #tpu.memory_space<vmem>> -> memref<64xf32, #tpu.memory_space<vmem>>
        %dma_start3A_423 = tpu.memref_slice %arg13[%mul3A_393] : memref<512xi32, #tpu.memory_space<vmem>> -> memref<64xi32, #tpu.memory_space<vmem>>
        %dma_start3A_424 = arith.constant 0 : i32
        %dma_start3A_425 = tpu.memref_slice %arg6[%dma_start3A_424] : memref<100000xf32, #tpu.memory_space<hbm>> -> memref<100000xf32, #tpu.memory_space<hbm>>
        %dma_start3A_426 = tpu.memref_slice %arg23[%sub3A_173] : memref<2x!tpu.dma_semaphore, #tpu.memory_space<semaphore_mem>> -> memref<1x!tpu.dma_semaphore, #tpu.memory_space<semaphore_mem>>
        %dma_start3A_427 = tpu.memref_squeeze %dma_start3A_426 : memref<1x!tpu.dma_semaphore, #tpu.memory_space<semaphore_mem>> -> memref<!tpu.dma_semaphore, #tpu.memory_space<semaphore_mem>>
        tpu.enqueue_indirect_dma source(%dma_start3A_425 : memref<100000xf32, #tpu.memory_space<hbm>>) target(%dma_start3A_422 : memref<64xf32, #tpu.memory_space<vmem>>) offsets(%dma_start3A_423 : memref<64xi32, #tpu.memory_space<vmem>>) semaphore(%dma_start3A_427 : memref<!tpu.dma_semaphore, #tpu.memory_space<semaphore_mem>>)
        %dma_start3A_428 = arith.constant 0 : i32
        %dma_start3A_429 = tpu.memref_slice %arg20[%sub3A_173, %dma_start3A_428] : memref<2x64xf32, #tpu.memory_space<vmem>> -> memref<1x64xf32, #tpu.memory_space<vmem>>
        %dma_start3A_430 = tpu.memref_squeeze %dma_start3A_429 : memref<1x64xf32, #tpu.memory_space<vmem>> -> memref<64xf32, #tpu.memory_space<vmem>>
        %dma_start3A_431 = tpu.memref_slice %arg14[%mul3A_395] : memref<512xi32, #tpu.memory_space<vmem>> -> memref<64xi32, #tpu.memory_space<vmem>>
        %dma_start3A_432 = arith.constant 0 : i32
        %dma_start3A_433 = tpu.memref_slice %arg7[%dma_start3A_432] : memref<100000xf32, #tpu.memory_space<hbm>> -> memref<100000xf32, #tpu.memory_space<hbm>>
        %dma_start3A_434 = tpu.memref_slice %arg23[%sub3A_173] : memref<2x!tpu.dma_semaphore, #tpu.memory_space<semaphore_mem>> -> memref<1x!tpu.dma_semaphore, #tpu.memory_space<semaphore_mem>>
        %dma_start3A_435 = tpu.memref_squeeze %dma_start3A_434 : memref<1x!tpu.dma_semaphore, #tpu.memory_space<semaphore_mem>> -> memref<!tpu.dma_semaphore, #tpu.memory_space<semaphore_mem>>
        tpu.enqueue_indirect_dma source(%dma_start3A_433 : memref<100000xf32, #tpu.memory_space<hbm>>) target(%dma_start3A_430 : memref<64xf32, #tpu.memory_space<vmem>>) offsets(%dma_start3A_431 : memref<64xi32, #tpu.memory_space<vmem>>) semaphore(%dma_start3A_435 : memref<!tpu.dma_semaphore, #tpu.memory_space<semaphore_mem>>)
      } else {
      }
      %mul3A_176 = arith.constant 64 : i32
      %mul3A_177 = arith.muli %scan3A_171, %mul3A_176 : i32
      %mul3A_178 = arith.constant 64 : i32
      %mul3A_179 = arith.muli %scan3A_171, %mul3A_178 : i32
      %dma_wait3A_180 = arith.constant 0 : i32
      %dma_wait3A_181 = arith.constant 0 : i32
      %dma_wait3A_182 = tpu.memref_slice %arg17[%rem3A_172, %dma_wait3A_180, %dma_wait3A_181] : memref<2x64x128xf32, #tpu.memory_space<vmem>> -> memref<1x64x128xf32, #tpu.memory_space<vmem>>
      %dma_wait3A_183 = tpu.memref_squeeze %dma_wait3A_182 : memref<1x64x128xf32, #tpu.memory_space<vmem>> -> memref<64x128xf32, #tpu.memory_space<vmem>>
      %dma_wait3A_184 = arith.constant 0 : i32
      %dma_wait3A_185 = tpu.memref_slice %arg15[%rem3A_172, %dma_wait3A_184] : memref<2x64xi32, #tpu.memory_space<vmem>> -> memref<1x64xi32, #tpu.memory_space<vmem>>
      %dma_wait3A_186 = tpu.memref_squeeze %dma_wait3A_185 : memref<1x64xi32, #tpu.memory_space<vmem>> -> memref<64xi32, #tpu.memory_space<vmem>>
      %dma_wait3A_187 = arith.constant 0 : i32
      %dma_wait3A_188 = arith.constant 0 : i32
      %dma_wait3A_189 = tpu.memref_slice %arg4[%dma_wait3A_187, %dma_wait3A_188] : memref<25000x128xf32, #tpu.memory_space<hbm>> -> memref<25000x128xf32, #tpu.memory_space<hbm>>
      %dma_wait3A_190 = tpu.memref_slice %arg23[%rem3A_172] : memref<2x!tpu.dma_semaphore, #tpu.memory_space<semaphore_mem>> -> memref<1x!tpu.dma_semaphore, #tpu.memory_space<semaphore_mem>>
      %dma_wait3A_191 = tpu.memref_squeeze %dma_wait3A_190 : memref<1x!tpu.dma_semaphore, #tpu.memory_space<semaphore_mem>> -> memref<!tpu.dma_semaphore, #tpu.memory_space<semaphore_mem>>
      tpu.wait_indirect_dma semaphore(%dma_wait3A_191 : memref<!tpu.dma_semaphore, #tpu.memory_space<semaphore_mem>>) src(%dma_wait3A_189 : memref<25000x128xf32, #tpu.memory_space<hbm>>) dst(%dma_wait3A_183 : memref<64x128xf32, #tpu.memory_space<vmem>>)
      %dma_wait3A_192 = arith.constant 0 : i32
      %dma_wait3A_193 = arith.constant 0 : i32
      %dma_wait3A_194 = tpu.memref_slice %arg18[%rem3A_172, %dma_wait3A_192, %dma_wait3A_193] : memref<2x64x128xf32, #tpu.memory_space<vmem>> -> memref<1x64x128xf32, #tpu.memory_space<vmem>>
      %dma_wait3A_195 = tpu.memref_squeeze %dma_wait3A_194 : memref<1x64x128xf32, #tpu.memory_space<vmem>> -> memref<64x128xf32, #tpu.memory_space<vmem>>
      %dma_wait3A_196 = arith.constant 0 : i32
      %dma_wait3A_197 = tpu.memref_slice %arg16[%rem3A_172, %dma_wait3A_196] : memref<2x64xi32, #tpu.memory_space<vmem>> -> memref<1x64xi32, #tpu.memory_space<vmem>>
      %dma_wait3A_198 = tpu.memref_squeeze %dma_wait3A_197 : memref<1x64xi32, #tpu.memory_space<vmem>> -> memref<64xi32, #tpu.memory_space<vmem>>
      %dma_wait3A_199 = arith.constant 0 : i32
      %dma_wait3A_200 = arith.constant 0 : i32
      %dma_wait3A_201 = tpu.memref_slice %arg5[%dma_wait3A_199, %dma_wait3A_200] : memref<25000x128xf32, #tpu.memory_space<hbm>> -> memref<25000x128xf32, #tpu.memory_space<hbm>>
      %dma_wait3A_202 = tpu.memref_slice %arg23[%rem3A_172] : memref<2x!tpu.dma_semaphore, #tpu.memory_space<semaphore_mem>> -> memref<1x!tpu.dma_semaphore, #tpu.memory_space<semaphore_mem>>
      %dma_wait3A_203 = tpu.memref_squeeze %dma_wait3A_202 : memref<1x!tpu.dma_semaphore, #tpu.memory_space<semaphore_mem>> -> memref<!tpu.dma_semaphore, #tpu.memory_space<semaphore_mem>>
      tpu.wait_indirect_dma semaphore(%dma_wait3A_203 : memref<!tpu.dma_semaphore, #tpu.memory_space<semaphore_mem>>) src(%dma_wait3A_201 : memref<25000x128xf32, #tpu.memory_space<hbm>>) dst(%dma_wait3A_195 : memref<64x128xf32, #tpu.memory_space<vmem>>)
      %dma_wait3A_204 = arith.constant 0 : i32
      %dma_wait3A_205 = tpu.memref_slice %arg19[%rem3A_172, %dma_wait3A_204] : memref<2x64xf32, #tpu.memory_space<vmem>> -> memref<1x64xf32, #tpu.memory_space<vmem>>
      %dma_wait3A_206 = tpu.memref_squeeze %dma_wait3A_205 : memref<1x64xf32, #tpu.memory_space<vmem>> -> memref<64xf32, #tpu.memory_space<vmem>>
      %dma_wait3A_207 = tpu.memref_slice %arg13[%mul3A_177] : memref<512xi32, #tpu.memory_space<vmem>> -> memref<64xi32, #tpu.memory_space<vmem>>
      %dma_wait3A_208 = arith.constant 0 : i32
      %dma_wait3A_209 = tpu.memref_slice %arg6[%dma_wait3A_208] : memref<100000xf32, #tpu.memory_space<hbm>> -> memref<100000xf32, #tpu.memory_space<hbm>>
      %dma_wait3A_210 = tpu.memref_slice %arg23[%rem3A_172] : memref<2x!tpu.dma_semaphore, #tpu.memory_space<semaphore_mem>> -> memref<1x!tpu.dma_semaphore, #tpu.memory_space<semaphore_mem>>
      %dma_wait3A_211 = tpu.memref_squeeze %dma_wait3A_210 : memref<1x!tpu.dma_semaphore, #tpu.memory_space<semaphore_mem>> -> memref<!tpu.dma_semaphore, #tpu.memory_space<semaphore_mem>>
      tpu.wait_indirect_dma semaphore(%dma_wait3A_211 : memref<!tpu.dma_semaphore, #tpu.memory_space<semaphore_mem>>) src(%dma_wait3A_209 : memref<100000xf32, #tpu.memory_space<hbm>>) dst(%dma_wait3A_206 : memref<64xf32, #tpu.memory_space<vmem>>)
      %dma_wait3A_212 = arith.constant 0 : i32
      %dma_wait3A_213 = tpu.memref_slice %arg20[%rem3A_172, %dma_wait3A_212] : memref<2x64xf32, #tpu.memory_space<vmem>> -> memref<1x64xf32, #tpu.memory_space<vmem>>
      %dma_wait3A_214 = tpu.memref_squeeze %dma_wait3A_213 : memref<1x64xf32, #tpu.memory_space<vmem>> -> memref<64xf32, #tpu.memory_space<vmem>>
      %dma_wait3A_215 = tpu.memref_slice %arg14[%mul3A_179] : memref<512xi32, #tpu.memory_space<vmem>> -> memref<64xi32, #tpu.memory_space<vmem>>
      %dma_wait3A_216 = arith.constant 0 : i32
      %dma_wait3A_217 = tpu.memref_slice %arg7[%dma_wait3A_216] : memref<100000xf32, #tpu.memory_space<hbm>> -> memref<100000xf32, #tpu.memory_space<hbm>>
      %dma_wait3A_218 = tpu.memref_slice %arg23[%rem3A_172] : memref<2x!tpu.dma_semaphore, #tpu.memory_space<semaphore_mem>> -> memref<1x!tpu.dma_semaphore, #tpu.memory_space<semaphore_mem>>
      %dma_wait3A_219 = tpu.memref_squeeze %dma_wait3A_218 : memref<1x!tpu.dma_semaphore, #tpu.memory_space<semaphore_mem>> -> memref<!tpu.dma_semaphore, #tpu.memory_space<semaphore_mem>>
      tpu.wait_indirect_dma semaphore(%dma_wait3A_219 : memref<!tpu.dma_semaphore, #tpu.memory_space<semaphore_mem>>) src(%dma_wait3A_217 : memref<100000xf32, #tpu.memory_space<hbm>>) dst(%dma_wait3A_214 : memref<64xf32, #tpu.memory_space<vmem>>)
      %scan3A_220 = arith.constant 0 : i32
      %scan3A_221 = arith.constant 0 : i32
      %scan3A_222 = arith.constant 64 : i32
      %scan3A_223 = arith.addi %scan3A_221, %scan3A_222 : i32
      %scan3A_224 = arith.constant 1 : i32
      scf.for %scan3A_294 = %scan3A_221 to %scan3A_223 step %scan3A_224  : i32 {
        %mul3A_295 = arith.constant 64 : i32
        %mul3A_296 = arith.muli %scan3A_171, %mul3A_295 : i32
        %add3A_297 = arith.addi %mul3A_296, %scan3A_294 : i32
        %rem3A_298 = arith.constant 16 : i32
        %rem3A_299 = arith.remsi %scan3A_294, %rem3A_298 : i32
        %sub3A_300 = arith.subi %add3A_297, %rem3A_299 : i32
        %rem3A_301 = arith.constant 16 : i32
        %rem3A_302 = arith.remsi %scan3A_294, %rem3A_301 : i32
        %broadcast_in_dim3A_303 = vector.broadcast %rem3A_302 : i32 to vector<16xi32>
        %get3A_304 = arith.index_cast %sub3A_300 : i32 to index
        %get3A_305 = tpu.vector_load %arg13[%get3A_304] {strides = array<i32>} : memref<512xi32, #tpu.memory_space<vmem>>, vector<16xi32>,
        %broadcast_in_dim3A_306 = vector.shape_cast %broadcast_in_dim3A_303 : vector<16xi32> to vector<16x1xi32>
        %gather3A = vector.shape_cast %broadcast_in_dim3A_306 : vector<16x1xi32> to vector<16xi32>
        %gather3A_307 = tpu.dynamic_gather %get3A_305[%gather3A] in [0] : vector<16xi32>, vector<16xi32> -> vector<16xi32>
        %get3A_308 = arith.index_cast %sub3A_300 : i32 to index
        %get3A_309 = tpu.vector_load %arg14[%get3A_308] {strides = array<i32>} : memref<512xi32, #tpu.memory_space<vmem>>, vector<16xi32>,
        %broadcast_in_dim3A_310 = vector.shape_cast %broadcast_in_dim3A_303 : vector<16xi32> to vector<16x1xi32>
        %gather3A_311 = vector.shape_cast %broadcast_in_dim3A_310 : vector<16x1xi32> to vector<16xi32>
        %gather3A_312 = tpu.dynamic_gather %get3A_309[%gather3A_311] in [0] : vector<16xi32>, vector<16xi32> -> vector<16xi32>
        %and3A = arith.constant 3 : i32
        %and3A_313 = vector.broadcast %and3A : i32 to vector<16xi32>
        %and3A_314 = arith.andi %gather3A_307, %and3A_313 : vector<16xi32>
        %mul3A_315 = arith.constant 32 : i32
        %mul3A_316 = vector.broadcast %mul3A_315 : i32 to vector<16xi32>
        %mul3A_317 = arith.muli %and3A_314, %mul3A_316 : vector<16xi32>
        %add3A_318 = arith.addi %mul3A_317, %iota3A : vector<16xi32>
        %and3A_319 = arith.constant 3 : i32
        %and3A_320 = vector.broadcast %and3A_319 : i32 to vector<16xi32>
        %and3A_321 = arith.andi %gather3A_312, %and3A_320 : vector<16xi32>
        %mul3A_322 = arith.constant 32 : i32
        %mul3A_323 = vector.broadcast %mul3A_322 : i32 to vector<16xi32>
        %mul3A_324 = arith.muli %and3A_321, %mul3A_323 : vector<16xi32>
        %add3A_325 = arith.addi %mul3A_324, %iota3A : vector<16xi32>
        %broadcast_in_dim3A_326 = vector.broadcast %scan3A_294 : i32 to vector<16xi32>
        %broadcast_in_dim3A_327 = vector.broadcast %rem3A_172 : i32 to vector<16xi32>
        %gather3A_328 = tpu.vector_load_idx %arg17[%broadcast_in_dim3A_327, %broadcast_in_dim3A_326, %add3A_318] : memref<2x64x128xf32, #tpu.memory_space<vmem>>[vector<16xi32>, vector<16xi32>, vector<16xi32>], vector<16xf32>,
        %gather3A_329 = tpu.vector_load_idx %arg18[%broadcast_in_dim3A_327, %broadcast_in_dim3A_326, %add3A_325] : memref<2x64x128xf32, #tpu.memory_space<vmem>>[vector<16xi32>, vector<16xi32>, vector<16xi32>], vector<16xf32>,
        %add3A_330 = arith.constant 16 : i32
        %add3A_331 = vector.broadcast %add3A_330 : i32 to vector<16xi32>
        %add3A_332 = arith.addi %add3A_318, %add3A_331 : vector<16xi32>
        %gather3A_333 = tpu.vector_load_idx %arg17[%broadcast_in_dim3A_327, %broadcast_in_dim3A_326, %add3A_332] : memref<2x64x128xf32, #tpu.memory_space<vmem>>[vector<16xi32>, vector<16xi32>, vector<16xi32>], vector<16xf32>,
        %add3A_334 = arith.constant 16 : i32
        %add3A_335 = vector.broadcast %add3A_334 : i32 to vector<16xi32>
        %add3A_336 = arith.addi %add3A_325, %add3A_335 : vector<16xi32>
        %gather3A_337 = tpu.vector_load_idx %arg18[%broadcast_in_dim3A_327, %broadcast_in_dim3A_326, %add3A_336] : memref<2x64x128xf32, #tpu.memory_space<vmem>>[vector<16xi32>, vector<16xi32>, vector<16xi32>], vector<16xf32>,
        %mul3A_338 = arith.mulf %gather3A_328, %gather3A_329 : vector<16xf32>
        %mul3A_339 = arith.mulf %gather3A_333, %gather3A_337 : vector<16xf32>
        %add3A_340 = arith.addf %mul3A_338, %mul3A_339 : vector<16xf32>
        %xor3A = arith.constant 8 : i32
        %xor3A_341 = vector.broadcast %xor3A : i32 to vector<16xi32>
        %xor3A_342 = arith.xori %iota3A, %xor3A_341 : vector<16xi32>
        %broadcast_in_dim3A_343 = vector.shape_cast %xor3A_342 : vector<16xi32> to vector<16x1xi32>
        %gather3A_344 = vector.shape_cast %broadcast_in_dim3A_343 : vector<16x1xi32> to vector<16xi32>
        %gather3A_345 = tpu.dynamic_gather %add3A_340[%gather3A_344] in [0] : vector<16xf32>, vector<16xi32> -> vector<16xf32>
        %add3A_346 = arith.addf %add3A_340, %gather3A_345 : vector<16xf32>
        %xor3A_347 = arith.constant 4 : i32
        %xor3A_348 = vector.broadcast %xor3A_347 : i32 to vector<16xi32>
        %xor3A_349 = arith.xori %iota3A, %xor3A_348 : vector<16xi32>
        %broadcast_in_dim3A_350 = vector.shape_cast %xor3A_349 : vector<16xi32> to vector<16x1xi32>
        %gather3A_351 = vector.shape_cast %broadcast_in_dim3A_350 : vector<16x1xi32> to vector<16xi32>
        %gather3A_352 = tpu.dynamic_gather %add3A_346[%gather3A_351] in [0] : vector<16xf32>, vector<16xi32> -> vector<16xf32>
        %add3A_353 = arith.addf %add3A_346, %gather3A_352 : vector<16xf32>
        %xor3A_354 = arith.constant 2 : i32
        %xor3A_355 = vector.broadcast %xor3A_354 : i32 to vector<16xi32>
        %xor3A_356 = arith.xori %iota3A, %xor3A_355 : vector<16xi32>
        %broadcast_in_dim3A_357 = vector.shape_cast %xor3A_356 : vector<16xi32> to vector<16x1xi32>
        %gather3A_358 = vector.shape_cast %broadcast_in_dim3A_357 : vector<16x1xi32> to vector<16xi32>
        %gather3A_359 = tpu.dynamic_gather %add3A_353[%gather3A_358] in [0] : vector<16xf32>, vector<16xi32> -> vector<16xf32>
        %add3A_360 = arith.addf %add3A_353, %gather3A_359 : vector<16xf32>
        %xor3A_361 = arith.constant 1 : i32
        %xor3A_362 = vector.broadcast %xor3A_361 : i32 to vector<16xi32>
        %xor3A_363 = arith.xori %iota3A, %xor3A_362 : vector<16xi32>
        %broadcast_in_dim3A_364 = vector.shape_cast %xor3A_363 : vector<16xi32> to vector<16x1xi32>
        %gather3A_365 = vector.shape_cast %broadcast_in_dim3A_364 : vector<16x1xi32> to vector<16xi32>
        %gather3A_366 = tpu.dynamic_gather %add3A_360[%gather3A_365] in [0] : vector<16xf32>, vector<16xi32> -> vector<16xf32>
        %add3A_367 = arith.addf %add3A_360, %gather3A_366 : vector<16xf32>
        %mul3A_368 = arith.constant 64 : i32
        %mul3A_369 = arith.muli %scan3A_171, %mul3A_368 : i32
        %add3A_370 = arith.addi %mul3A_369, %scan3A_294 : i32
        %broadcast_in_dim3A_371 = vector.broadcast %add3A_370 : i32 to vector<16xi32>
        tpu.vector_store_idx %arg21[%broadcast_in_dim3A_371], %add3A_367 masked %eq3A_41 : memref<512xf32, #tpu.memory_space<vmem>>[vector<16xi32>], vector<16xf32>, vector<16xi1>
      }
      %scan3A_225 = arith.constant 64 : i32
      %mul3A_226 = arith.constant 64 : i32
      %mul3A_227 = arith.muli %scan3A_171, %mul3A_226 : i32
      %add3A_228 = arith.constant 0 : i32
      %add3A_229 = arith.addi %mul3A_227, %add3A_228 : i32
      %get3A_230 = arith.index_cast %add3A_229 : i32 to index
      %get3A_231 = tpu.vector_load %arg21[%get3A_230] {strides = array<i32>} : memref<512xf32, #tpu.memory_space<vmem>>, vector<16xf32>,
      %get3A_232 = arith.index_cast %rem3A_172 : i32 to index
      %get3A_233 = arith.constant 0 : index
      %get3A_234 = tpu.vector_load %arg19[%get3A_232, %get3A_233] {strides = array<i32>} : memref<2x64xf32, #tpu.memory_space<vmem>>, vector<16xf32>,
      %add3A_235 = arith.addf %get3A_231, %get3A_234 : vector<16xf32>
      %get3A_236 = arith.index_cast %rem3A_172 : i32 to index
      %get3A_237 = arith.constant 0 : index
      %get3A_238 = tpu.vector_load %arg20[%get3A_236, %get3A_237] {strides = array<i32>} : memref<2x64xf32, #tpu.memory_space<vmem>>, vector<16xf32>,
      %add3A_239 = arith.addf %add3A_235, %get3A_238 : vector<16xf32>
      %add3A_240 = arith.addf %add3A_239, %get3A_34 : vector<16xf32>
      %swap3A_241 = arith.index_cast %add3A_229 : i32 to index
      %swap3A_242 = tpu.vector_load %arg21[%swap3A_241] {strides = array<i32>} : memref<512xf32, #tpu.memory_space<vmem>>, vector<16xf32>,
      tpu.vector_store %arg21[%swap3A_241], %add3A_240 {strides = array<i32>} : memref<512xf32, #tpu.memory_space<vmem>>, vector<16xf32>,
      %mul3A_243 = arith.constant 64 : i32
      %mul3A_244 = arith.muli %scan3A_171, %mul3A_243 : i32
      %add3A_245 = arith.constant 16 : i32
      %add3A_246 = arith.addi %mul3A_244, %add3A_245 : i32
      %get3A_247 = arith.index_cast %add3A_246 : i32 to index
      %get3A_248 = tpu.vector_load %arg21[%get3A_247] {strides = array<i32>} : memref<512xf32, #tpu.memory_space<vmem>>, vector<16xf32>,
      %get3A_249 = arith.index_cast %rem3A_172 : i32 to index
      %get3A_250 = arith.constant 16 : index
      %get3A_251 = tpu.vector_load %arg19[%get3A_249, %get3A_250] {strides = array<i32>} : memref<2x64xf32, #tpu.memory_space<vmem>>, vector<16xf32>,
      %add3A_252 = arith.addf %get3A_248, %get3A_251 : vector<16xf32>
      %get3A_253 = arith.index_cast %rem3A_172 : i32 to index
      %get3A_254 = arith.constant 16 : index
      %get3A_255 = tpu.vector_load %arg20[%get3A_253, %get3A_254] {strides = array<i32>} : memref<2x64xf32, #tpu.memory_space<vmem>>, vector<16xf32>,
      %add3A_256 = arith.addf %add3A_252, %get3A_255 : vector<16xf32>
      %add3A_257 = arith.addf %add3A_256, %get3A_34 : vector<16xf32>
      %swap3A_258 = arith.index_cast %add3A_246 : i32 to index
      %swap3A_259 = tpu.vector_load %arg21[%swap3A_258] {strides = array<i32>} : memref<512xf32, #tpu.memory_space<vmem>>, vector<16xf32>,
      tpu.vector_store %arg21[%swap3A_258], %add3A_257 {strides = array<i32>} : memref<512xf32, #tpu.memory_space<vmem>>, vector<16xf32>,
      %mul3A_260 = arith.constant 64 : i32
      %mul3A_261 = arith.muli %scan3A_171, %mul3A_260 : i32
      %add3A_262 = arith.constant 32 : i32
      %add3A_263 = arith.addi %mul3A_261, %add3A_262 : i32
      %get3A_264 = arith.index_cast %add3A_263 : i32 to index
      %get3A_265 = tpu.vector_load %arg21[%get3A_264] {strides = array<i32>} : memref<512xf32, #tpu.memory_space<vmem>>, vector<16xf32>,
      %get3A_266 = arith.index_cast %rem3A_172 : i32 to index
      %get3A_267 = arith.constant 32 : index
      %get3A_268 = tpu.vector_load %arg19[%get3A_266, %get3A_267] {strides = array<i32>} : memref<2x64xf32, #tpu.memory_space<vmem>>, vector<16xf32>,
      %add3A_269 = arith.addf %get3A_265, %get3A_268 : vector<16xf32>
      %get3A_270 = arith.index_cast %rem3A_172 : i32 to index
      %get3A_271 = arith.constant 32 : index
      %get3A_272 = tpu.vector_load %arg20[%get3A_270, %get3A_271] {strides = array<i32>} : memref<2x64xf32, #tpu.memory_space<vmem>>, vector<16xf32>,
      %add3A_273 = arith.addf %add3A_269, %get3A_272 : vector<16xf32>
      %add3A_274 = arith.addf %add3A_273, %get3A_34 : vector<16xf32>
      %swap3A_275 = arith.index_cast %add3A_263 : i32 to index
      %swap3A_276 = tpu.vector_load %arg21[%swap3A_275] {strides = array<i32>} : memref<512xf32, #tpu.memory_space<vmem>>, vector<16xf32>,
      tpu.vector_store %arg21[%swap3A_275], %add3A_274 {strides = array<i32>} : memref<512xf32, #tpu.memory_space<vmem>>, vector<16xf32>,
      %mul3A_277 = arith.constant 64 : i32
      %mul3A_278 = arith.muli %scan3A_171, %mul3A_277 : i32
      %add3A_279 = arith.constant 48 : i32
      %add3A_280 = arith.addi %mul3A_278, %add3A_279 : i32
      %get3A_281 = arith.index_cast %add3A_280 : i32 to index
      %get3A_282 = tpu.vector_load %arg21[%get3A_281] {strides = array<i32>} : memref<512xf32, #tpu.memory_space<vmem>>, vector<16xf32>,
      %get3A_283 = arith.index_cast %rem3A_172 : i32 to index
      %get3A_284 = arith.constant 48 : index
      %get3A_285 = tpu.vector_load %arg19[%get3A_283, %get3A_284] {strides = array<i32>} : memref<2x64xf32, #tpu.memory_space<vmem>>, vector<16xf32>,
      %add3A_286 = arith.addf %get3A_282, %get3A_285 : vector<16xf32>
      %get3A_287 = arith.index_cast %rem3A_172 : i32 to index
      %get3A_288 = arith.constant 48 : index
      %get3A_289 = tpu.vector_load %arg20[%get3A_287, %get3A_288] {strides = array<i32>} : memref<2x64xf32, #tpu.memory_space<vmem>>, vector<16xf32>,
      %add3A_290 = arith.addf %add3A_286, %get3A_289 : vector<16xf32>
      %add3A_291 = arith.addf %add3A_290, %get3A_34 : vector<16xf32>
      %swap3A_292 = arith.index_cast %add3A_280 : i32 to index
      %swap3A_293 = tpu.vector_load %arg21[%swap3A_292] {strides = array<i32>} : memref<512xf32, #tpu.memory_space<vmem>>, vector<16xf32>,
      tpu.vector_store %arg21[%swap3A_292], %add3A_291 {strides = array<i32>} : memref<512xf32, #tpu.memory_space<vmem>>, vector<16xf32>,
    }
    %scan3A_170 = arith.constant 8 : i32
    "tpu.region"() ({
      %run_scoped3A = tpu.sem_alloc : memref<!tpu.dma_semaphore, #tpu.memory_space<semaphore_mem>>
      %dma_start3A_171 = tpu.memref_slice %arg9[%mul3A_2] : memref<16384xf32, #tpu.memory_space<hbm>> -> memref<512xf32, #tpu.memory_space<hbm>>
      %dma_start3A_172 = tpu.memref_slice %arg9[%mul3A_2] : memref<16384xf32, #tpu.memory_space<hbm>> -> memref<512xf32, #tpu.memory_space<hbm>>
      tpu.enqueue_dma source(%arg21 : memref<512xf32, #tpu.memory_space<vmem>>) target(%dma_start3A_172 : memref<512xf32, #tpu.memory_space<hbm>>) target_semaphore(%run_scoped3A : memref<!tpu.dma_semaphore, #tpu.memory_space<semaphore_mem>>)
      %dma_wait3A_173 = tpu.memref_slice %arg9[%mul3A_2] : memref<16384xf32, #tpu.memory_space<hbm>> -> memref<512xf32, #tpu.memory_space<hbm>>
      %dma_wait3A_174 = tpu.memref_slice %arg9[%mul3A_2] : memref<16384xf32, #tpu.memory_space<hbm>> -> memref<512xf32, #tpu.memory_space<hbm>>
      tpu.wait_dma2 semaphore(%run_scoped3A : memref<!tpu.dma_semaphore, #tpu.memory_space<semaphore_mem>>) src(%arg21 : memref<512xf32, #tpu.memory_space<vmem>>) dst(%dma_wait3A_174 : memref<512xf32, #tpu.memory_space<hbm>>)
      tpu.yield
    }) : () -> ()
    return
  }
}

#map = affine_map<(d0, d1) -> (0, 0)>
#map1 = affine_map<(d0, d1) -> (0)>
module attributes {stable_mosaic.version = 14 : i64} {
  func.func @_sc_text(%arg0: i32, %arg1: i32, %arg2: memref<32x512xf32, #tpu.memory_space<hbm>>, %arg3: memref<32x512xf32, #tpu.memory_space<hbm>>, %arg4: memref<100000x768xf32, #tpu.memory_space<hbm>>, %arg5: memref<100000x768xf32, #tpu.memory_space<hbm>>, %arg6: memref<16384xf32, #tpu.memory_space<hbm>>, %arg7: memref<1x512xf32, #tpu.memory_space<vmem>>, %arg8: memref<1x512xf32, #tpu.memory_space<vmem>>, %arg9: memref<16xi32, #tpu.memory_space<vmem>>, %arg10: memref<2x32xi32, #tpu.memory_space<vmem>>, %arg11: memref<2x32xi32, #tpu.memory_space<vmem>>, %arg12: memref<2x32x768xf32, #tpu.memory_space<vmem>>, %arg13: memref<2x32x768xf32, #tpu.memory_space<vmem>>, %arg14: memref<512xf32, #tpu.memory_space<vmem>>, %arg15: memref<2x!tpu.dma_semaphore, #tpu.memory_space<semaphore_mem>>) attributes {dimension_semantics = [#tpu.dimension_semantics<core_parallel>, #tpu.dimension_semantics<subcore_parallel>], iteration_bounds = array<i64: 2, 16>, scalar_prefetch = 0 : i64, scratch_operands = 9 : i64, tpu.core_type = #tpu.core_type<sc_vector_subcore>, window_params = [{transform_indices = #map}, {transform_indices = #map}, {transform_indices = #map}, {transform_indices = #map}, {transform_indices = #map1}]} {
    %mul3A = arith.constant 2 : i32
    %mul3A_0 = arith.muli %arg1, %mul3A : i32
    %add3A = arith.addi %mul3A_0, %arg0 : i32
    %mul3A_1 = arith.constant 512 : i32
    %mul3A_2 = arith.muli %add3A, %mul3A_1 : i32
    %broadcast_in_dim3A = vector.broadcast %add3A : i32 to vector<16xi32>
    %swap3A = arith.constant 0 : index
    %swap3A_3 = tpu.vector_load %arg9[%swap3A] {strides = array<i32>} : memref<16xi32, #tpu.memory_space<vmem>>, vector<16xi32>,
    tpu.vector_store %arg9[%swap3A], %broadcast_in_dim3A {strides = array<i32>} : memref<16xi32, #tpu.memory_space<vmem>>, vector<16xi32>,
    %dma_start3A = arith.constant 0 : i32
    %dma_start3A_4 = arith.constant 0 : i32
    %dma_start3A_5 = tpu.memref_slice %arg9[%dma_start3A_4] : memref<16xi32, #tpu.memory_space<vmem>> -> memref<1xi32, #tpu.memory_space<vmem>>
    %dma_start3A_6 = arith.constant 0 : i32
    %dma_start3A_7 = arith.constant 0 : i32
    %dma_start3A_8 = tpu.memref_slice %arg2[%dma_start3A_6, %dma_start3A_7] : memref<32x512xf32, #tpu.memory_space<hbm>> -> memref<32x512xf32, #tpu.memory_space<hbm>>
    %dma_start3A_9 = tpu.memref_slice %arg15[%dma_start3A] : memref<2x!tpu.dma_semaphore, #tpu.memory_space<semaphore_mem>> -> memref<1x!tpu.dma_semaphore, #tpu.memory_space<semaphore_mem>>
    %dma_start3A_10 = tpu.memref_squeeze %dma_start3A_9 : memref<1x!tpu.dma_semaphore, #tpu.memory_space<semaphore_mem>> -> memref<!tpu.dma_semaphore, #tpu.memory_space<semaphore_mem>>
    tpu.enqueue_indirect_dma source(%dma_start3A_8 : memref<32x512xf32, #tpu.memory_space<hbm>>) target(%arg7 : memref<1x512xf32, #tpu.memory_space<vmem>>) offsets(%dma_start3A_5 : memref<1xi32, #tpu.memory_space<vmem>>) semaphore(%dma_start3A_10 : memref<!tpu.dma_semaphore, #tpu.memory_space<semaphore_mem>>)
    %dma_start3A_11 = arith.constant 0 : i32
    %dma_start3A_12 = arith.constant 0 : i32
    %dma_start3A_13 = tpu.memref_slice %arg9[%dma_start3A_12] : memref<16xi32, #tpu.memory_space<vmem>> -> memref<1xi32, #tpu.memory_space<vmem>>
    %dma_start3A_14 = arith.constant 0 : i32
    %dma_start3A_15 = arith.constant 0 : i32
    %dma_start3A_16 = tpu.memref_slice %arg3[%dma_start3A_14, %dma_start3A_15] : memref<32x512xf32, #tpu.memory_space<hbm>> -> memref<32x512xf32, #tpu.memory_space<hbm>>
    %dma_start3A_17 = tpu.memref_slice %arg15[%dma_start3A_11] : memref<2x!tpu.dma_semaphore, #tpu.memory_space<semaphore_mem>> -> memref<1x!tpu.dma_semaphore, #tpu.memory_space<semaphore_mem>>
    %dma_start3A_18 = tpu.memref_squeeze %dma_start3A_17 : memref<1x!tpu.dma_semaphore, #tpu.memory_space<semaphore_mem>> -> memref<!tpu.dma_semaphore, #tpu.memory_space<semaphore_mem>>
    tpu.enqueue_indirect_dma source(%dma_start3A_16 : memref<32x512xf32, #tpu.memory_space<hbm>>) target(%arg8 : memref<1x512xf32, #tpu.memory_space<vmem>>) offsets(%dma_start3A_13 : memref<1xi32, #tpu.memory_space<vmem>>) semaphore(%dma_start3A_18 : memref<!tpu.dma_semaphore, #tpu.memory_space<semaphore_mem>>)
    %dma_wait3A = arith.constant 0 : i32
    %dma_wait3A_19 = arith.constant 0 : i32
    %dma_wait3A_20 = tpu.memref_slice %arg9[%dma_wait3A_19] : memref<16xi32, #tpu.memory_space<vmem>> -> memref<1xi32, #tpu.memory_space<vmem>>
    %dma_wait3A_21 = arith.constant 0 : i32
    %dma_wait3A_22 = arith.constant 0 : i32
    %dma_wait3A_23 = tpu.memref_slice %arg2[%dma_wait3A_21, %dma_wait3A_22] : memref<32x512xf32, #tpu.memory_space<hbm>> -> memref<32x512xf32, #tpu.memory_space<hbm>>
    %dma_wait3A_24 = tpu.memref_slice %arg15[%dma_wait3A] : memref<2x!tpu.dma_semaphore, #tpu.memory_space<semaphore_mem>> -> memref<1x!tpu.dma_semaphore, #tpu.memory_space<semaphore_mem>>
    %dma_wait3A_25 = tpu.memref_squeeze %dma_wait3A_24 : memref<1x!tpu.dma_semaphore, #tpu.memory_space<semaphore_mem>> -> memref<!tpu.dma_semaphore, #tpu.memory_space<semaphore_mem>>
    tpu.wait_indirect_dma semaphore(%dma_wait3A_25 : memref<!tpu.dma_semaphore, #tpu.memory_space<semaphore_mem>>) src(%dma_wait3A_23 : memref<32x512xf32, #tpu.memory_space<hbm>>) dst(%arg7 : memref<1x512xf32, #tpu.memory_space<vmem>>)
    %dma_wait3A_26 = arith.constant 0 : i32
    %dma_wait3A_27 = arith.constant 0 : i32
    %dma_wait3A_28 = tpu.memref_slice %arg9[%dma_wait3A_27] : memref<16xi32, #tpu.memory_space<vmem>> -> memref<1xi32, #tpu.memory_space<vmem>>
    %dma_wait3A_29 = arith.constant 0 : i32
    %dma_wait3A_30 = arith.constant 0 : i32
    %dma_wait3A_31 = tpu.memref_slice %arg3[%dma_wait3A_29, %dma_wait3A_30] : memref<32x512xf32, #tpu.memory_space<hbm>> -> memref<32x512xf32, #tpu.memory_space<hbm>>
    %dma_wait3A_32 = tpu.memref_slice %arg15[%dma_wait3A_26] : memref<2x!tpu.dma_semaphore, #tpu.memory_space<semaphore_mem>> -> memref<1x!tpu.dma_semaphore, #tpu.memory_space<semaphore_mem>>
    %dma_wait3A_33 = tpu.memref_squeeze %dma_wait3A_32 : memref<1x!tpu.dma_semaphore, #tpu.memory_space<semaphore_mem>> -> memref<!tpu.dma_semaphore, #tpu.memory_space<semaphore_mem>>
    tpu.wait_indirect_dma semaphore(%dma_wait3A_33 : memref<!tpu.dma_semaphore, #tpu.memory_space<semaphore_mem>>) src(%dma_wait3A_31 : memref<32x512xf32, #tpu.memory_space<hbm>>) dst(%arg8 : memref<1x512xf32, #tpu.memory_space<vmem>>)
    %iota3A = tpu.iota {dimensions = array<i32: 0>} : vector<16xi32>
    %eq3A = arith.constant 0 : i32
    %eq3A_34 = vector.broadcast %eq3A : i32 to vector<16xi32>
    %eq3A_35 = arith.cmpi eq, %iota3A, %eq3A_34 : vector<16xi32>
    %get3A = arith.constant 0 : i32
    %get3A_36 = arith.index_cast %get3A : i32 to index
    %get3A_37 = arith.constant 0 : index
    %get3A_38 = tpu.vector_load %arg7[%get3A_36, %get3A_37] {strides = array<i32>} : memref<1x512xf32, #tpu.memory_space<vmem>>, vector<16xf32>,
    %bitcast3A = vector.bitcast %get3A_38 : vector<16xf32> to vector<16xi32>
    %swap3A_39 = arith.constant 0 : i32
    %swap3A_40 = arith.index_cast %swap3A_39 : i32 to index
    %swap3A_41 = arith.constant 0 : index
    %swap3A_42 = tpu.vector_load %arg10[%swap3A_40, %swap3A_41] {strides = array<i32>} : memref<2x32xi32, #tpu.memory_space<vmem>>, vector<16xi32>,
    tpu.vector_store %arg10[%swap3A_40, %swap3A_41], %bitcast3A {strides = array<i32>} : memref<2x32xi32, #tpu.memory_space<vmem>>, vector<16xi32>,
    %get3A_43 = arith.constant 0 : i32
    %get3A_44 = arith.index_cast %get3A_43 : i32 to index
    %get3A_45 = arith.constant 0 : index
    %get3A_46 = tpu.vector_load %arg8[%get3A_44, %get3A_45] {strides = array<i32>} : memref<1x512xf32, #tpu.memory_space<vmem>>, vector<16xf32>,
    %bitcast3A_47 = vector.bitcast %get3A_46 : vector<16xf32> to vector<16xi32>
    %swap3A_48 = arith.constant 0 : i32
    %swap3A_49 = arith.index_cast %swap3A_48 : i32 to index
    %swap3A_50 = arith.constant 0 : index
    %swap3A_51 = tpu.vector_load %arg11[%swap3A_49, %swap3A_50] {strides = array<i32>} : memref<2x32xi32, #tpu.memory_space<vmem>>, vector<16xi32>,
    tpu.vector_store %arg11[%swap3A_49, %swap3A_50], %bitcast3A_47 {strides = array<i32>} : memref<2x32xi32, #tpu.memory_space<vmem>>, vector<16xi32>,
    %get3A_52 = arith.constant 0 : i32
    %get3A_53 = arith.index_cast %get3A_52 : i32 to index
    %get3A_54 = arith.constant 16 : index
    %get3A_55 = tpu.vector_load %arg7[%get3A_53, %get3A_54] {strides = array<i32>} : memref<1x512xf32, #tpu.memory_space<vmem>>, vector<16xf32>,
    %bitcast3A_56 = vector.bitcast %get3A_55 : vector<16xf32> to vector<16xi32>
    %swap3A_57 = arith.constant 0 : i32
    %swap3A_58 = arith.index_cast %swap3A_57 : i32 to index
    %swap3A_59 = arith.constant 16 : index
    %swap3A_60 = tpu.vector_load %arg10[%swap3A_58, %swap3A_59] {strides = array<i32>} : memref<2x32xi32, #tpu.memory_space<vmem>>, vector<16xi32>,
    tpu.vector_store %arg10[%swap3A_58, %swap3A_59], %bitcast3A_56 {strides = array<i32>} : memref<2x32xi32, #tpu.memory_space<vmem>>, vector<16xi32>,
    %get3A_61 = arith.constant 0 : i32
    %get3A_62 = arith.index_cast %get3A_61 : i32 to index
    %get3A_63 = arith.constant 16 : index
    %get3A_64 = tpu.vector_load %arg8[%get3A_62, %get3A_63] {strides = array<i32>} : memref<1x512xf32, #tpu.memory_space<vmem>>, vector<16xf32>,
    %bitcast3A_65 = vector.bitcast %get3A_64 : vector<16xf32> to vector<16xi32>
    %swap3A_66 = arith.constant 0 : i32
    %swap3A_67 = arith.index_cast %swap3A_66 : i32 to index
    %swap3A_68 = arith.constant 16 : index
    %swap3A_69 = tpu.vector_load %arg11[%swap3A_67, %swap3A_68] {strides = array<i32>} : memref<2x32xi32, #tpu.memory_space<vmem>>, vector<16xi32>,
    tpu.vector_store %arg11[%swap3A_67, %swap3A_68], %bitcast3A_65 {strides = array<i32>} : memref<2x32xi32, #tpu.memory_space<vmem>>, vector<16xi32>,
    %dma_start3A_70 = arith.constant 0 : i32
    %dma_start3A_71 = arith.constant 0 : i32
    %dma_start3A_72 = arith.constant 0 : i32
    %dma_start3A_73 = arith.constant 0 : i32
    %dma_start3A_74 = arith.constant 0 : i32
    %dma_start3A_75 = tpu.memref_slice %arg12[%dma_start3A_71, %dma_start3A_73, %dma_start3A_74] : memref<2x32x768xf32, #tpu.memory_space<vmem>> -> memref<1x32x768xf32, #tpu.memory_space<vmem>>
    %dma_start3A_76 = tpu.memref_squeeze %dma_start3A_75 : memref<1x32x768xf32, #tpu.memory_space<vmem>> -> memref<32x768xf32, #tpu.memory_space<vmem>>
    %dma_start3A_77 = arith.constant 0 : i32
    %dma_start3A_78 = tpu.memref_slice %arg10[%dma_start3A_70, %dma_start3A_77] : memref<2x32xi32, #tpu.memory_space<vmem>> -> memref<1x32xi32, #tpu.memory_space<vmem>>
    %dma_start3A_79 = tpu.memref_squeeze %dma_start3A_78 : memref<1x32xi32, #tpu.memory_space<vmem>> -> memref<32xi32, #tpu.memory_space<vmem>>
    %dma_start3A_80 = arith.constant 0 : i32
    %dma_start3A_81 = arith.constant 0 : i32
    %dma_start3A_82 = tpu.memref_slice %arg4[%dma_start3A_80, %dma_start3A_81] : memref<100000x768xf32, #tpu.memory_space<hbm>> -> memref<100000x768xf32, #tpu.memory_space<hbm>>
    %dma_start3A_83 = tpu.memref_slice %arg15[%dma_start3A_72] : memref<2x!tpu.dma_semaphore, #tpu.memory_space<semaphore_mem>> -> memref<1x!tpu.dma_semaphore, #tpu.memory_space<semaphore_mem>>
    %dma_start3A_84 = tpu.memref_squeeze %dma_start3A_83 : memref<1x!tpu.dma_semaphore, #tpu.memory_space<semaphore_mem>> -> memref<!tpu.dma_semaphore, #tpu.memory_space<semaphore_mem>>
    tpu.enqueue_indirect_dma source(%dma_start3A_82 : memref<100000x768xf32, #tpu.memory_space<hbm>>) target(%dma_start3A_76 : memref<32x768xf32, #tpu.memory_space<vmem>>) offsets(%dma_start3A_79 : memref<32xi32, #tpu.memory_space<vmem>>) semaphore(%dma_start3A_84 : memref<!tpu.dma_semaphore, #tpu.memory_space<semaphore_mem>>)
    %dma_start3A_85 = arith.constant 0 : i32
    %dma_start3A_86 = arith.constant 0 : i32
    %dma_start3A_87 = arith.constant 0 : i32
    %dma_start3A_88 = arith.constant 0 : i32
    %dma_start3A_89 = arith.constant 0 : i32
    %dma_start3A_90 = tpu.memref_slice %arg13[%dma_start3A_86, %dma_start3A_88, %dma_start3A_89] : memref<2x32x768xf32, #tpu.memory_space<vmem>> -> memref<1x32x768xf32, #tpu.memory_space<vmem>>
    %dma_start3A_91 = tpu.memref_squeeze %dma_start3A_90 : memref<1x32x768xf32, #tpu.memory_space<vmem>> -> memref<32x768xf32, #tpu.memory_space<vmem>>
    %dma_start3A_92 = arith.constant 0 : i32
    %dma_start3A_93 = tpu.memref_slice %arg11[%dma_start3A_85, %dma_start3A_92] : memref<2x32xi32, #tpu.memory_space<vmem>> -> memref<1x32xi32, #tpu.memory_space<vmem>>
    %dma_start3A_94 = tpu.memref_squeeze %dma_start3A_93 : memref<1x32xi32, #tpu.memory_space<vmem>> -> memref<32xi32, #tpu.memory_space<vmem>>
    %dma_start3A_95 = arith.constant 0 : i32
    %dma_start3A_96 = arith.constant 0 : i32
    %dma_start3A_97 = tpu.memref_slice %arg5[%dma_start3A_95, %dma_start3A_96] : memref<100000x768xf32, #tpu.memory_space<hbm>> -> memref<100000x768xf32, #tpu.memory_space<hbm>>
    %dma_start3A_98 = tpu.memref_slice %arg15[%dma_start3A_87] : memref<2x!tpu.dma_semaphore, #tpu.memory_space<semaphore_mem>> -> memref<1x!tpu.dma_semaphore, #tpu.memory_space<semaphore_mem>>
    %dma_start3A_99 = tpu.memref_squeeze %dma_start3A_98 : memref<1x!tpu.dma_semaphore, #tpu.memory_space<semaphore_mem>> -> memref<!tpu.dma_semaphore, #tpu.memory_space<semaphore_mem>>
    tpu.enqueue_indirect_dma source(%dma_start3A_97 : memref<100000x768xf32, #tpu.memory_space<hbm>>) target(%dma_start3A_91 : memref<32x768xf32, #tpu.memory_space<vmem>>) offsets(%dma_start3A_94 : memref<32xi32, #tpu.memory_space<vmem>>) semaphore(%dma_start3A_99 : memref<!tpu.dma_semaphore, #tpu.memory_space<semaphore_mem>>)
    %scan3A = arith.constant 0 : i32
    %scan3A_100 = arith.constant 0 : i32
    %scan3A_101 = arith.constant 16 : i32
    %scan3A_102 = arith.addi %scan3A_100, %scan3A_101 : i32
    %scan3A_103 = arith.constant 1 : i32
    scf.for %scan3A_105 = %scan3A_100 to %scan3A_102 step %scan3A_103  : i32 {
      %rem3A = arith.constant 2 : i32
      %rem3A_106 = arith.remsi %scan3A_105, %rem3A : i32
      %sub3A = arith.constant 1 : i32
      %sub3A_107 = arith.subi %sub3A, %rem3A_106 : i32
      %lt3A = arith.constant 15 : i32
      %lt3A_108 = arith.cmpi slt, %scan3A_105, %lt3A : i32
      %convert_element_type3A = arith.extui %lt3A_108 : i1 to i32
      %cond3A = arith.constant 0 : i32
      %cond3A_109 = arith.cmpi ne, %convert_element_type3A, %cond3A : i32
      scf.if %cond3A_109 {
        %add3A_140 = arith.constant 1 : i32
        %add3A_141 = arith.addi %scan3A_105, %add3A_140 : i32
        %mul3A_142 = arith.constant 32 : i32
        %mul3A_143 = arith.muli %add3A_141, %mul3A_142 : i32
        %add3A_144 = arith.constant 0 : i32
        %add3A_145 = arith.addi %mul3A_143, %add3A_144 : i32
        %get3A_146 = arith.constant 0 : i32
        %get3A_147 = arith.index_cast %get3A_146 : i32 to index
        %get3A_148 = arith.index_cast %add3A_145 : i32 to index
        %get3A_149 = tpu.vector_load %arg7[%get3A_147, %get3A_148] {strides = array<i32>} : memref<1x512xf32, #tpu.memory_space<vmem>>, vector<16xf32>,
        %bitcast3A_150 = vector.bitcast %get3A_149 : vector<16xf32> to vector<16xi32>
        %swap3A_151 = arith.index_cast %sub3A_107 : i32 to index
        %swap3A_152 = arith.constant 0 : index
        %swap3A_153 = tpu.vector_load %arg10[%swap3A_151, %swap3A_152] {strides = array<i32>} : memref<2x32xi32, #tpu.memory_space<vmem>>, vector<16xi32>,
        tpu.vector_store %arg10[%swap3A_151, %swap3A_152], %bitcast3A_150 {strides = array<i32>} : memref<2x32xi32, #tpu.memory_space<vmem>>, vector<16xi32>,
        %mul3A_154 = arith.constant 32 : i32
        %mul3A_155 = arith.muli %add3A_141, %mul3A_154 : i32
        %add3A_156 = arith.constant 0 : i32
        %add3A_157 = arith.addi %mul3A_155, %add3A_156 : i32
        %get3A_158 = arith.constant 0 : i32
        %get3A_159 = arith.index_cast %get3A_158 : i32 to index
        %get3A_160 = arith.index_cast %add3A_157 : i32 to index
        %get3A_161 = tpu.vector_load %arg8[%get3A_159, %get3A_160] {strides = array<i32>} : memref<1x512xf32, #tpu.memory_space<vmem>>, vector<16xf32>,
        %bitcast3A_162 = vector.bitcast %get3A_161 : vector<16xf32> to vector<16xi32>
        %swap3A_163 = arith.index_cast %sub3A_107 : i32 to index
        %swap3A_164 = arith.constant 0 : index
        %swap3A_165 = tpu.vector_load %arg11[%swap3A_163, %swap3A_164] {strides = array<i32>} : memref<2x32xi32, #tpu.memory_space<vmem>>, vector<16xi32>,
        tpu.vector_store %arg11[%swap3A_163, %swap3A_164], %bitcast3A_162 {strides = array<i32>} : memref<2x32xi32, #tpu.memory_space<vmem>>, vector<16xi32>,
        %mul3A_166 = arith.constant 32 : i32
        %mul3A_167 = arith.muli %add3A_141, %mul3A_166 : i32
        %add3A_168 = arith.constant 16 : i32
        %add3A_169 = arith.addi %mul3A_167, %add3A_168 : i32
        %get3A_170 = arith.constant 0 : i32
        %get3A_171 = arith.index_cast %get3A_170 : i32 to index
        %get3A_172 = arith.index_cast %add3A_169 : i32 to index
        %get3A_173 = tpu.vector_load %arg7[%get3A_171, %get3A_172] {strides = array<i32>} : memref<1x512xf32, #tpu.memory_space<vmem>>, vector<16xf32>,
        %bitcast3A_174 = vector.bitcast %get3A_173 : vector<16xf32> to vector<16xi32>
        %swap3A_175 = arith.index_cast %sub3A_107 : i32 to index
        %swap3A_176 = arith.constant 16 : index
        %swap3A_177 = tpu.vector_load %arg10[%swap3A_175, %swap3A_176] {strides = array<i32>} : memref<2x32xi32, #tpu.memory_space<vmem>>, vector<16xi32>,
        tpu.vector_store %arg10[%swap3A_175, %swap3A_176], %bitcast3A_174 {strides = array<i32>} : memref<2x32xi32, #tpu.memory_space<vmem>>, vector<16xi32>,
        %mul3A_178 = arith.constant 32 : i32
        %mul3A_179 = arith.muli %add3A_141, %mul3A_178 : i32
        %add3A_180 = arith.constant 16 : i32
        %add3A_181 = arith.addi %mul3A_179, %add3A_180 : i32
        %get3A_182 = arith.constant 0 : i32
        %get3A_183 = arith.index_cast %get3A_182 : i32 to index
        %get3A_184 = arith.index_cast %add3A_181 : i32 to index
        %get3A_185 = tpu.vector_load %arg8[%get3A_183, %get3A_184] {strides = array<i32>} : memref<1x512xf32, #tpu.memory_space<vmem>>, vector<16xf32>,
        %bitcast3A_186 = vector.bitcast %get3A_185 : vector<16xf32> to vector<16xi32>
        %swap3A_187 = arith.index_cast %sub3A_107 : i32 to index
        %swap3A_188 = arith.constant 16 : index
        %swap3A_189 = tpu.vector_load %arg11[%swap3A_187, %swap3A_188] {strides = array<i32>} : memref<2x32xi32, #tpu.memory_space<vmem>>, vector<16xi32>,
        tpu.vector_store %arg11[%swap3A_187, %swap3A_188], %bitcast3A_186 {strides = array<i32>} : memref<2x32xi32, #tpu.memory_space<vmem>>, vector<16xi32>,
        %dma_start3A_190 = arith.constant 0 : i32
        %dma_start3A_191 = arith.constant 0 : i32
        %dma_start3A_192 = tpu.memref_slice %arg12[%sub3A_107, %dma_start3A_190, %dma_start3A_191] : memref<2x32x768xf32, #tpu.memory_space<vmem>> -> memref<1x32x768xf32, #tpu.memory_space<vmem>>
        %dma_start3A_193 = tpu.memref_squeeze %dma_start3A_192 : memref<1x32x768xf32, #tpu.memory_space<vmem>> -> memref<32x768xf32, #tpu.memory_space<vmem>>
        %dma_start3A_194 = arith.constant 0 : i32
        %dma_start3A_195 = tpu.memref_slice %arg10[%sub3A_107, %dma_start3A_194] : memref<2x32xi32, #tpu.memory_space<vmem>> -> memref<1x32xi32, #tpu.memory_space<vmem>>
        %dma_start3A_196 = tpu.memref_squeeze %dma_start3A_195 : memref<1x32xi32, #tpu.memory_space<vmem>> -> memref<32xi32, #tpu.memory_space<vmem>>
        %dma_start3A_197 = arith.constant 0 : i32
        %dma_start3A_198 = arith.constant 0 : i32
        %dma_start3A_199 = tpu.memref_slice %arg4[%dma_start3A_197, %dma_start3A_198] : memref<100000x768xf32, #tpu.memory_space<hbm>> -> memref<100000x768xf32, #tpu.memory_space<hbm>>
        %dma_start3A_200 = tpu.memref_slice %arg15[%sub3A_107] : memref<2x!tpu.dma_semaphore, #tpu.memory_space<semaphore_mem>> -> memref<1x!tpu.dma_semaphore, #tpu.memory_space<semaphore_mem>>
        %dma_start3A_201 = tpu.memref_squeeze %dma_start3A_200 : memref<1x!tpu.dma_semaphore, #tpu.memory_space<semaphore_mem>> -> memref<!tpu.dma_semaphore, #tpu.memory_space<semaphore_mem>>
        tpu.enqueue_indirect_dma source(%dma_start3A_199 : memref<100000x768xf32, #tpu.memory_space<hbm>>) target(%dma_start3A_193 : memref<32x768xf32, #tpu.memory_space<vmem>>) offsets(%dma_start3A_196 : memref<32xi32, #tpu.memory_space<vmem>>) semaphore(%dma_start3A_201 : memref<!tpu.dma_semaphore, #tpu.memory_space<semaphore_mem>>)
        %dma_start3A_202 = arith.constant 0 : i32
        %dma_start3A_203 = arith.constant 0 : i32
        %dma_start3A_204 = tpu.memref_slice %arg13[%sub3A_107, %dma_start3A_202, %dma_start3A_203] : memref<2x32x768xf32, #tpu.memory_space<vmem>> -> memref<1x32x768xf32, #tpu.memory_space<vmem>>
        %dma_start3A_205 = tpu.memref_squeeze %dma_start3A_204 : memref<1x32x768xf32, #tpu.memory_space<vmem>> -> memref<32x768xf32, #tpu.memory_space<vmem>>
        %dma_start3A_206 = arith.constant 0 : i32
        %dma_start3A_207 = tpu.memref_slice %arg11[%sub3A_107, %dma_start3A_206] : memref<2x32xi32, #tpu.memory_space<vmem>> -> memref<1x32xi32, #tpu.memory_space<vmem>>
        %dma_start3A_208 = tpu.memref_squeeze %dma_start3A_207 : memref<1x32xi32, #tpu.memory_space<vmem>> -> memref<32xi32, #tpu.memory_space<vmem>>
        %dma_start3A_209 = arith.constant 0 : i32
        %dma_start3A_210 = arith.constant 0 : i32
        %dma_start3A_211 = tpu.memref_slice %arg5[%dma_start3A_209, %dma_start3A_210] : memref<100000x768xf32, #tpu.memory_space<hbm>> -> memref<100000x768xf32, #tpu.memory_space<hbm>>
        %dma_start3A_212 = tpu.memref_slice %arg15[%sub3A_107] : memref<2x!tpu.dma_semaphore, #tpu.memory_space<semaphore_mem>> -> memref<1x!tpu.dma_semaphore, #tpu.memory_space<semaphore_mem>>
        %dma_start3A_213 = tpu.memref_squeeze %dma_start3A_212 : memref<1x!tpu.dma_semaphore, #tpu.memory_space<semaphore_mem>> -> memref<!tpu.dma_semaphore, #tpu.memory_space<semaphore_mem>>
        tpu.enqueue_indirect_dma source(%dma_start3A_211 : memref<100000x768xf32, #tpu.memory_space<hbm>>) target(%dma_start3A_205 : memref<32x768xf32, #tpu.memory_space<vmem>>) offsets(%dma_start3A_208 : memref<32xi32, #tpu.memory_space<vmem>>) semaphore(%dma_start3A_213 : memref<!tpu.dma_semaphore, #tpu.memory_space<semaphore_mem>>)
      } else {
      }
      %dma_wait3A_110 = arith.constant 0 : i32
      %dma_wait3A_111 = arith.constant 0 : i32
      %dma_wait3A_112 = tpu.memref_slice %arg12[%rem3A_106, %dma_wait3A_110, %dma_wait3A_111] : memref<2x32x768xf32, #tpu.memory_space<vmem>> -> memref<1x32x768xf32, #tpu.memory_space<vmem>>
      %dma_wait3A_113 = tpu.memref_squeeze %dma_wait3A_112 : memref<1x32x768xf32, #tpu.memory_space<vmem>> -> memref<32x768xf32, #tpu.memory_space<vmem>>
      %dma_wait3A_114 = arith.constant 0 : i32
      %dma_wait3A_115 = tpu.memref_slice %arg10[%rem3A_106, %dma_wait3A_114] : memref<2x32xi32, #tpu.memory_space<vmem>> -> memref<1x32xi32, #tpu.memory_space<vmem>>
      %dma_wait3A_116 = tpu.memref_squeeze %dma_wait3A_115 : memref<1x32xi32, #tpu.memory_space<vmem>> -> memref<32xi32, #tpu.memory_space<vmem>>
      %dma_wait3A_117 = arith.constant 0 : i32
      %dma_wait3A_118 = arith.constant 0 : i32
      %dma_wait3A_119 = tpu.memref_slice %arg4[%dma_wait3A_117, %dma_wait3A_118] : memref<100000x768xf32, #tpu.memory_space<hbm>> -> memref<100000x768xf32, #tpu.memory_space<hbm>>
      %dma_wait3A_120 = tpu.memref_slice %arg15[%rem3A_106] : memref<2x!tpu.dma_semaphore, #tpu.memory_space<semaphore_mem>> -> memref<1x!tpu.dma_semaphore, #tpu.memory_space<semaphore_mem>>
      %dma_wait3A_121 = tpu.memref_squeeze %dma_wait3A_120 : memref<1x!tpu.dma_semaphore, #tpu.memory_space<semaphore_mem>> -> memref<!tpu.dma_semaphore, #tpu.memory_space<semaphore_mem>>
      tpu.wait_indirect_dma semaphore(%dma_wait3A_121 : memref<!tpu.dma_semaphore, #tpu.memory_space<semaphore_mem>>) src(%dma_wait3A_119 : memref<100000x768xf32, #tpu.memory_space<hbm>>) dst(%dma_wait3A_113 : memref<32x768xf32, #tpu.memory_space<vmem>>)
      %dma_wait3A_122 = arith.constant 0 : i32
      %dma_wait3A_123 = arith.constant 0 : i32
      %dma_wait3A_124 = tpu.memref_slice %arg13[%rem3A_106, %dma_wait3A_122, %dma_wait3A_123] : memref<2x32x768xf32, #tpu.memory_space<vmem>> -> memref<1x32x768xf32, #tpu.memory_space<vmem>>
      %dma_wait3A_125 = tpu.memref_squeeze %dma_wait3A_124 : memref<1x32x768xf32, #tpu.memory_space<vmem>> -> memref<32x768xf32, #tpu.memory_space<vmem>>
      %dma_wait3A_126 = arith.constant 0 : i32
      %dma_wait3A_127 = tpu.memref_slice %arg11[%rem3A_106, %dma_wait3A_126] : memref<2x32xi32, #tpu.memory_space<vmem>> -> memref<1x32xi32, #tpu.memory_space<vmem>>
      %dma_wait3A_128 = tpu.memref_squeeze %dma_wait3A_127 : memref<1x32xi32, #tpu.memory_space<vmem>> -> memref<32xi32, #tpu.memory_space<vmem>>
      %dma_wait3A_129 = arith.constant 0 : i32
      %dma_wait3A_130 = arith.constant 0 : i32
      %dma_wait3A_131 = tpu.memref_slice %arg5[%dma_wait3A_129, %dma_wait3A_130] : memref<100000x768xf32, #tpu.memory_space<hbm>> -> memref<100000x768xf32, #tpu.memory_space<hbm>>
      %dma_wait3A_132 = tpu.memref_slice %arg15[%rem3A_106] : memref<2x!tpu.dma_semaphore, #tpu.memory_space<semaphore_mem>> -> memref<1x!tpu.dma_semaphore, #tpu.memory_space<semaphore_mem>>
      %dma_wait3A_133 = tpu.memref_squeeze %dma_wait3A_132 : memref<1x!tpu.dma_semaphore, #tpu.memory_space<semaphore_mem>> -> memref<!tpu.dma_semaphore, #tpu.memory_space<semaphore_mem>>
      tpu.wait_indirect_dma semaphore(%dma_wait3A_133 : memref<!tpu.dma_semaphore, #tpu.memory_space<semaphore_mem>>) src(%dma_wait3A_131 : memref<100000x768xf32, #tpu.memory_space<hbm>>) dst(%dma_wait3A_125 : memref<32x768xf32, #tpu.memory_space<vmem>>)
      %scan3A_134 = arith.constant 0 : i32
      %scan3A_135 = arith.constant 0 : i32
      %scan3A_136 = arith.constant 32 : i32
      %scan3A_137 = arith.addi %scan3A_135, %scan3A_136 : i32
      %scan3A_138 = arith.constant 1 : i32
      scf.for %scan3A_140 = %scan3A_135 to %scan3A_137 step %scan3A_138  : i32 {
        %get3A_141 = arith.index_cast %rem3A_106 : i32 to index
        %get3A_142 = arith.index_cast %scan3A_140 : i32 to index
        %get3A_143 = arith.constant 0 : index
        %get3A_144 = tpu.vector_load %arg12[%get3A_141, %get3A_142, %get3A_143] {strides = array<i32>} : memref<2x32x768xf32, #tpu.memory_space<vmem>>, vector<16xf32>,
        %get3A_145 = arith.index_cast %rem3A_106 : i32 to index
        %get3A_146 = arith.index_cast %scan3A_140 : i32 to index
        %get3A_147 = arith.constant 0 : index
        %get3A_148 = tpu.vector_load %arg13[%get3A_145, %get3A_146, %get3A_147] {strides = array<i32>} : memref<2x32x768xf32, #tpu.memory_space<vmem>>, vector<16xf32>,
        %mul3A_149 = arith.mulf %get3A_144, %get3A_148 : vector<16xf32>
        %get3A_150 = arith.index_cast %rem3A_106 : i32 to index
        %get3A_151 = arith.index_cast %scan3A_140 : i32 to index
        %get3A_152 = arith.constant 16 : index
        %get3A_153 = tpu.vector_load %arg12[%get3A_150, %get3A_151, %get3A_152] {strides = array<i32>} : memref<2x32x768xf32, #tpu.memory_space<vmem>>, vector<16xf32>,
        %get3A_154 = arith.index_cast %rem3A_106 : i32 to index
        %get3A_155 = arith.index_cast %scan3A_140 : i32 to index
        %get3A_156 = arith.constant 16 : index
        %get3A_157 = tpu.vector_load %arg13[%get3A_154, %get3A_155, %get3A_156] {strides = array<i32>} : memref<2x32x768xf32, #tpu.memory_space<vmem>>, vector<16xf32>,
        %mul3A_158 = arith.mulf %get3A_153, %get3A_157 : vector<16xf32>
        %add3A_159 = arith.addf %mul3A_149, %mul3A_158 : vector<16xf32>
        %get3A_160 = arith.index_cast %rem3A_106 : i32 to index
        %get3A_161 = arith.index_cast %scan3A_140 : i32 to index
        %get3A_162 = arith.constant 32 : index
        %get3A_163 = tpu.vector_load %arg12[%get3A_160, %get3A_161, %get3A_162] {strides = array<i32>} : memref<2x32x768xf32, #tpu.memory_space<vmem>>, vector<16xf32>,
        %get3A_164 = arith.index_cast %rem3A_106 : i32 to index
        %get3A_165 = arith.index_cast %scan3A_140 : i32 to index
        %get3A_166 = arith.constant 32 : index
        %get3A_167 = tpu.vector_load %arg13[%get3A_164, %get3A_165, %get3A_166] {strides = array<i32>} : memref<2x32x768xf32, #tpu.memory_space<vmem>>, vector<16xf32>,
        %mul3A_168 = arith.mulf %get3A_163, %get3A_167 : vector<16xf32>
        %add3A_169 = arith.addf %add3A_159, %mul3A_168 : vector<16xf32>
        %get3A_170 = arith.index_cast %rem3A_106 : i32 to index
        %get3A_171 = arith.index_cast %scan3A_140 : i32 to index
        %get3A_172 = arith.constant 48 : index
        %get3A_173 = tpu.vector_load %arg12[%get3A_170, %get3A_171, %get3A_172] {strides = array<i32>} : memref<2x32x768xf32, #tpu.memory_space<vmem>>, vector<16xf32>,
        %get3A_174 = arith.index_cast %rem3A_106 : i32 to index
        %get3A_175 = arith.index_cast %scan3A_140 : i32 to index
        %get3A_176 = arith.constant 48 : index
        %get3A_177 = tpu.vector_load %arg13[%get3A_174, %get3A_175, %get3A_176] {strides = array<i32>} : memref<2x32x768xf32, #tpu.memory_space<vmem>>, vector<16xf32>,
        %mul3A_178 = arith.mulf %get3A_173, %get3A_177 : vector<16xf32>
        %add3A_179 = arith.addf %add3A_169, %mul3A_178 : vector<16xf32>
        %get3A_180 = arith.index_cast %rem3A_106 : i32 to index
        %get3A_181 = arith.index_cast %scan3A_140 : i32 to index
        %get3A_182 = arith.constant 64 : index
        %get3A_183 = tpu.vector_load %arg12[%get3A_180, %get3A_181, %get3A_182] {strides = array<i32>} : memref<2x32x768xf32, #tpu.memory_space<vmem>>, vector<16xf32>,
        %get3A_184 = arith.index_cast %rem3A_106 : i32 to index
        %get3A_185 = arith.index_cast %scan3A_140 : i32 to index
        %get3A_186 = arith.constant 64 : index
        %get3A_187 = tpu.vector_load %arg13[%get3A_184, %get3A_185, %get3A_186] {strides = array<i32>} : memref<2x32x768xf32, #tpu.memory_space<vmem>>, vector<16xf32>,
        %mul3A_188 = arith.mulf %get3A_183, %get3A_187 : vector<16xf32>
        %add3A_189 = arith.addf %add3A_179, %mul3A_188 : vector<16xf32>
        %get3A_190 = arith.index_cast %rem3A_106 : i32 to index
        %get3A_191 = arith.index_cast %scan3A_140 : i32 to index
        %get3A_192 = arith.constant 80 : index
        %get3A_193 = tpu.vector_load %arg12[%get3A_190, %get3A_191, %get3A_192] {strides = array<i32>} : memref<2x32x768xf32, #tpu.memory_space<vmem>>, vector<16xf32>,
        %get3A_194 = arith.index_cast %rem3A_106 : i32 to index
        %get3A_195 = arith.index_cast %scan3A_140 : i32 to index
        %get3A_196 = arith.constant 80 : index
        %get3A_197 = tpu.vector_load %arg13[%get3A_194, %get3A_195, %get3A_196] {strides = array<i32>} : memref<2x32x768xf32, #tpu.memory_space<vmem>>, vector<16xf32>,
        %mul3A_198 = arith.mulf %get3A_193, %get3A_197 : vector<16xf32>
        %add3A_199 = arith.addf %add3A_189, %mul3A_198 : vector<16xf32>
        %get3A_200 = arith.index_cast %rem3A_106 : i32 to index
        %get3A_201 = arith.index_cast %scan3A_140 : i32 to index
        %get3A_202 = arith.constant 96 : index
        %get3A_203 = tpu.vector_load %arg12[%get3A_200, %get3A_201, %get3A_202] {strides = array<i32>} : memref<2x32x768xf32, #tpu.memory_space<vmem>>, vector<16xf32>,
        %get3A_204 = arith.index_cast %rem3A_106 : i32 to index
        %get3A_205 = arith.index_cast %scan3A_140 : i32 to index
        %get3A_206 = arith.constant 96 : index
        %get3A_207 = tpu.vector_load %arg13[%get3A_204, %get3A_205, %get3A_206] {strides = array<i32>} : memref<2x32x768xf32, #tpu.memory_space<vmem>>, vector<16xf32>,
        %mul3A_208 = arith.mulf %get3A_203, %get3A_207 : vector<16xf32>
        %add3A_209 = arith.addf %add3A_199, %mul3A_208 : vector<16xf32>
        %get3A_210 = arith.index_cast %rem3A_106 : i32 to index
        %get3A_211 = arith.index_cast %scan3A_140 : i32 to index
        %get3A_212 = arith.constant 112 : index
        %get3A_213 = tpu.vector_load %arg12[%get3A_210, %get3A_211, %get3A_212] {strides = array<i32>} : memref<2x32x768xf32, #tpu.memory_space<vmem>>, vector<16xf32>,
        %get3A_214 = arith.index_cast %rem3A_106 : i32 to index
        %get3A_215 = arith.index_cast %scan3A_140 : i32 to index
        %get3A_216 = arith.constant 112 : index
        %get3A_217 = tpu.vector_load %arg13[%get3A_214, %get3A_215, %get3A_216] {strides = array<i32>} : memref<2x32x768xf32, #tpu.memory_space<vmem>>, vector<16xf32>,
        %mul3A_218 = arith.mulf %get3A_213, %get3A_217 : vector<16xf32>
        %add3A_219 = arith.addf %add3A_209, %mul3A_218 : vector<16xf32>
        %get3A_220 = arith.index_cast %rem3A_106 : i32 to index
        %get3A_221 = arith.index_cast %scan3A_140 : i32 to index
        %get3A_222 = arith.constant 128 : index
        %get3A_223 = tpu.vector_load %arg12[%get3A_220, %get3A_221, %get3A_222] {strides = array<i32>} : memref<2x32x768xf32, #tpu.memory_space<vmem>>, vector<16xf32>,
        %get3A_224 = arith.index_cast %rem3A_106 : i32 to index
        %get3A_225 = arith.index_cast %scan3A_140 : i32 to index
        %get3A_226 = arith.constant 128 : index
        %get3A_227 = tpu.vector_load %arg13[%get3A_224, %get3A_225, %get3A_226] {strides = array<i32>} : memref<2x32x768xf32, #tpu.memory_space<vmem>>, vector<16xf32>,
        %mul3A_228 = arith.mulf %get3A_223, %get3A_227 : vector<16xf32>
        %add3A_229 = arith.addf %add3A_219, %mul3A_228 : vector<16xf32>
        %get3A_230 = arith.index_cast %rem3A_106 : i32 to index
        %get3A_231 = arith.index_cast %scan3A_140 : i32 to index
        %get3A_232 = arith.constant 144 : index
        %get3A_233 = tpu.vector_load %arg12[%get3A_230, %get3A_231, %get3A_232] {strides = array<i32>} : memref<2x32x768xf32, #tpu.memory_space<vmem>>, vector<16xf32>,
        %get3A_234 = arith.index_cast %rem3A_106 : i32 to index
        %get3A_235 = arith.index_cast %scan3A_140 : i32 to index
        %get3A_236 = arith.constant 144 : index
        %get3A_237 = tpu.vector_load %arg13[%get3A_234, %get3A_235, %get3A_236] {strides = array<i32>} : memref<2x32x768xf32, #tpu.memory_space<vmem>>, vector<16xf32>,
        %mul3A_238 = arith.mulf %get3A_233, %get3A_237 : vector<16xf32>
        %add3A_239 = arith.addf %add3A_229, %mul3A_238 : vector<16xf32>
        %get3A_240 = arith.index_cast %rem3A_106 : i32 to index
        %get3A_241 = arith.index_cast %scan3A_140 : i32 to index
        %get3A_242 = arith.constant 160 : index
        %get3A_243 = tpu.vector_load %arg12[%get3A_240, %get3A_241, %get3A_242] {strides = array<i32>} : memref<2x32x768xf32, #tpu.memory_space<vmem>>, vector<16xf32>,
        %get3A_244 = arith.index_cast %rem3A_106 : i32 to index
        %get3A_245 = arith.index_cast %scan3A_140 : i32 to index
        %get3A_246 = arith.constant 160 : index
        %get3A_247 = tpu.vector_load %arg13[%get3A_244, %get3A_245, %get3A_246] {strides = array<i32>} : memref<2x32x768xf32, #tpu.memory_space<vmem>>, vector<16xf32>,
        %mul3A_248 = arith.mulf %get3A_243, %get3A_247 : vector<16xf32>
        %add3A_249 = arith.addf %add3A_239, %mul3A_248 : vector<16xf32>
        %get3A_250 = arith.index_cast %rem3A_106 : i32 to index
        %get3A_251 = arith.index_cast %scan3A_140 : i32 to index
        %get3A_252 = arith.constant 176 : index
        %get3A_253 = tpu.vector_load %arg12[%get3A_250, %get3A_251, %get3A_252] {strides = array<i32>} : memref<2x32x768xf32, #tpu.memory_space<vmem>>, vector<16xf32>,
        %get3A_254 = arith.index_cast %rem3A_106 : i32 to index
        %get3A_255 = arith.index_cast %scan3A_140 : i32 to index
        %get3A_256 = arith.constant 176 : index
        %get3A_257 = tpu.vector_load %arg13[%get3A_254, %get3A_255, %get3A_256] {strides = array<i32>} : memref<2x32x768xf32, #tpu.memory_space<vmem>>, vector<16xf32>,
        %mul3A_258 = arith.mulf %get3A_253, %get3A_257 : vector<16xf32>
        %add3A_259 = arith.addf %add3A_249, %mul3A_258 : vector<16xf32>
        %get3A_260 = arith.index_cast %rem3A_106 : i32 to index
        %get3A_261 = arith.index_cast %scan3A_140 : i32 to index
        %get3A_262 = arith.constant 192 : index
        %get3A_263 = tpu.vector_load %arg12[%get3A_260, %get3A_261, %get3A_262] {strides = array<i32>} : memref<2x32x768xf32, #tpu.memory_space<vmem>>, vector<16xf32>,
        %get3A_264 = arith.index_cast %rem3A_106 : i32 to index
        %get3A_265 = arith.index_cast %scan3A_140 : i32 to index
        %get3A_266 = arith.constant 192 : index
        %get3A_267 = tpu.vector_load %arg13[%get3A_264, %get3A_265, %get3A_266] {strides = array<i32>} : memref<2x32x768xf32, #tpu.memory_space<vmem>>, vector<16xf32>,
        %mul3A_268 = arith.mulf %get3A_263, %get3A_267 : vector<16xf32>
        %add3A_269 = arith.addf %add3A_259, %mul3A_268 : vector<16xf32>
        %get3A_270 = arith.index_cast %rem3A_106 : i32 to index
        %get3A_271 = arith.index_cast %scan3A_140 : i32 to index
        %get3A_272 = arith.constant 208 : index
        %get3A_273 = tpu.vector_load %arg12[%get3A_270, %get3A_271, %get3A_272] {strides = array<i32>} : memref<2x32x768xf32, #tpu.memory_space<vmem>>, vector<16xf32>,
        %get3A_274 = arith.index_cast %rem3A_106 : i32 to index
        %get3A_275 = arith.index_cast %scan3A_140 : i32 to index
        %get3A_276 = arith.constant 208 : index
        %get3A_277 = tpu.vector_load %arg13[%get3A_274, %get3A_275, %get3A_276] {strides = array<i32>} : memref<2x32x768xf32, #tpu.memory_space<vmem>>, vector<16xf32>,
        %mul3A_278 = arith.mulf %get3A_273, %get3A_277 : vector<16xf32>
        %add3A_279 = arith.addf %add3A_269, %mul3A_278 : vector<16xf32>
        %get3A_280 = arith.index_cast %rem3A_106 : i32 to index
        %get3A_281 = arith.index_cast %scan3A_140 : i32 to index
        %get3A_282 = arith.constant 224 : index
        %get3A_283 = tpu.vector_load %arg12[%get3A_280, %get3A_281, %get3A_282] {strides = array<i32>} : memref<2x32x768xf32, #tpu.memory_space<vmem>>, vector<16xf32>,
        %get3A_284 = arith.index_cast %rem3A_106 : i32 to index
        %get3A_285 = arith.index_cast %scan3A_140 : i32 to index
        %get3A_286 = arith.constant 224 : index
        %get3A_287 = tpu.vector_load %arg13[%get3A_284, %get3A_285, %get3A_286] {strides = array<i32>} : memref<2x32x768xf32, #tpu.memory_space<vmem>>, vector<16xf32>,
        %mul3A_288 = arith.mulf %get3A_283, %get3A_287 : vector<16xf32>
        %add3A_289 = arith.addf %add3A_279, %mul3A_288 : vector<16xf32>
        %get3A_290 = arith.index_cast %rem3A_106 : i32 to index
        %get3A_291 = arith.index_cast %scan3A_140 : i32 to index
        %get3A_292 = arith.constant 240 : index
        %get3A_293 = tpu.vector_load %arg12[%get3A_290, %get3A_291, %get3A_292] {strides = array<i32>} : memref<2x32x768xf32, #tpu.memory_space<vmem>>, vector<16xf32>,
        %get3A_294 = arith.index_cast %rem3A_106 : i32 to index
        %get3A_295 = arith.index_cast %scan3A_140 : i32 to index
        %get3A_296 = arith.constant 240 : index
        %get3A_297 = tpu.vector_load %arg13[%get3A_294, %get3A_295, %get3A_296] {strides = array<i32>} : memref<2x32x768xf32, #tpu.memory_space<vmem>>, vector<16xf32>,
        %mul3A_298 = arith.mulf %get3A_293, %get3A_297 : vector<16xf32>
        %add3A_299 = arith.addf %add3A_289, %mul3A_298 : vector<16xf32>
        %get3A_300 = arith.index_cast %rem3A_106 : i32 to index
        %get3A_301 = arith.index_cast %scan3A_140 : i32 to index
        %get3A_302 = arith.constant 256 : index
        %get3A_303 = tpu.vector_load %arg12[%get3A_300, %get3A_301, %get3A_302] {strides = array<i32>} : memref<2x32x768xf32, #tpu.memory_space<vmem>>, vector<16xf32>,
        %get3A_304 = arith.index_cast %rem3A_106 : i32 to index
        %get3A_305 = arith.index_cast %scan3A_140 : i32 to index
        %get3A_306 = arith.constant 256 : index
        %get3A_307 = tpu.vector_load %arg13[%get3A_304, %get3A_305, %get3A_306] {strides = array<i32>} : memref<2x32x768xf32, #tpu.memory_space<vmem>>, vector<16xf32>,
        %mul3A_308 = arith.mulf %get3A_303, %get3A_307 : vector<16xf32>
        %add3A_309 = arith.addf %add3A_299, %mul3A_308 : vector<16xf32>
        %get3A_310 = arith.index_cast %rem3A_106 : i32 to index
        %get3A_311 = arith.index_cast %scan3A_140 : i32 to index
        %get3A_312 = arith.constant 272 : index
        %get3A_313 = tpu.vector_load %arg12[%get3A_310, %get3A_311, %get3A_312] {strides = array<i32>} : memref<2x32x768xf32, #tpu.memory_space<vmem>>, vector<16xf32>,
        %get3A_314 = arith.index_cast %rem3A_106 : i32 to index
        %get3A_315 = arith.index_cast %scan3A_140 : i32 to index
        %get3A_316 = arith.constant 272 : index
        %get3A_317 = tpu.vector_load %arg13[%get3A_314, %get3A_315, %get3A_316] {strides = array<i32>} : memref<2x32x768xf32, #tpu.memory_space<vmem>>, vector<16xf32>,
        %mul3A_318 = arith.mulf %get3A_313, %get3A_317 : vector<16xf32>
        %add3A_319 = arith.addf %add3A_309, %mul3A_318 : vector<16xf32>
        %get3A_320 = arith.index_cast %rem3A_106 : i32 to index
        %get3A_321 = arith.index_cast %scan3A_140 : i32 to index
        %get3A_322 = arith.constant 288 : index
        %get3A_323 = tpu.vector_load %arg12[%get3A_320, %get3A_321, %get3A_322] {strides = array<i32>} : memref<2x32x768xf32, #tpu.memory_space<vmem>>, vector<16xf32>,
        %get3A_324 = arith.index_cast %rem3A_106 : i32 to index
        %get3A_325 = arith.index_cast %scan3A_140 : i32 to index
        %get3A_326 = arith.constant 288 : index
        %get3A_327 = tpu.vector_load %arg13[%get3A_324, %get3A_325, %get3A_326] {strides = array<i32>} : memref<2x32x768xf32, #tpu.memory_space<vmem>>, vector<16xf32>,
        %mul3A_328 = arith.mulf %get3A_323, %get3A_327 : vector<16xf32>
        %add3A_329 = arith.addf %add3A_319, %mul3A_328 : vector<16xf32>
        %get3A_330 = arith.index_cast %rem3A_106 : i32 to index
        %get3A_331 = arith.index_cast %scan3A_140 : i32 to index
        %get3A_332 = arith.constant 304 : index
        %get3A_333 = tpu.vector_load %arg12[%get3A_330, %get3A_331, %get3A_332] {strides = array<i32>} : memref<2x32x768xf32, #tpu.memory_space<vmem>>, vector<16xf32>,
        %get3A_334 = arith.index_cast %rem3A_106 : i32 to index
        %get3A_335 = arith.index_cast %scan3A_140 : i32 to index
        %get3A_336 = arith.constant 304 : index
        %get3A_337 = tpu.vector_load %arg13[%get3A_334, %get3A_335, %get3A_336] {strides = array<i32>} : memref<2x32x768xf32, #tpu.memory_space<vmem>>, vector<16xf32>,
        %mul3A_338 = arith.mulf %get3A_333, %get3A_337 : vector<16xf32>
        %add3A_339 = arith.addf %add3A_329, %mul3A_338 : vector<16xf32>
        %get3A_340 = arith.index_cast %rem3A_106 : i32 to index
        %get3A_341 = arith.index_cast %scan3A_140 : i32 to index
        %get3A_342 = arith.constant 320 : index
        %get3A_343 = tpu.vector_load %arg12[%get3A_340, %get3A_341, %get3A_342] {strides = array<i32>} : memref<2x32x768xf32, #tpu.memory_space<vmem>>, vector<16xf32>,
        %get3A_344 = arith.index_cast %rem3A_106 : i32 to index
        %get3A_345 = arith.index_cast %scan3A_140 : i32 to index
        %get3A_346 = arith.constant 320 : index
        %get3A_347 = tpu.vector_load %arg13[%get3A_344, %get3A_345, %get3A_346] {strides = array<i32>} : memref<2x32x768xf32, #tpu.memory_space<vmem>>, vector<16xf32>,
        %mul3A_348 = arith.mulf %get3A_343, %get3A_347 : vector<16xf32>
        %add3A_349 = arith.addf %add3A_339, %mul3A_348 : vector<16xf32>
        %get3A_350 = arith.index_cast %rem3A_106 : i32 to index
        %get3A_351 = arith.index_cast %scan3A_140 : i32 to index
        %get3A_352 = arith.constant 336 : index
        %get3A_353 = tpu.vector_load %arg12[%get3A_350, %get3A_351, %get3A_352] {strides = array<i32>} : memref<2x32x768xf32, #tpu.memory_space<vmem>>, vector<16xf32>,
        %get3A_354 = arith.index_cast %rem3A_106 : i32 to index
        %get3A_355 = arith.index_cast %scan3A_140 : i32 to index
        %get3A_356 = arith.constant 336 : index
        %get3A_357 = tpu.vector_load %arg13[%get3A_354, %get3A_355, %get3A_356] {strides = array<i32>} : memref<2x32x768xf32, #tpu.memory_space<vmem>>, vector<16xf32>,
        %mul3A_358 = arith.mulf %get3A_353, %get3A_357 : vector<16xf32>
        %add3A_359 = arith.addf %add3A_349, %mul3A_358 : vector<16xf32>
        %get3A_360 = arith.index_cast %rem3A_106 : i32 to index
        %get3A_361 = arith.index_cast %scan3A_140 : i32 to index
        %get3A_362 = arith.constant 352 : index
        %get3A_363 = tpu.vector_load %arg12[%get3A_360, %get3A_361, %get3A_362] {strides = array<i32>} : memref<2x32x768xf32, #tpu.memory_space<vmem>>, vector<16xf32>,
        %get3A_364 = arith.index_cast %rem3A_106 : i32 to index
        %get3A_365 = arith.index_cast %scan3A_140 : i32 to index
        %get3A_366 = arith.constant 352 : index
        %get3A_367 = tpu.vector_load %arg13[%get3A_364, %get3A_365, %get3A_366] {strides = array<i32>} : memref<2x32x768xf32, #tpu.memory_space<vmem>>, vector<16xf32>,
        %mul3A_368 = arith.mulf %get3A_363, %get3A_367 : vector<16xf32>
        %add3A_369 = arith.addf %add3A_359, %mul3A_368 : vector<16xf32>
        %get3A_370 = arith.index_cast %rem3A_106 : i32 to index
        %get3A_371 = arith.index_cast %scan3A_140 : i32 to index
        %get3A_372 = arith.constant 368 : index
        %get3A_373 = tpu.vector_load %arg12[%get3A_370, %get3A_371, %get3A_372] {strides = array<i32>} : memref<2x32x768xf32, #tpu.memory_space<vmem>>, vector<16xf32>,
        %get3A_374 = arith.index_cast %rem3A_106 : i32 to index
        %get3A_375 = arith.index_cast %scan3A_140 : i32 to index
        %get3A_376 = arith.constant 368 : index
        %get3A_377 = tpu.vector_load %arg13[%get3A_374, %get3A_375, %get3A_376] {strides = array<i32>} : memref<2x32x768xf32, #tpu.memory_space<vmem>>, vector<16xf32>,
        %mul3A_378 = arith.mulf %get3A_373, %get3A_377 : vector<16xf32>
        %add3A_379 = arith.addf %add3A_369, %mul3A_378 : vector<16xf32>
        %get3A_380 = arith.index_cast %rem3A_106 : i32 to index
        %get3A_381 = arith.index_cast %scan3A_140 : i32 to index
        %get3A_382 = arith.constant 384 : index
        %get3A_383 = tpu.vector_load %arg12[%get3A_380, %get3A_381, %get3A_382] {strides = array<i32>} : memref<2x32x768xf32, #tpu.memory_space<vmem>>, vector<16xf32>,
        %get3A_384 = arith.index_cast %rem3A_106 : i32 to index
        %get3A_385 = arith.index_cast %scan3A_140 : i32 to index
        %get3A_386 = arith.constant 384 : index
        %get3A_387 = tpu.vector_load %arg13[%get3A_384, %get3A_385, %get3A_386] {strides = array<i32>} : memref<2x32x768xf32, #tpu.memory_space<vmem>>, vector<16xf32>,
        %mul3A_388 = arith.mulf %get3A_383, %get3A_387 : vector<16xf32>
        %add3A_389 = arith.addf %add3A_379, %mul3A_388 : vector<16xf32>
        %get3A_390 = arith.index_cast %rem3A_106 : i32 to index
        %get3A_391 = arith.index_cast %scan3A_140 : i32 to index
        %get3A_392 = arith.constant 400 : index
        %get3A_393 = tpu.vector_load %arg12[%get3A_390, %get3A_391, %get3A_392] {strides = array<i32>} : memref<2x32x768xf32, #tpu.memory_space<vmem>>, vector<16xf32>,
        %get3A_394 = arith.index_cast %rem3A_106 : i32 to index
        %get3A_395 = arith.index_cast %scan3A_140 : i32 to index
        %get3A_396 = arith.constant 400 : index
        %get3A_397 = tpu.vector_load %arg13[%get3A_394, %get3A_395, %get3A_396] {strides = array<i32>} : memref<2x32x768xf32, #tpu.memory_space<vmem>>, vector<16xf32>,
        %mul3A_398 = arith.mulf %get3A_393, %get3A_397 : vector<16xf32>
        %add3A_399 = arith.addf %add3A_389, %mul3A_398 : vector<16xf32>
        %get3A_400 = arith.index_cast %rem3A_106 : i32 to index
        %get3A_401 = arith.index_cast %scan3A_140 : i32 to index
        %get3A_402 = arith.constant 416 : index
        %get3A_403 = tpu.vector_load %arg12[%get3A_400, %get3A_401, %get3A_402] {strides = array<i32>} : memref<2x32x768xf32, #tpu.memory_space<vmem>>, vector<16xf32>,
        %get3A_404 = arith.index_cast %rem3A_106 : i32 to index
        %get3A_405 = arith.index_cast %scan3A_140 : i32 to index
        %get3A_406 = arith.constant 416 : index
        %get3A_407 = tpu.vector_load %arg13[%get3A_404, %get3A_405, %get3A_406] {strides = array<i32>} : memref<2x32x768xf32, #tpu.memory_space<vmem>>, vector<16xf32>,
        %mul3A_408 = arith.mulf %get3A_403, %get3A_407 : vector<16xf32>
        %add3A_409 = arith.addf %add3A_399, %mul3A_408 : vector<16xf32>
        %get3A_410 = arith.index_cast %rem3A_106 : i32 to index
        %get3A_411 = arith.index_cast %scan3A_140 : i32 to index
        %get3A_412 = arith.constant 432 : index
        %get3A_413 = tpu.vector_load %arg12[%get3A_410, %get3A_411, %get3A_412] {strides = array<i32>} : memref<2x32x768xf32, #tpu.memory_space<vmem>>, vector<16xf32>,
        %get3A_414 = arith.index_cast %rem3A_106 : i32 to index
        %get3A_415 = arith.index_cast %scan3A_140 : i32 to index
        %get3A_416 = arith.constant 432 : index
        %get3A_417 = tpu.vector_load %arg13[%get3A_414, %get3A_415, %get3A_416] {strides = array<i32>} : memref<2x32x768xf32, #tpu.memory_space<vmem>>, vector<16xf32>,
        %mul3A_418 = arith.mulf %get3A_413, %get3A_417 : vector<16xf32>
        %add3A_419 = arith.addf %add3A_409, %mul3A_418 : vector<16xf32>
        %get3A_420 = arith.index_cast %rem3A_106 : i32 to index
        %get3A_421 = arith.index_cast %scan3A_140 : i32 to index
        %get3A_422 = arith.constant 448 : index
        %get3A_423 = tpu.vector_load %arg12[%get3A_420, %get3A_421, %get3A_422] {strides = array<i32>} : memref<2x32x768xf32, #tpu.memory_space<vmem>>, vector<16xf32>,
        %get3A_424 = arith.index_cast %rem3A_106 : i32 to index
        %get3A_425 = arith.index_cast %scan3A_140 : i32 to index
        %get3A_426 = arith.constant 448 : index
        %get3A_427 = tpu.vector_load %arg13[%get3A_424, %get3A_425, %get3A_426] {strides = array<i32>} : memref<2x32x768xf32, #tpu.memory_space<vmem>>, vector<16xf32>,
        %mul3A_428 = arith.mulf %get3A_423, %get3A_427 : vector<16xf32>
        %add3A_429 = arith.addf %add3A_419, %mul3A_428 : vector<16xf32>
        %get3A_430 = arith.index_cast %rem3A_106 : i32 to index
        %get3A_431 = arith.index_cast %scan3A_140 : i32 to index
        %get3A_432 = arith.constant 464 : index
        %get3A_433 = tpu.vector_load %arg12[%get3A_430, %get3A_431, %get3A_432] {strides = array<i32>} : memref<2x32x768xf32, #tpu.memory_space<vmem>>, vector<16xf32>,
        %get3A_434 = arith.index_cast %rem3A_106 : i32 to index
        %get3A_435 = arith.index_cast %scan3A_140 : i32 to index
        %get3A_436 = arith.constant 464 : index
        %get3A_437 = tpu.vector_load %arg13[%get3A_434, %get3A_435, %get3A_436] {strides = array<i32>} : memref<2x32x768xf32, #tpu.memory_space<vmem>>, vector<16xf32>,
        %mul3A_438 = arith.mulf %get3A_433, %get3A_437 : vector<16xf32>
        %add3A_439 = arith.addf %add3A_429, %mul3A_438 : vector<16xf32>
        %get3A_440 = arith.index_cast %rem3A_106 : i32 to index
        %get3A_441 = arith.index_cast %scan3A_140 : i32 to index
        %get3A_442 = arith.constant 480 : index
        %get3A_443 = tpu.vector_load %arg12[%get3A_440, %get3A_441, %get3A_442] {strides = array<i32>} : memref<2x32x768xf32, #tpu.memory_space<vmem>>, vector<16xf32>,
        %get3A_444 = arith.index_cast %rem3A_106 : i32 to index
        %get3A_445 = arith.index_cast %scan3A_140 : i32 to index
        %get3A_446 = arith.constant 480 : index
        %get3A_447 = tpu.vector_load %arg13[%get3A_444, %get3A_445, %get3A_446] {strides = array<i32>} : memref<2x32x768xf32, #tpu.memory_space<vmem>>, vector<16xf32>,
        %mul3A_448 = arith.mulf %get3A_443, %get3A_447 : vector<16xf32>
        %add3A_449 = arith.addf %add3A_439, %mul3A_448 : vector<16xf32>
        %get3A_450 = arith.index_cast %rem3A_106 : i32 to index
        %get3A_451 = arith.index_cast %scan3A_140 : i32 to index
        %get3A_452 = arith.constant 496 : index
        %get3A_453 = tpu.vector_load %arg12[%get3A_450, %get3A_451, %get3A_452] {strides = array<i32>} : memref<2x32x768xf32, #tpu.memory_space<vmem>>, vector<16xf32>,
        %get3A_454 = arith.index_cast %rem3A_106 : i32 to index
        %get3A_455 = arith.index_cast %scan3A_140 : i32 to index
        %get3A_456 = arith.constant 496 : index
        %get3A_457 = tpu.vector_load %arg13[%get3A_454, %get3A_455, %get3A_456] {strides = array<i32>} : memref<2x32x768xf32, #tpu.memory_space<vmem>>, vector<16xf32>,
        %mul3A_458 = arith.mulf %get3A_453, %get3A_457 : vector<16xf32>
        %add3A_459 = arith.addf %add3A_449, %mul3A_458 : vector<16xf32>
        %get3A_460 = arith.index_cast %rem3A_106 : i32 to index
        %get3A_461 = arith.index_cast %scan3A_140 : i32 to index
        %get3A_462 = arith.constant 512 : index
        %get3A_463 = tpu.vector_load %arg12[%get3A_460, %get3A_461, %get3A_462] {strides = array<i32>} : memref<2x32x768xf32, #tpu.memory_space<vmem>>, vector<16xf32>,
        %get3A_464 = arith.index_cast %rem3A_106 : i32 to index
        %get3A_465 = arith.index_cast %scan3A_140 : i32 to index
        %get3A_466 = arith.constant 512 : index
        %get3A_467 = tpu.vector_load %arg13[%get3A_464, %get3A_465, %get3A_466] {strides = array<i32>} : memref<2x32x768xf32, #tpu.memory_space<vmem>>, vector<16xf32>,
        %mul3A_468 = arith.mulf %get3A_463, %get3A_467 : vector<16xf32>
        %add3A_469 = arith.addf %add3A_459, %mul3A_468 : vector<16xf32>
        %get3A_470 = arith.index_cast %rem3A_106 : i32 to index
        %get3A_471 = arith.index_cast %scan3A_140 : i32 to index
        %get3A_472 = arith.constant 528 : index
        %get3A_473 = tpu.vector_load %arg12[%get3A_470, %get3A_471, %get3A_472] {strides = array<i32>} : memref<2x32x768xf32, #tpu.memory_space<vmem>>, vector<16xf32>,
        %get3A_474 = arith.index_cast %rem3A_106 : i32 to index
        %get3A_475 = arith.index_cast %scan3A_140 : i32 to index
        %get3A_476 = arith.constant 528 : index
        %get3A_477 = tpu.vector_load %arg13[%get3A_474, %get3A_475, %get3A_476] {strides = array<i32>} : memref<2x32x768xf32, #tpu.memory_space<vmem>>, vector<16xf32>,
        %mul3A_478 = arith.mulf %get3A_473, %get3A_477 : vector<16xf32>
        %add3A_479 = arith.addf %add3A_469, %mul3A_478 : vector<16xf32>
        %get3A_480 = arith.index_cast %rem3A_106 : i32 to index
        %get3A_481 = arith.index_cast %scan3A_140 : i32 to index
        %get3A_482 = arith.constant 544 : index
        %get3A_483 = tpu.vector_load %arg12[%get3A_480, %get3A_481, %get3A_482] {strides = array<i32>} : memref<2x32x768xf32, #tpu.memory_space<vmem>>, vector<16xf32>,
        %get3A_484 = arith.index_cast %rem3A_106 : i32 to index
        %get3A_485 = arith.index_cast %scan3A_140 : i32 to index
        %get3A_486 = arith.constant 544 : index
        %get3A_487 = tpu.vector_load %arg13[%get3A_484, %get3A_485, %get3A_486] {strides = array<i32>} : memref<2x32x768xf32, #tpu.memory_space<vmem>>, vector<16xf32>,
        %mul3A_488 = arith.mulf %get3A_483, %get3A_487 : vector<16xf32>
        %add3A_489 = arith.addf %add3A_479, %mul3A_488 : vector<16xf32>
        %get3A_490 = arith.index_cast %rem3A_106 : i32 to index
        %get3A_491 = arith.index_cast %scan3A_140 : i32 to index
        %get3A_492 = arith.constant 560 : index
        %get3A_493 = tpu.vector_load %arg12[%get3A_490, %get3A_491, %get3A_492] {strides = array<i32>} : memref<2x32x768xf32, #tpu.memory_space<vmem>>, vector<16xf32>,
        %get3A_494 = arith.index_cast %rem3A_106 : i32 to index
        %get3A_495 = arith.index_cast %scan3A_140 : i32 to index
        %get3A_496 = arith.constant 560 : index
        %get3A_497 = tpu.vector_load %arg13[%get3A_494, %get3A_495, %get3A_496] {strides = array<i32>} : memref<2x32x768xf32, #tpu.memory_space<vmem>>, vector<16xf32>,
        %mul3A_498 = arith.mulf %get3A_493, %get3A_497 : vector<16xf32>
        %add3A_499 = arith.addf %add3A_489, %mul3A_498 : vector<16xf32>
        %get3A_500 = arith.index_cast %rem3A_106 : i32 to index
        %get3A_501 = arith.index_cast %scan3A_140 : i32 to index
        %get3A_502 = arith.constant 576 : index
        %get3A_503 = tpu.vector_load %arg12[%get3A_500, %get3A_501, %get3A_502] {strides = array<i32>} : memref<2x32x768xf32, #tpu.memory_space<vmem>>, vector<16xf32>,
        %get3A_504 = arith.index_cast %rem3A_106 : i32 to index
        %get3A_505 = arith.index_cast %scan3A_140 : i32 to index
        %get3A_506 = arith.constant 576 : index
        %get3A_507 = tpu.vector_load %arg13[%get3A_504, %get3A_505, %get3A_506] {strides = array<i32>} : memref<2x32x768xf32, #tpu.memory_space<vmem>>, vector<16xf32>,
        %mul3A_508 = arith.mulf %get3A_503, %get3A_507 : vector<16xf32>
        %add3A_509 = arith.addf %add3A_499, %mul3A_508 : vector<16xf32>
        %get3A_510 = arith.index_cast %rem3A_106 : i32 to index
        %get3A_511 = arith.index_cast %scan3A_140 : i32 to index
        %get3A_512 = arith.constant 592 : index
        %get3A_513 = tpu.vector_load %arg12[%get3A_510, %get3A_511, %get3A_512] {strides = array<i32>} : memref<2x32x768xf32, #tpu.memory_space<vmem>>, vector<16xf32>,
        %get3A_514 = arith.index_cast %rem3A_106 : i32 to index
        %get3A_515 = arith.index_cast %scan3A_140 : i32 to index
        %get3A_516 = arith.constant 592 : index
        %get3A_517 = tpu.vector_load %arg13[%get3A_514, %get3A_515, %get3A_516] {strides = array<i32>} : memref<2x32x768xf32, #tpu.memory_space<vmem>>, vector<16xf32>,
        %mul3A_518 = arith.mulf %get3A_513, %get3A_517 : vector<16xf32>
        %add3A_519 = arith.addf %add3A_509, %mul3A_518 : vector<16xf32>
        %get3A_520 = arith.index_cast %rem3A_106 : i32 to index
        %get3A_521 = arith.index_cast %scan3A_140 : i32 to index
        %get3A_522 = arith.constant 608 : index
        %get3A_523 = tpu.vector_load %arg12[%get3A_520, %get3A_521, %get3A_522] {strides = array<i32>} : memref<2x32x768xf32, #tpu.memory_space<vmem>>, vector<16xf32>,
        %get3A_524 = arith.index_cast %rem3A_106 : i32 to index
        %get3A_525 = arith.index_cast %scan3A_140 : i32 to index
        %get3A_526 = arith.constant 608 : index
        %get3A_527 = tpu.vector_load %arg13[%get3A_524, %get3A_525, %get3A_526] {strides = array<i32>} : memref<2x32x768xf32, #tpu.memory_space<vmem>>, vector<16xf32>,
        %mul3A_528 = arith.mulf %get3A_523, %get3A_527 : vector<16xf32>
        %add3A_529 = arith.addf %add3A_519, %mul3A_528 : vector<16xf32>
        %get3A_530 = arith.index_cast %rem3A_106 : i32 to index
        %get3A_531 = arith.index_cast %scan3A_140 : i32 to index
        %get3A_532 = arith.constant 624 : index
        %get3A_533 = tpu.vector_load %arg12[%get3A_530, %get3A_531, %get3A_532] {strides = array<i32>} : memref<2x32x768xf32, #tpu.memory_space<vmem>>, vector<16xf32>,
        %get3A_534 = arith.index_cast %rem3A_106 : i32 to index
        %get3A_535 = arith.index_cast %scan3A_140 : i32 to index
        %get3A_536 = arith.constant 624 : index
        %get3A_537 = tpu.vector_load %arg13[%get3A_534, %get3A_535, %get3A_536] {strides = array<i32>} : memref<2x32x768xf32, #tpu.memory_space<vmem>>, vector<16xf32>,
        %mul3A_538 = arith.mulf %get3A_533, %get3A_537 : vector<16xf32>
        %add3A_539 = arith.addf %add3A_529, %mul3A_538 : vector<16xf32>
        %get3A_540 = arith.index_cast %rem3A_106 : i32 to index
        %get3A_541 = arith.index_cast %scan3A_140 : i32 to index
        %get3A_542 = arith.constant 640 : index
        %get3A_543 = tpu.vector_load %arg12[%get3A_540, %get3A_541, %get3A_542] {strides = array<i32>} : memref<2x32x768xf32, #tpu.memory_space<vmem>>, vector<16xf32>,
        %get3A_544 = arith.index_cast %rem3A_106 : i32 to index
        %get3A_545 = arith.index_cast %scan3A_140 : i32 to index
        %get3A_546 = arith.constant 640 : index
        %get3A_547 = tpu.vector_load %arg13[%get3A_544, %get3A_545, %get3A_546] {strides = array<i32>} : memref<2x32x768xf32, #tpu.memory_space<vmem>>, vector<16xf32>,
        %mul3A_548 = arith.mulf %get3A_543, %get3A_547 : vector<16xf32>
        %add3A_549 = arith.addf %add3A_539, %mul3A_548 : vector<16xf32>
        %get3A_550 = arith.index_cast %rem3A_106 : i32 to index
        %get3A_551 = arith.index_cast %scan3A_140 : i32 to index
        %get3A_552 = arith.constant 656 : index
        %get3A_553 = tpu.vector_load %arg12[%get3A_550, %get3A_551, %get3A_552] {strides = array<i32>} : memref<2x32x768xf32, #tpu.memory_space<vmem>>, vector<16xf32>,
        %get3A_554 = arith.index_cast %rem3A_106 : i32 to index
        %get3A_555 = arith.index_cast %scan3A_140 : i32 to index
        %get3A_556 = arith.constant 656 : index
        %get3A_557 = tpu.vector_load %arg13[%get3A_554, %get3A_555, %get3A_556] {strides = array<i32>} : memref<2x32x768xf32, #tpu.memory_space<vmem>>, vector<16xf32>,
        %mul3A_558 = arith.mulf %get3A_553, %get3A_557 : vector<16xf32>
        %add3A_559 = arith.addf %add3A_549, %mul3A_558 : vector<16xf32>
        %get3A_560 = arith.index_cast %rem3A_106 : i32 to index
        %get3A_561 = arith.index_cast %scan3A_140 : i32 to index
        %get3A_562 = arith.constant 672 : index
        %get3A_563 = tpu.vector_load %arg12[%get3A_560, %get3A_561, %get3A_562] {strides = array<i32>} : memref<2x32x768xf32, #tpu.memory_space<vmem>>, vector<16xf32>,
        %get3A_564 = arith.index_cast %rem3A_106 : i32 to index
        %get3A_565 = arith.index_cast %scan3A_140 : i32 to index
        %get3A_566 = arith.constant 672 : index
        %get3A_567 = tpu.vector_load %arg13[%get3A_564, %get3A_565, %get3A_566] {strides = array<i32>} : memref<2x32x768xf32, #tpu.memory_space<vmem>>, vector<16xf32>,
        %mul3A_568 = arith.mulf %get3A_563, %get3A_567 : vector<16xf32>
        %add3A_569 = arith.addf %add3A_559, %mul3A_568 : vector<16xf32>
        %get3A_570 = arith.index_cast %rem3A_106 : i32 to index
        %get3A_571 = arith.index_cast %scan3A_140 : i32 to index
        %get3A_572 = arith.constant 688 : index
        %get3A_573 = tpu.vector_load %arg12[%get3A_570, %get3A_571, %get3A_572] {strides = array<i32>} : memref<2x32x768xf32, #tpu.memory_space<vmem>>, vector<16xf32>,
        %get3A_574 = arith.index_cast %rem3A_106 : i32 to index
        %get3A_575 = arith.index_cast %scan3A_140 : i32 to index
        %get3A_576 = arith.constant 688 : index
        %get3A_577 = tpu.vector_load %arg13[%get3A_574, %get3A_575, %get3A_576] {strides = array<i32>} : memref<2x32x768xf32, #tpu.memory_space<vmem>>, vector<16xf32>,
        %mul3A_578 = arith.mulf %get3A_573, %get3A_577 : vector<16xf32>
        %add3A_579 = arith.addf %add3A_569, %mul3A_578 : vector<16xf32>
        %get3A_580 = arith.index_cast %rem3A_106 : i32 to index
        %get3A_581 = arith.index_cast %scan3A_140 : i32 to index
        %get3A_582 = arith.constant 704 : index
        %get3A_583 = tpu.vector_load %arg12[%get3A_580, %get3A_581, %get3A_582] {strides = array<i32>} : memref<2x32x768xf32, #tpu.memory_space<vmem>>, vector<16xf32>,
        %get3A_584 = arith.index_cast %rem3A_106 : i32 to index
        %get3A_585 = arith.index_cast %scan3A_140 : i32 to index
        %get3A_586 = arith.constant 704 : index
        %get3A_587 = tpu.vector_load %arg13[%get3A_584, %get3A_585, %get3A_586] {strides = array<i32>} : memref<2x32x768xf32, #tpu.memory_space<vmem>>, vector<16xf32>,
        %mul3A_588 = arith.mulf %get3A_583, %get3A_587 : vector<16xf32>
        %add3A_589 = arith.addf %add3A_579, %mul3A_588 : vector<16xf32>
        %get3A_590 = arith.index_cast %rem3A_106 : i32 to index
        %get3A_591 = arith.index_cast %scan3A_140 : i32 to index
        %get3A_592 = arith.constant 720 : index
        %get3A_593 = tpu.vector_load %arg12[%get3A_590, %get3A_591, %get3A_592] {strides = array<i32>} : memref<2x32x768xf32, #tpu.memory_space<vmem>>, vector<16xf32>,
        %get3A_594 = arith.index_cast %rem3A_106 : i32 to index
        %get3A_595 = arith.index_cast %scan3A_140 : i32 to index
        %get3A_596 = arith.constant 720 : index
        %get3A_597 = tpu.vector_load %arg13[%get3A_594, %get3A_595, %get3A_596] {strides = array<i32>} : memref<2x32x768xf32, #tpu.memory_space<vmem>>, vector<16xf32>,
        %mul3A_598 = arith.mulf %get3A_593, %get3A_597 : vector<16xf32>
        %add3A_599 = arith.addf %add3A_589, %mul3A_598 : vector<16xf32>
        %get3A_600 = arith.index_cast %rem3A_106 : i32 to index
        %get3A_601 = arith.index_cast %scan3A_140 : i32 to index
        %get3A_602 = arith.constant 736 : index
        %get3A_603 = tpu.vector_load %arg12[%get3A_600, %get3A_601, %get3A_602] {strides = array<i32>} : memref<2x32x768xf32, #tpu.memory_space<vmem>>, vector<16xf32>,
        %get3A_604 = arith.index_cast %rem3A_106 : i32 to index
        %get3A_605 = arith.index_cast %scan3A_140 : i32 to index
        %get3A_606 = arith.constant 736 : index
        %get3A_607 = tpu.vector_load %arg13[%get3A_604, %get3A_605, %get3A_606] {strides = array<i32>} : memref<2x32x768xf32, #tpu.memory_space<vmem>>, vector<16xf32>,
        %mul3A_608 = arith.mulf %get3A_603, %get3A_607 : vector<16xf32>
        %add3A_609 = arith.addf %add3A_599, %mul3A_608 : vector<16xf32>
        %get3A_610 = arith.index_cast %rem3A_106 : i32 to index
        %get3A_611 = arith.index_cast %scan3A_140 : i32 to index
        %get3A_612 = arith.constant 752 : index
        %get3A_613 = tpu.vector_load %arg12[%get3A_610, %get3A_611, %get3A_612] {strides = array<i32>} : memref<2x32x768xf32, #tpu.memory_space<vmem>>, vector<16xf32>,
        %get3A_614 = arith.index_cast %rem3A_106 : i32 to index
        %get3A_615 = arith.index_cast %scan3A_140 : i32 to index
        %get3A_616 = arith.constant 752 : index
        %get3A_617 = tpu.vector_load %arg13[%get3A_614, %get3A_615, %get3A_616] {strides = array<i32>} : memref<2x32x768xf32, #tpu.memory_space<vmem>>, vector<16xf32>,
        %mul3A_618 = arith.mulf %get3A_613, %get3A_617 : vector<16xf32>
        %add3A_619 = arith.addf %add3A_609, %mul3A_618 : vector<16xf32>
        %xor3A = arith.constant 8 : i32
        %xor3A_620 = vector.broadcast %xor3A : i32 to vector<16xi32>
        %xor3A_621 = arith.xori %iota3A, %xor3A_620 : vector<16xi32>
        %broadcast_in_dim3A_622 = vector.shape_cast %xor3A_621 : vector<16xi32> to vector<16x1xi32>
        %gather3A = vector.shape_cast %broadcast_in_dim3A_622 : vector<16x1xi32> to vector<16xi32>
        %gather3A_623 = tpu.dynamic_gather %add3A_619[%gather3A] in [0] : vector<16xf32>, vector<16xi32> -> vector<16xf32>
        %add3A_624 = arith.addf %add3A_619, %gather3A_623 : vector<16xf32>
        %xor3A_625 = arith.constant 4 : i32
        %xor3A_626 = vector.broadcast %xor3A_625 : i32 to vector<16xi32>
        %xor3A_627 = arith.xori %iota3A, %xor3A_626 : vector<16xi32>
        %broadcast_in_dim3A_628 = vector.shape_cast %xor3A_627 : vector<16xi32> to vector<16x1xi32>
        %gather3A_629 = vector.shape_cast %broadcast_in_dim3A_628 : vector<16x1xi32> to vector<16xi32>
        %gather3A_630 = tpu.dynamic_gather %add3A_624[%gather3A_629] in [0] : vector<16xf32>, vector<16xi32> -> vector<16xf32>
        %add3A_631 = arith.addf %add3A_624, %gather3A_630 : vector<16xf32>
        %xor3A_632 = arith.constant 2 : i32
        %xor3A_633 = vector.broadcast %xor3A_632 : i32 to vector<16xi32>
        %xor3A_634 = arith.xori %iota3A, %xor3A_633 : vector<16xi32>
        %broadcast_in_dim3A_635 = vector.shape_cast %xor3A_634 : vector<16xi32> to vector<16x1xi32>
        %gather3A_636 = vector.shape_cast %broadcast_in_dim3A_635 : vector<16x1xi32> to vector<16xi32>
        %gather3A_637 = tpu.dynamic_gather %add3A_631[%gather3A_636] in [0] : vector<16xf32>, vector<16xi32> -> vector<16xf32>
        %add3A_638 = arith.addf %add3A_631, %gather3A_637 : vector<16xf32>
        %xor3A_639 = arith.constant 1 : i32
        %xor3A_640 = vector.broadcast %xor3A_639 : i32 to vector<16xi32>
        %xor3A_641 = arith.xori %iota3A, %xor3A_640 : vector<16xi32>
        %broadcast_in_dim3A_642 = vector.shape_cast %xor3A_641 : vector<16xi32> to vector<16x1xi32>
        %gather3A_643 = vector.shape_cast %broadcast_in_dim3A_642 : vector<16x1xi32> to vector<16xi32>
        %gather3A_644 = tpu.dynamic_gather %add3A_638[%gather3A_643] in [0] : vector<16xf32>, vector<16xi32> -> vector<16xf32>
        %add3A_645 = arith.addf %add3A_638, %gather3A_644 : vector<16xf32>
        %mul3A_646 = arith.constant 32 : i32
        %mul3A_647 = arith.muli %scan3A_105, %mul3A_646 : i32
        %add3A_648 = arith.addi %mul3A_647, %scan3A_140 : i32
        %broadcast_in_dim3A_649 = vector.broadcast %add3A_648 : i32 to vector<16xi32>
        tpu.vector_store_idx %arg14[%broadcast_in_dim3A_649], %add3A_645 masked %eq3A_35 : memref<512xf32, #tpu.memory_space<vmem>>[vector<16xi32>], vector<16xf32>, vector<16xi1>
      }
      %scan3A_139 = arith.constant 32 : i32
    }
    %scan3A_104 = arith.constant 16 : i32
    "tpu.region"() ({
      %run_scoped3A = tpu.sem_alloc : memref<!tpu.dma_semaphore, #tpu.memory_space<semaphore_mem>>
      %dma_start3A_105 = tpu.memref_slice %arg6[%mul3A_2] : memref<16384xf32, #tpu.memory_space<hbm>> -> memref<512xf32, #tpu.memory_space<hbm>>
      %dma_start3A_106 = tpu.memref_slice %arg6[%mul3A_2] : memref<16384xf32, #tpu.memory_space<hbm>> -> memref<512xf32, #tpu.memory_space<hbm>>
      tpu.enqueue_dma source(%arg14 : memref<512xf32, #tpu.memory_space<vmem>>) target(%dma_start3A_106 : memref<512xf32, #tpu.memory_space<hbm>>) target_semaphore(%run_scoped3A : memref<!tpu.dma_semaphore, #tpu.memory_space<semaphore_mem>>)
      %dma_wait3A_107 = tpu.memref_slice %arg6[%mul3A_2] : memref<16384xf32, #tpu.memory_space<hbm>> -> memref<512xf32, #tpu.memory_space<hbm>>
      %dma_wait3A_108 = tpu.memref_slice %arg6[%mul3A_2] : memref<16384xf32, #tpu.memory_space<hbm>> -> memref<512xf32, #tpu.memory_space<hbm>>
      tpu.wait_dma2 semaphore(%run_scoped3A : memref<!tpu.dma_semaphore, #tpu.memory_space<semaphore_mem>>) src(%arg14 : memref<512xf32, #tpu.memory_space<vmem>>) dst(%dma_wait3A_108 : memref<512xf32, #tpu.memory_space<hbm>>)
      tpu.yield
    }) : () -> ()
    return
  }
}

</mosaic_0001>

<sc_bundles>
// kernel: kernel.4.cloned.1.call-start
scs
__scs_entry_jumppad:
0x0: {  	(pc) =	sbr.rel $0x88, $3  }
0x1: {  	(tag) =	ssettag $0x0;
	lr =	simm.s32 $0x1  }
0x2: {  	[smem:$0x3F98] =	sst lr;
	_ =	strace $0xD0000000  }
0x3: {  	_ = 	snop  }
0x4: {  	_ = 	snop  }
0x5: {  	_ = 	snop  }
0x6: {  	_ = 	snop  }
0x7: {  	_ = 	snop  }
__scs_overlays_trampoline_lowered:
0x8: {  	[smem:$0x3FA7] =	sst s0  }
0x9: {  	[smem:$0x3FA8] =	sst s1  }
0xa: {  	[smem:$0x3FA9] =	sst s2  }
0xb: {  	[smem:$0x3FAA] =	sst s3  }
0xc: {  	[smem:$0x3FAB] =	sst s4  }
0xd: {  	[smem:$0x3FAC] =	sst s5  }
0xe: {  	[smem:$0x3FAD] =	sst s6  }
0xf: {  	[smem:$0x3FAE] =	sst s7  }
0x10: {  	[smem:$0x3FAF] =	sst s8  }
0x11: {  	[smem:$0x3FB0] =	sst s9;
	s0 =	simm.s32 @!p0 $0x0  }
0x12: {  	s1 =	sld [smem:$0x3F96];
	s0 =	simm.s32 @p0 $0x1  }
0x13: {  	[smem:$0x3FB1] =	sst s0;
	s0 =	simm.s32 @!p1 $0x0  }
0x14: {  	s2 =	sld [smem:$0x3F95];
	s0 =	simm.s32 @p1 $0x1  }
0x15: {  	[smem:$0x3FB2] =	sst s0;
	s0 =	simm.s32 @!p2 $0x0  }
0x16: {  	s3 =	sld [smem:$0x3FDB];
	s0 =	simm.s32 @p2 $0x1  }
0x17: {  	s4 =	simm.s32 $0x1BF5;
	[smem:$0x3FB4] =	sst s0  }
0x18: {  	s0 =	sld [smem:$0x3F97];
	_ =	swait.ge [sflag:s4], $0x0  }
0x19: {  	s7 =	sld [smem:$0x3F98]  }
0x1a: {  	s8 =	sadd.s32 $0xFFFFE003, lr  }
0x1b: {  	s9 =	sadd.s32 $0xFFFFFEF7, lr;
	s5 =	simm.s32 $0xFFFFFFFF;
	p2 =	slt.u32 s8, $0xFFFFF086  }
0x1c: {  	p1 =	slt.u32 s9, $0xF7A;
	s5 =	simm.s32 @!p2 $0x0  }
0x1d: {  	s5 =	simm.s32 @p1 $0x1;
	p0 =	seq.s32 s7, s2  }
0x1e: {  	s7 =	smul.u32 @!p0 $0xF7A, s2;
	p2 =	seq.s32 @!p0 s5, $0x0  }
0x1f: {  	s9 =	smul.u32 $0xF7A, s1;
	s8 =	simm.s32 @!p0 $0x1BF5;
	p2 =	por !p2, p0  }
0x20: {  	[sflag:s8] =	ssyncset.s32 @!p0 $0xFFFFF086;
	s6 =	sadd.s32 @!p0 s3, s7;
	s7 =	simm.s32 @!p0 $0x108  }
0x21: {  	s3 =	sadd.s32 s3, s9;
	s6 =	sadd.s32 @!p0 $0x88, s6;
	s7 =	simm.s32 @p2 $0x1082  }
0x22: {  	[simem:s7], [sflag:s8] =	dma.local @!p0 [hbm:s6], $0xF7A  }
0x23: {  	s9 =	sor.u32 $0xD0000000, s2;
	s6 =	simm.s32 $0x108;
	_ =	swait.ge @!p0 [sflag:s8], $0x0  }
0x24: {  	s3 =	sadd.s32 $0x88, s3;
	s6 =	simm.s32 @!p1 $0x1082;
	[sflag:s4] =	ssyncset.s32 $0xFFFFF086  }
0x25: {  	[simem:s6], [sflag:s4] =	dma.local [hbm:s3], $0xF7A  }
0x26: {  	[smem:$0x3F98] =	sst s1;
	(tag) =	ssettag s2;
	_ =	strace s9  }
0x27: {  	s1 =	sld [smem:$0x3FA8]  }
0x28: {  	s2 =	sld [smem:$0x3FA9]  }
0x29: {  	s4 =	sld [smem:$0x3FAB]  }
0x2a: {  	p0 =	seq.s32 s5, $0x0;
	s5 =	sld [smem:$0x3FAC]  }
0x2b: {  	s6 =	sld [smem:$0x3FAD]  }
0x2c: {  	s7 =	sld [smem:$0x3FAE]  }
0x2d: {  	s3 =	simm.s32 $0x108;
	s8 =	sld [smem:$0x3FAF]  }
0x2e: {  	s3 =	simm.s32 @!p0 $0x1082;
	s9 =	sld [smem:$0x3FB0]  }
0x2f: {  	lr =	sadd.s32 s0, s3;
	s0 =	sld [smem:$0x3FA7]  }
0x30: {  	s3 =	sld [smem:$0x3FAA]  }
0x31: {  	[smem:$0x3FB3] =	sst s10  }
0x32: {  	s10 =	sld [smem:$0x3FB1];
	_ =	sdelay $0x3  }
0x33: {  	p0 =	seq.s32 s10, $0x1;
	s10 =	sld [smem:$0x3FB3];
	_ =	sdelay $0x3  }
0x34: {  	[smem:$0x3FB3] =	sst s10  }
0x35: {  	s10 =	sld [smem:$0x3FB2];
	_ =	sdelay $0x3  }
0x36: {  	p1 =	seq.s32 s10, $0x1;
	s10 =	sld [smem:$0x3FB3];
	_ =	sdelay $0x3  }
0x37: {  	[smem:$0x3FB3] =	sst s10  }
0x38: {  	s10 =	sld [smem:$0x3FB4]  }
0x39: {  	_ = 	snop;
	(pc) =	sbr.ind lr, $3  }
0x3a: {  	_ = 	snop  }
0x3b: {  	_ = 	snop  }
0x3c: {  	p2 =	seq.s32 s10, $0x1;
	s10 =	sld [smem:$0x3FB3]  }
0x3d: {  	_ =	shalt  }
0x3e: {  	_ =	shalt  }
0x3f: {  	_ =	shalt  }
0x40: {  	_ =	shalt  }
0x41: {  	_ =	shalt  }
0x42: {  	_ =	shalt  }
0x43: {  	_ =	shalt  }
0x44: {  	_ =	shalt  }
0x45: {  	_ =	shalt  }
0x46: {  	_ =	shalt  }
0x47: {  	_ =	shalt  }
0x48: {  	_ =	shalt  }
0x49: {  	_ =	shalt  }
0x4a: {  	_ =	shalt  }
0x4b: {  	_ =	shalt  }
0x4c: {  	_ =	shalt  }
0x4d: {  	_ =	shalt  }
0x4e: {  	_ =	shalt  }
0x4f: {  	_ =	shalt  }
0x50: {  	_ =	shalt  }
0x51: {  	_ =	shalt  }
0x52: {  	_ =	shalt  }
0x53: {  	_ =	shalt  }
0x54: {  	_ =	shalt  }
0x55: {  	_ =	shalt  }
0x56: {  	_ =	shalt  }
0x57: {  	_ =	shalt  }
0x58: {  	_ =	shalt  }
0x59: {  	_ =	shalt  }
0x5a: {  	_ =	shalt  }
0x5b: {  	_ =	shalt  }
0x5c: {  	_ =	shalt  }
0x5d: {  	_ =	shalt  }
0x5e: {  	_ =	shalt  }
0x5f: {  	_ =	shalt  }
0x60: {  	_ =	shalt  }
0x61: {  	_ =	shalt  }
0x62: {  	_ =	shalt  }
0x63: {  	_ =	shalt  }
0x64: {  	_ =	shalt  }
0x65: {  	_ =	shalt  }
0x66: {  	_ =	shalt  }
0x67: {  	_ =	shalt  }
0x68: {  	_ =	shalt  }
0x69: {  	_ =	shalt  }
0x6a: {  	_ =	shalt  }
0x6b: {  	_ =	shalt  }
0x6c: {  	_ =	shalt  }
0x6d: {  	_ =	shalt  }
0x6e: {  	_ =	shalt  }
0x6f: {  	_ =	shalt  }
0x70: {  	_ =	shalt  }
0x71: {  	_ =	shalt  }
0x72: {  	_ =	shalt  }
0x73: {  	_ =	shalt  }
0x74: {  	_ =	shalt  }
0x75: {  	_ =	shalt  }
0x76: {  	_ =	shalt  }
0x77: {  	_ =	shalt  }
0x78: {  	_ =	shalt  }
0x79: {  	_ =	shalt  }
0x7a: {  	_ =	shalt  }
0x7b: {  	_ =	shalt  }
0x7c: {  	_ =	shalt  }
0x7d: {  	_ =	shalt  }
0x7e: {  	_ =	shalt  }
0x7f: {  	_ =	shalt  }
0x80: {  	_ =	shalt  }
0x81: {  	_ =	shalt  }
0x82: {  	_ =	shalt  }
0x83: {  	_ =	shalt  }
0x84: {  	_ =	shalt  }
0x85: {  	_ =	shalt  }
0x86: {  	_ =	shalt  }
0x87: {  	_ =	shalt  }
.Lfunc_end0:
.L_simem_size_0:
called_computation_lowered:
.L_overlay_start_0:
0x88: {  	s2 =	sld [smem:$0x3FD9]  }
0x89: {  	s3 =	sld [smem:$0x3FFE];
	_ =	sdelay $0x1  }
0x8a: {  	s1 =	srdreg.scid  }
0x8b: {  	s0 =	sand.u32 $0x1, s1  }
0x8c: {  	s17 =	sshll.u32 s0, $0xA;
	s2 =	sadd.s32 s3, s2  }
0x8d: {  	s2 =	sadd.s32 s2, s17  }
0x8e: {  	[smem:$0x3FBF] =	sst s2  }
0x8f: {  	_ = 	snop  }
0x90: {  	s18 =	sld [smem:$0x3FC5]  }
0x91: {  	s4 =	sld [smem:$0x3FC4]  }
0x92: {  	s5 =	sld [smem:$0x3FD0];
	(tm) =	ssettm $0x1  }
0x93: {  	s19 =	sld [smem:$0x3FFB];
	_ =	sdelay $0x3  }
0x94: {  	_ =	strace s19  }
0x95: {  	s2 =	sld [smem:$0x3FFC];
	_ =	sdelay $0x3  }
0x96: {  	_ =	strace s2  }
0x97: {  	s2 =	sld [smem:$0x3FFD];
	_ =	sdelay $0x3  }
0x98: {  	_ =	strace s2  }
0x99: {  	_ =	strace $0x8FFFFFFF  }
0x9a: {  	s20 =	sld [smem:$0x3FDB];
	_ =	sdelay $0x1  }
0x9b: {  	s6 =	simm.s32 $_scs_section_size  }
0x9c: {  	s7 =	simm.s32 $_size__tile_overlayer_lowered;
	s8 =	simm.s32 $_tile_overlayer_lowered  }
0x9d: {  	s9 =	simm.s32 $0x1BFF;
	s21 =	sshll.u32 s8, $0x1;
	s6 =	sadd.s32 s6, s20  }
0x9e: {  	s22 =	simm.s32 $0x0;
	s7 =	sshll.u32 s7, $0x1;
	s8 =	sadd.s32 s21, s6  }
0x9f: {  	[timem:s22], [sflag:s9] =	dma.local [hbm:s8], s7  }
0xa0: {  	_ =	swait.ge [sflag:s9], s7  }
0xa1: {  	s7 =	ssub.s32 $0x0, s7;
	[sflag:s9] =	ssyncset.done $0x0  }
0xa2: {  	[sflag:s9] =	ssyncadd.s32 s7;
	_ =	sdelay $0x1  }
0xa3: {  	s23 =	simm.s32 $0x1B8B  }
0xa4: {  	_ =	swait.ge [sflag:s23], $0x1  }
0xa5: {  	[sflag:s23] =	ssyncset.done $0x0  }
0xa6: {  	[sflag:s23] =	ssyncadd.s32 $0xFFFFFFFF  }
0xa7: {  	s7 =	sld [smem:$0x0]  }
0xa8: {  	s8 =	sand.u32 $0xFFFFFFFE, s1  }
0xa9: {  	p0 =	sne.s32 s1, s8  }
0xaa: {  	s8 =	sshll.u32 @p0 s8, $0xE  }
0xab: {  	s8 =	sadd.s32 @p0 $0x11B8D, s8;
	s9 =	sshll.u32 @p0 s7, $0x11  }
0xac: {  	s8 =	sor.u32 @p0 s9, s8  }
0xad: {  	[sflag:s8] =	ssyncadd.remote.s32 @p0 $0x1;
	_ =	sdelay $0x1  }
0xae: {  	s8 =	simm.s32 @p0 $0x1B8D  }
0xaf: {  	_ =	swait.eq @p0 [sflag:s8], $0x1  }
0xb0: {  	[sflag:s8] =	ssyncadd.s32 @p0 $0xFFFFFFFF  }
0xb1: {  	s9 =	sshll.u32 @!p0 s1, $0xE  }
0xb2: {  	s9 =	sor.u32 @!p0 $0x4000, s9;
	s8 =	simm.s32 @!p0 $0x1B8D  }
0xb3: {  	s7 =	sshll.u32 @!p0 s7, $0x11;
	s9 =	sadd.s32 @!p0 $0x11B8D, s9;
	_ =	swait.eq @!p0 [sflag:s8], $0x1  }
0xb4: {  	s7 =	sor.u32 @!p0 s7, s9;
	[sflag:s8] =	ssyncadd.s32 @!p0 $0xFFFFFFFF  }
0xb5: {  	s25 =	simm.s32 $0x1B8E;
	s24 =	sld [smem:$0x3FFE];
	[sflag:s7] =	ssyncadd.remote.s32 @!p0 $0x1  }
0xb6: {  	s26 =	simm.s32 $execute0_lowered;
	[smem:$0x3FD2] =	sst s25  }
0xb7: {  	s8 =	sshll.u32 s26, $0x1;
	_ =	strace $0x80000049;
	[dreg:$0x1] =	wrdreg $0xFFFFFFFF  }
0xb8: {  	s28 =	simm.s32 $_size_execute0_lowered;
	s6 =	sadd.s32 s6, s8;
	[dreg:$0x0] =	wrdreg $0x0  }
0xb9: {  	s8 =	sshll.u32 s28, $0x1;
	[dreg:$0x2] =	wrdreg s6  }
0xba: {  	[dreg:$0x3] =	wrdreg s8  }
0xbb: {  	[dreg:$0x4] =	wrdreg $0xC0  }
0xbc: {  	_ =	task [dreg:s22], $0x5FFFF  }
0xbd: {  	[dreg:$0x1] =	wrdreg $0xFFFFFFFF  }
0xbe: {  	[dreg:$0x0] =	wrdreg $0x60  }
0xbf: {  	[dreg:$0x2] =	wrdreg s5  }
0xc0: {  	[dreg:$0x3] =	wrdreg s24  }
0xc1: {  	[dreg:$0x4] =	wrdreg s18  }
0xc2: {  	[dreg:$0x5] =	wrdreg s4  }
0xc3: {  	[dreg:$0x6] =	wrdreg $0x9  }
0xc4: {  	_ =	task.clear_ibuf [dreg:s22], $0x7FFFF;
	_ =	strace $0x90000049  }
0xc5: {  	s29 =	simm.s32 $0x9;
	_ =	strace $0x8000004B  }
0xc6: {  	_ =	swait.ge [sflag:s29], $0x1  }
0xc7: {  	[sflag:s29] =	ssyncadd.s32 $0xFFFFFFFF  }
0xc8: {  	_ =	strace $0x9000004B  }
0xc9: {  	_ =	sfence  }
0xca: {  	s30 =	sld [smem:$0x0];
	_ =	sdelay $0x2  }
0xcb: {  	s31 =	sshll.u32 s1, $0xD;
	s1 =	sshrl.u32 s1, $0x2  }
0xcc: {  	s4 =	sand.u32 $0x4000, s31;
	s1 =	sadd.s32 s1, s30  }
0xcd: {  	s0 =	sor.u32 s4, s0;
	s1 =	sshll.u32 s1, $0x11  }
0xce: {  	s0 =	sor.u32 s1, s0  }
0xcf: {  	s0 =	sadd.s32 $0x8F2B, s0  }
0xd0: {  	[sflag:s0] =	ssyncadd.remote.s32 $0x1  }
0xd1: {  	_ =	sfence.sel $0xFFFF  }
0xd2: {  	[dreg:$0x0] =	wrdreg $0xFFFFFFFF;
	(pc) =	sbr.abs _section_cstart, $3  }
0xd3: {  	[dreg:$0x1] =	wrdreg $0xFFFFFFFF  }
0xd4: {  	_ =	task.clear_ibuf [dreg:s22], $0x2FFFF;
	_ =	strace $0x9FFFFFFF  }
0xd5: {  	(tm) =	ssettm $0x7FFFFFFF  }
tec
execute0_lowered:
.L_overlay_start_1:
0x0: {  	(tag) =	ssettag $0x1  }
0x1: {  	s0 =	rddreg [dreg:$0x1]  }
0x2: {  	s3 =	rddreg [dreg:$0x2];
	v0 =	vimm.s32 $0xFEDCBA98;
	v2 =	vimm.s32 $0x76543210;
	v1 =	vimm.s32 $0x0  }
0x3: {  	s4 =	rddreg [dreg:$0x3];
	v8 =	vlaneseq.u32;
	v4 =	vimm.s32 $0xBA98FEDC;
	v6 =	vimm.s32 $0x32107654  }
0x4: {  	s1 =	srdreg.scid;
	s2 =	stileid.u32;
	v7 =	vimm.s32 $0x54761032;
	v9 =	vimm.s32 $0xEFCDAB89;
	v3 =	vunpack.c.l.s4.s8 v0  }
0x5: {  	s5 =	simm.s32 $0x0;
	s24 =	simm.s32 $0x1;
	v10 =	vimm.s32 $0x67452301;
	vm0 =	vmmov $0xf;
	s13 =	simm.s32 $0xFE80;
	v2 =	vunpack.c.l.s4.s8 v2  }
0x6: {  	s14 =	simm.s32 $0x10680;
	s15 =	simm.s32 $0x10E80;
	s16 =	simm.s32 $0x11680;
	vm1 =	vmmov $0xffff;
	v4 =	vunpack.c.l.s4.s8 v4;
	v3 =	vunpack.c.0.s8.s32 v3  }
0x7: {  	s17 =	simm.s32 $0x11E80;
	s18 =	simm.s32 $0x18680;
	s19 =	simm.s32 $0x3;
	v6 =	vunpack.c.l.s4.s8 v6;
	v9 =	vunpack.c.l.s4.s8 v9;
	v5 =	vunpack.c.0.s8.s32 v2  }
0x8: {  	s20 =	simm.s32 $0x0;
	s1 =	sand.u32 $0x1, s1;
	s2 =	sshll.u32 s2, $0x1;
	v10 =	vunpack.c.l.s4.s8 v10;
	v4 =	vunpack.c.0.s8.s32 v4;
	v3 =	vand.u32 $0xF, v3  }
0x9: {  	[smem:$0x7FF] =	sst s5;
	s6 =	sadd.s32 $0x1800, s0;
	s2 =	sor.u32 s1, s2;
	v6 =	vunpack.c.0.s8.s32 v6;
	v3 =	vcombine.low v3, v5;
	v5 =	vimm.s32 $0xDCFE98BA  }
0xa: {  	s8 =	sadd.s32 $0x200, s3;
	s9 =	sadd.s32 $0x100, s4;
	s10 =	sadd.s32 $0x200, s4;
	v7 =	vunpack.c.l.s4.s8 v7;
	v0 =	vmov s2;
	v5 =	vunpack.c.l.s4.s8 v5  }
0xb: {  	_ =	strace $0x8000004A;
	s1 =	ssub.s32 $0x2, s1;
	s7 =	sshll.u32 s2, $0x6;
	v9 =	vunpack.c.0.s8.s32 v9;
	v10 =	vunpack.c.0.s8.s32 v10;
	v4 =	vcombine.low v6, v4  }
0xc: {  	s31 =	sshrl.u32 s1, $0x1;
	s2 =	simm.s32 $0xEE80;
	s0 =	sadd.s32 s7, s0;
	v6 =	vunpack.c.0.s8.s32 v7;
	v7 =	vshrl.u32 v8, $0x3;
	v5 =	vunpack.c.0.s8.s32 v5  }
0xd: {  	v2 =	vmul.u32 $0x8, v8;
	s1 =	ssub.s32 s1, s31;
	s7 =	sadd.s32 $0x100, s3;
	s11 =	sadd.s32 $0x2C00, s0;
	v9 =	vcombine.low v10, v9;
	v7 =	vmul.u32 $0x8, v7  }
0xe: {  	s12 =	smax.u32 s1, $0x1;
	s0 =	simm.s32 $0xE680;
	s1 =	simm.s32 $0xF680;
	v5 =	vcombine.low v6, v5;
	v6 =	vand.u32 $0x7, v8;
	v8 =	vor.u32 $0x8, v8  }
.LBB2_1:
0xf: {  	[tilespmem:$0x400] =	vst v0  }
0x10: {  	v10 =	vld.msk [tilespmem:$0x400], $0x1;
	_ =	sdelay $0x4  }
0x11: {  	v11 =	vshll.u32 v10, $0x2  }
0x12: {  	v10 =	vand.u32 $0x7, v10;
	v11 =	vand.u32 $0xFFFFFFE0, v11  }
0x13: {  	v10 =	vor.u32 v10, v11  }
0x14: {  	v10 =	vperm.xlane v10, v1;
	_ =	sdelay $0x1  }
0x15: {  	v10 =	vadd.s32 v2, v10;
	_ =	sdelay $0x3  }
0x16: {  	s21 =	rddreg [dreg:$0x0]  }
0x17: {  	[tilespmem:s5], [sflag:$0x1] =	stream.indirect_vreg.gather [hbm4b:s21+s5], $0x80, v10, vm0, $0xb8;
	[tilespmem:$0x18880] =	vst v63  }
0x18: {  	v10 =	vld.msk [tilespmem:$0x400], $0x1;
	_ =	sdelay $0x4  }
0x19: {  	v11 =	vshll.u32 v10, $0x2  }
0x1a: {  	v10 =	vand.u32 $0x7, v10;
	v11 =	vand.u32 $0xFFFFFFE0, v11  }
0x1b: {  	v10 =	vor.u32 v10, v11  }
0x1c: {  	v10 =	vperm.xlane v10, v1;
	_ =	sdelay $0x1  }
0x1d: {  	v10 =	vadd.s32 v2, v10;
	_ =	sdelay $0x3  }
0x1e: {  	s31 =	simm.s32 $0x200  }
0x1f: {  	[tilespmem:s31], [sflag:$0x1] =	stream.indirect_vreg.gather [hbm4b:s6+s5], $0x80, v10, vm0, $0xb8;
	[tilespmem:$0x18880] =	vst v63  }
0x20: {  	_ =	swait.ge [sflag:s24], $0x200  }
0x21: {  	[sflag:s24] =	ssyncset.done $0x0  }
0x22: {  	[sflag:s24] =	ssyncadd.s32 $0xFFFFFE00  }
0x23: {  	_ =	swait.ge [sflag:s24], $0x200  }
0x24: {  	[sflag:s24] =	ssyncset.done $0x0  }
0x25: {  	[sflag:s24] =	ssyncadd.s32 $0xFFFFFE00  }
0x26: {  	v10 =	vld [tilespmem:$0x0];
	_ =	sdelay $0x4  }
0x27: {  	[tilespmem:$0x480] =	vst v10  }
0x28: {  	v10 =	vld [tilespmem:$0x480];
	_ =	sdelay $0x4  }
0x29: {  	v11 =	vshrl.u32 v10, $0x3  }
0x2a: {  	v11 =	vmul.u32 $0x30, v11  }
0x2b: {  	v10 =	vand.u32 $0x7, v10  }
0x2c: {  	v12 =	vld [tilespmem:$0x200];
	v10 =	vor.u32 v10, v11  }
0x2d: {  	v14 =	vld [tilespmem:$0x210];
	v13 =	vperm.xlane v10, v6  }
0x2e: {  	v11 =	vld [tilespmem:$0x10]  }
0x2f: {  	v13 =	vadd.s32 v7, v13;
	_ =	sdelay $0x1  }
0x30: {  	[tilespmem:$0x580] =	vst v12  }
0x31: {  	[tilespmem:$0x590] =	vst v14  }
0x32: {  	s22 =	simm.s32 $0x680;
	v10 =	vperm.xlane v10, v8;
	[tilespmem:$0x490] =	vst v11  }
0x33: {  	[tilespmem:s22], [sflag:$0x1] =	stream.indirect_vreg.gather [hbm4b:s3+s5], $0x80, v13, vm1, $0xb8;
	[tilespmem:$0x18880] =	vst v63  }
0x34: {  	s23 =	simm.s32 $0xE80;
	v10 =	vadd.s32 v7, v10  }
0x35: {  	[tilespmem:s23], [sflag:$0x1] =	stream.indirect_vreg.gather [hbm4b:s7+s5], $0x80, v13, vm1, $0xb8;
	[tilespmem:$0x18880] =	vst v63  }
0x36: {  	s25 =	simm.s32 $0x1680  }
0x37: {  	[tilespmem:s25], [sflag:$0x1] =	stream.indirect_vreg.gather [hbm4b:s8+s5], $0x80, v13, vm1, $0xb8;
	[tilespmem:$0x18880] =	vst v63  }
0x38: {  	s26 =	simm.s32 $0x1E80  }
0x39: {  	[tilespmem:s26], [sflag:$0x1] =	stream.indirect_vreg.gather [hbm4b:s3+s5], $0x80, v10, vm1, $0xb8;
	[tilespmem:$0x18880] =	vst v63  }
0x3a: {  	s28 =	simm.s32 $0x2680  }
0x3b: {  	[tilespmem:s28], [sflag:$0x1] =	stream.indirect_vreg.gather [hbm4b:s7+s5], $0x80, v10, vm1, $0xb8;
	[tilespmem:$0x18880] =	vst v63  }
0x3c: {  	s29 =	simm.s32 $0x2E80  }
0x3d: {  	[tilespmem:s29], [sflag:$0x1] =	stream.indirect_vreg.gather [hbm4b:s8+s5], $0x80, v10, vm1, $0xb8;
	[tilespmem:$0x18880] =	vst v63  }
0x3e: {  	v10 =	vld [tilespmem:$0x490];
	_ =	sdelay $0x4  }
0x3f: {  	v11 =	vshrl.u32 v10, $0x3  }
0x40: {  	v11 =	vmul.u32 $0x30, v11  }
0x41: {  	v10 =	vand.u32 $0x7, v10  }
0x42: {  	v10 =	vor.u32 v10, v11  }
0x43: {  	v11 =	vperm.xlane v10, v6;
	_ =	sdelay $0x1  }
0x44: {  	v11 =	vadd.s32 v7, v11;
	_ =	sdelay $0x3  }
0x45: {  	s30 =	simm.s32 $0x3680;
	v10 =	vperm.xlane v10, v8  }
0x46: {  	[tilespmem:s30], [sflag:$0x1] =	stream.indirect_vreg.gather [hbm4b:s3+s5], $0x80, v11, vm1, $0xb8;
	[tilespmem:$0x18880] =	vst v63  }
0x47: {  	s31 =	simm.s32 $0x3E80;
	v10 =	vadd.s32 v7, v10  }
0x48: {  	[tilespmem:s31], [sflag:$0x1] =	stream.indirect_vreg.gather [hbm4b:s7+s5], $0x80, v11, vm1, $0xb8;
	[tilespmem:$0x18880] =	vst v63  }
0x49: {  	s22 =	simm.s32 $0x4680  }
0x4a: {  	[tilespmem:s22], [sflag:$0x1] =	stream.indirect_vreg.gather [hbm4b:s8+s5], $0x80, v11, vm1, $0xb8;
	[tilespmem:$0x18880] =	vst v63  }
0x4b: {  	s23 =	simm.s32 $0x4E80  }
0x4c: {  	[tilespmem:s23], [sflag:$0x1] =	stream.indirect_vreg.gather [hbm4b:s3+s5], $0x80, v10, vm1, $0xb8;
	[tilespmem:$0x18880] =	vst v63  }
0x4d: {  	s25 =	simm.s32 $0x5680  }
0x4e: {  	[tilespmem:s25], [sflag:$0x1] =	stream.indirect_vreg.gather [hbm4b:s7+s5], $0x80, v10, vm1, $0xb8;
	[tilespmem:$0x18880] =	vst v63  }
0x4f: {  	s26 =	simm.s32 $0x5E80  }
0x50: {  	[tilespmem:s26], [sflag:$0x1] =	stream.indirect_vreg.gather [hbm4b:s8+s5], $0x80, v10, vm1, $0xb8;
	[tilespmem:$0x18880] =	vst v63  }
0x51: {  	v10 =	vld [tilespmem:$0x580];
	_ =	sdelay $0x4  }
0x52: {  	v11 =	vshrl.u32 v10, $0x3  }
0x53: {  	v11 =	vmul.u32 $0x30, v11  }
0x54: {  	v10 =	vand.u32 $0x7, v10  }
0x55: {  	v10 =	vor.u32 v10, v11  }
0x56: {  	v11 =	vperm.xlane v10, v6;
	_ =	sdelay $0x1  }
0x57: {  	v11 =	vadd.s32 v7, v11;
	_ =	sdelay $0x3  }
0x58: {  	s28 =	simm.s32 $0xC680;
	v10 =	vperm.xlane v10, v8  }
0x59: {  	[tilespmem:s28], [sflag:$0x1] =	stream.indirect_vreg.gather [hbm4b:s4+s5], $0x80, v11, vm1, $0xb8;
	[tilespmem:$0x18880] =	vst v63  }
0x5a: {  	s29 =	simm.s32 $0xCE80;
	v10 =	vadd.s32 v7, v10  }
0x5b: {  	[tilespmem:s29], [sflag:$0x1] =	stream.indirect_vreg.gather [hbm4b:s9+s5], $0x80, v11, vm1, $0xb8;
	[tilespmem:$0x18880] =	vst v63  }
0x5c: {  	s30 =	simm.s32 $0xD680  }
0x5d: {  	[tilespmem:s30], [sflag:$0x1] =	stream.indirect_vreg.gather [hbm4b:s10+s5], $0x80, v11, vm1, $0xb8;
	[tilespmem:$0x18880] =	vst v63  }
0x5e: {  	s31 =	simm.s32 $0xDE80  }
0x5f: {  	[tilespmem:s31], [sflag:$0x1] =	stream.indirect_vreg.gather [hbm4b:s4+s5], $0x80, v10, vm1, $0xb8;
	[tilespmem:$0x18880] =	vst v63  }
0x60: {  	_ = 	snop  }
0x61: {  	[tilespmem:s0], [sflag:$0x1] =	stream.indirect_vreg.gather [hbm4b:s9+s5], $0x80, v10, vm1, $0xb8;
	[tilespmem:$0x18880] =	vst v63  }
0x62: {  	_ = 	snop  }
0x63: {  	[tilespmem:s2], [sflag:$0x1] =	stream.indirect_vreg.gather [hbm4b:s10+s5], $0x80, v10, vm1, $0xb8;
	[tilespmem:$0x18880] =	vst v63  }
0x64: {  	v10 =	vld [tilespmem:$0x590];
	_ =	sdelay $0x4  }
0x65: {  	v11 =	vshrl.u32 v10, $0x3  }
0x66: {  	v11 =	vmul.u32 $0x30, v11  }
0x67: {  	v10 =	vand.u32 $0x7, v10  }
0x68: {  	v10 =	vor.u32 v10, v11  }
0x69: {  	v11 =	vperm.xlane v10, v6;
	_ =	sdelay $0x1  }
0x6a: {  	v11 =	vadd.s32 v7, v11;
	_ =	sdelay $0x3  }
0x6b: {  	v10 =	vperm.xlane v10, v8  }
0x6c: {  	[tilespmem:s1], [sflag:$0x1] =	stream.indirect_vreg.gather [hbm4b:s4+s5], $0x80, v11, vm1, $0xb8;
	[tilespmem:$0x18880] =	vst v63  }
0x6d: {  	v10 =	vadd.s32 v7, v10  }
0x6e: {  	[tilespmem:s13], [sflag:$0x1] =	stream.indirect_vreg.gather [hbm4b:s9+s5], $0x80, v11, vm1, $0xb8;
	[tilespmem:$0x18880] =	vst v63  }
0x6f: {  	_ = 	snop  }
0x70: {  	[tilespmem:s14], [sflag:$0x1] =	stream.indirect_vreg.gather [hbm4b:s10+s5], $0x80, v11, vm1, $0xb8;
	[tilespmem:$0x18880] =	vst v63  }
0x71: {  	_ = 	snop  }
0x72: {  	[tilespmem:s15], [sflag:$0x1] =	stream.indirect_vreg.gather [hbm4b:s4+s5], $0x80, v10, vm1, $0xb8;
	[tilespmem:$0x18880] =	vst v63  }
0x73: {  	_ = 	snop  }
0x74: {  	[tilespmem:s16], [sflag:$0x1] =	stream.indirect_vreg.gather [hbm4b:s9+s5], $0x80, v10, vm1, $0xb8;
	[tilespmem:$0x18880] =	vst v63  }
0x75: {  	s21 =	simm.s32 $0x0  }
0x76: {  	[tilespmem:s17], [sflag:$0x1] =	stream.indirect_vreg.gather [hbm4b:s10+s5], $0x80, v10, vm1, $0xb8;
	[tilespmem:$0x18880] =	vst v63  }
.LBB2_2:
0x77: {  	p0 =	seq.s32 s21, $0xF  }
.Ltmp0:
0x78: {  	_ = 	snop;
	(pc) =	sbr.rel @p0 .LBB2_4-.Ltmp0, $2  }
0x79: {  	_ =	sdelay $0x2  }
0x7a: {  	s23 =	sand.u32 $0x1, s21;
	s22 =	simm.s32 $0x1E0  }
0x7b: {  	s22 =	sshll.u32 s21, $0x5  }
0x7c: {  	v10 =	vld [tilespmem:s22+$0x20];
	_ =	sdelay $0x2  }
0x7d: {  	s26 =	sxor.u32 $0x1, s23  }
0x7e: {  	s28 =	sshll.u32 s26, $0x7  }
0x7f: {  	[tilespmem:s28+$0x480] =	vst v10  }
0x80: {  	v10 =	vld [tilespmem:s22+$0x220];
	_ =	sdelay $0x1  }
0x81: {  	v11 =	vld [tilespmem:s28+$0x480];
	_ =	sdelay $0x2  }
0x82: {  	[tilespmem:s28+$0x580] =	vst v10  }
0x83: {  	v10 =	vld [tilespmem:s22+$0x30]  }
0x84: {  	v12 =	vshrl.u32 v11, $0x3  }
0x85: {  	v12 =	vmul.u32 $0x30, v12  }
0x86: {  	v11 =	vand.u32 $0x7, v11  }
0x87: {  	v11 =	vor.u32 v11, v12  }
0x88: {  	[tilespmem:s28+$0x490] =	vst v10;
	v10 =	vperm.xlane v11, v6  }
0x89: {  	v63 =	vld [tilespmem:s22+$0x230]  }
0x8a: {  	v10 =	vadd.s32 v7, v10;
	_ =	sdelay $0x1  }
0x8b: {  	s25 =	smul.u32 $0x6000, s26;
	_ =	sdelay $0x1  }
0x8c: {  	s26 =	sadd.s32 $0x1, s26;
	s29 =	sor.u32 $0x680, s25;
	v11 =	vperm.xlane v11, v8;
	[tilespmem:s28+$0x590] =	vst v63  }
0x8d: {  	[tilespmem:s29], [sflag:s26] =	stream.indirect_vreg.gather [hbm4b:s3+s5], $0x80, v10, vm1, $0xb8;
	[tilespmem:$0x18880] =	vst v63  }
0x8e: {  	s31 =	sor.u32 $0xE80, s25;
	v11 =	vadd.s32 v7, v11  }
0x8f: {  	[tilespmem:s31], [sflag:s26] =	stream.indirect_vreg.gather [hbm4b:s7+s5], $0x80, v10, vm1, $0xb8;
	[tilespmem:$0x18880] =	vst v63  }
0x90: {  	s30 =	sor.u32 $0x1680, s25  }
0x91: {  	[tilespmem:s30], [sflag:s26] =	stream.indirect_vreg.gather [hbm4b:s8+s5], $0x80, v10, vm1, $0xb8;
	[tilespmem:$0x18880] =	vst v63  }
0x92: {  	s31 =	sor.u32 $0x1E80, s25  }
0x93: {  	[tilespmem:s31], [sflag:s26] =	stream.indirect_vreg.gather [hbm4b:s3+s5], $0x80, v11, vm1, $0xb8;
	[tilespmem:$0x18880] =	vst v63  }
0x94: {  	s30 =	sadd.s32 $0x2680, s25  }
0x95: {  	[tilespmem:s30], [sflag:s26] =	stream.indirect_vreg.gather [hbm4b:s7+s5], $0x80, v11, vm1, $0xb8;
	[tilespmem:$0x18880] =	vst v63  }
0x96: {  	s31 =	sadd.s32 $0x2E80, s25  }
0x97: {  	[tilespmem:s31], [sflag:s26] =	stream.indirect_vreg.gather [hbm4b:s8+s5], $0x80, v11, vm1, $0xb8;
	[tilespmem:$0x18880] =	vst v63  }
0x98: {  	v10 =	vld [tilespmem:s28+$0x490];
	_ =	sdelay $0x4  }
0x99: {  	v11 =	vshrl.u32 v10, $0x3  }
0x9a: {  	v11 =	vmul.u32 $0x30, v11  }
0x9b: {  	v10 =	vand.u32 $0x7, v10  }
0x9c: {  	v10 =	vor.u32 v10, v11  }
0x9d: {  	v11 =	vperm.xlane v10, v6;
	_ =	sdelay $0x1  }
0x9e: {  	v11 =	vadd.s32 v7, v11;
	_ =	sdelay $0x3  }
0x9f: {  	s30 =	sadd.s32 $0x3680, s25;
	v10 =	vperm.xlane v10, v8  }
0xa0: {  	[tilespmem:s30], [sflag:s26] =	stream.indirect_vreg.gather [hbm4b:s3+s5], $0x80, v11, vm1, $0xb8;
	[tilespmem:$0x18880] =	vst v63  }
0xa1: {  	s31 =	sadd.s32 $0x3E80, s25;
	v10 =	vadd.s32 v7, v10  }
0xa2: {  	[tilespmem:s31], [sflag:s26] =	stream.indirect_vreg.gather [hbm4b:s7+s5], $0x80, v11, vm1, $0xb8;
	[tilespmem:$0x18880] =	vst v63  }
0xa3: {  	s30 =	sadd.s32 $0x4680, s25  }
0xa4: {  	[tilespmem:s30], [sflag:s26] =	stream.indirect_vreg.gather [hbm4b:s8+s5], $0x80, v11, vm1, $0xb8;
	[tilespmem:$0x18880] =	vst v63  }
0xa5: {  	s31 =	sadd.s32 $0x4E80, s25  }
0xa6: {  	[tilespmem:s31], [sflag:s26] =	stream.indirect_vreg.gather [hbm4b:s3+s5], $0x80, v10, vm1, $0xb8;
	[tilespmem:$0x18880] =	vst v63  }
0xa7: {  	s30 =	sadd.s32 $0x5680, s25  }
0xa8: {  	[tilespmem:s30], [sflag:s26] =	stream.indirect_vreg.gather [hbm4b:s7+s5], $0x80, v10, vm1, $0xb8;
	[tilespmem:$0x18880] =	vst v63  }
0xa9: {  	s31 =	sadd.s32 $0x5E80, s25  }
0xaa: {  	[tilespmem:s31], [sflag:s26] =	stream.indirect_vreg.gather [hbm4b:s8+s5], $0x80, v10, vm1, $0xb8;
	[tilespmem:$0x18880] =	vst v63  }
0xab: {  	v10 =	vld [tilespmem:s28+$0x580];
	_ =	sdelay $0x4  }
0xac: {  	v11 =	vshrl.u32 v10, $0x3  }
0xad: {  	v11 =	vmul.u32 $0x30, v11  }
0xae: {  	v10 =	vand.u32 $0x7, v10  }
0xaf: {  	v10 =	vor.u32 v10, v11  }
0xb0: {  	v11 =	vperm.xlane v10, v6;
	_ =	sdelay $0x1  }
0xb1: {  	v11 =	vadd.s32 v7, v11;
	_ =	sdelay $0x3  }
0xb2: {  	s30 =	sadd.s32 $0xC680, s25;
	v10 =	vperm.xlane v10, v8  }
0xb3: {  	[tilespmem:s30], [sflag:s26] =	stream.indirect_vreg.gather [hbm4b:s4+s5], $0x80, v11, vm1, $0xb8;
	[tilespmem:$0x18880] =	vst v63  }
0xb4: {  	s31 =	sadd.s32 $0xCE80, s25;
	v10 =	vadd.s32 v7, v10  }
0xb5: {  	[tilespmem:s31], [sflag:s26] =	stream.indirect_vreg.gather [hbm4b:s9+s5], $0x80, v11, vm1, $0xb8;
	[tilespmem:$0x18880] =	vst v63  }
0xb6: {  	s30 =	sadd.s32 $0xD680, s25  }
0xb7: {  	[tilespmem:s30], [sflag:s26] =	stream.indirect_vreg.gather [hbm4b:s10+s5], $0x80, v11, vm1, $0xb8;
	[tilespmem:$0x18880] =	vst v63  }
0xb8: {  	s31 =	sadd.s32 $0xDE80, s25  }
0xb9: {  	[tilespmem:s31], [sflag:s26] =	stream.indirect_vreg.gather [hbm4b:s4+s5], $0x80, v10, vm1, $0xb8;
	[tilespmem:$0x18880] =	vst v63  }
0xba: {  	s30 =	sadd.s32 $0xE680, s25  }
0xbb: {  	[tilespmem:s30], [sflag:s26] =	stream.indirect_vreg.gather [hbm4b:s9+s5], $0x80, v10, vm1, $0xb8;
	[tilespmem:$0x18880] =	vst v63  }
0xbc: {  	s31 =	sadd.s32 $0xEE80, s25  }
0xbd: {  	[tilespmem:s31], [sflag:s26] =	stream.indirect_vreg.gather [hbm4b:s10+s5], $0x80, v10, vm1, $0xb8;
	[tilespmem:$0x18880] =	vst v63  }
0xbe: {  	v10 =	vld [tilespmem:s28+$0x590];
	_ =	sdelay $0x4  }
0xbf: {  	v11 =	vshrl.u32 v10, $0x3  }
0xc0: {  	v11 =	vmul.u32 $0x30, v11  }
0xc1: {  	v10 =	vand.u32 $0x7, v10  }
0xc2: {  	v10 =	vor.u32 v10, v11  }
0xc3: {  	v11 =	vperm.xlane v10, v6;
	_ =	sdelay $0x1  }
0xc4: {  	v11 =	vadd.s32 v7, v11;
	_ =	sdelay $0x3  }
0xc5: {  	s30 =	sadd.s32 $0xF680, s25;
	v10 =	vperm.xlane v10, v8  }
0xc6: {  	[tilespmem:s30], [sflag:s26] =	stream.indirect_vreg.gather [hbm4b:s4+s5], $0x80, v11, vm1, $0xb8;
	[tilespmem:$0x18880] =	vst v63  }
0xc7: {  	s31 =	sadd.s32 $0xFE80, s25;
	v10 =	vadd.s32 v7, v10  }
0xc8: {  	[tilespmem:s31], [sflag:s26] =	stream.indirect_vreg.gather [hbm4b:s9+s5], $0x80, v11, vm1, $0xb8;
	[tilespmem:$0x18880] =	vst v63  }
0xc9: {  	s29 =	sor.u32 $0x10680, s25  }
0xca: {  	[tilespmem:s29], [sflag:s26] =	stream.indirect_vreg.gather [hbm4b:s10+s5], $0x80, v11, vm1, $0xb8;
	[tilespmem:$0x18880] =	vst v63  }
0xcb: {  	s30 =	sor.u32 $0x10E80, s25  }
0xcc: {  	[tilespmem:s30], [sflag:s26] =	stream.indirect_vreg.gather [hbm4b:s4+s5], $0x80, v10, vm1, $0xb8;
	[tilespmem:$0x18880] =	vst v63  }
0xcd: {  	s31 =	sor.u32 $0x11680, s25  }
0xce: {  	[tilespmem:s31], [sflag:s26] =	stream.indirect_vreg.gather [hbm4b:s9+s5], $0x80, v10, vm1, $0xb8;
	[tilespmem:$0x18880] =	vst v63  }
0xcf: {  	s25 =	sor.u32 $0x11E80, s25  }
0xd0: {  	[tilespmem:s25], [sflag:s26] =	stream.indirect_vreg.gather [hbm4b:s10+s5], $0x80, v10, vm1, $0xb8;
	[tilespmem:$0x18880] =	vst v63  }
.LBB2_4:
0xd1: {  	s25 =	sadd.s32 $0x1, s23  }
0xd2: {  	_ =	swait.ge [sflag:s25], $0x6000  }
0xd3: {  	s23 =	smul.u32 $0x6000, s23;
	s26 =	simm.s32 $0x0;
	[sflag:s25] =	ssyncset.done $0x0  }
0xd4: {  	s26 =	smul.u32 $0x1800, s26;
	[sflag:s25] =	ssyncadd.s32 $0xFFFFA000  }
0xd5: {  	s28 =	simm.s32 $0x0;
	_ =	swait.ge [sflag:s25], $0x6000  }
0xd6: {  	s28 =	sand.u32 $0x380, s28;
	s26 =	sadd.s32 s23, s26;
	[sflag:s25] =	ssyncset.done $0x0  }
0xd7: {  	s31 =	sor.u32 s28, s26;
	[sflag:s25] =	ssyncadd.s32 $0xFFFFA000  }
0xd8: {  	v10 =	vld [tilespmem:s31+$0xC680]  }
0xd9: {  	v11 =	vld [tilespmem:s31+$0x680]  }
0xda: {  	v12 =	vld [tilespmem:s31+$0x690]  }
0xdb: {  	v13 =	vld [tilespmem:s31+$0xC690]  }
0xdc: {  	v14 =	vld [tilespmem:s31+$0x6A0]  }
0xdd: {  	v15 =	vld [tilespmem:s31+$0xC6A0]  }
0xde: {  	v16 =	vld [tilespmem:s31+$0x6B0]  }
0xdf: {  	v17 =	vld [tilespmem:s31+$0xC6B0]  }
0xe0: {  	v63 =	vld [tilespmem:s31+$0x6C0];
	v10 =	vmul.f32 v10, v11;
	v11 =	vmul.f32 v13, v12  }
0xe1: {  	v20 =	vld [tilespmem:s31+$0xC6C0]  }
0xe2: {  	v21 =	vld [tilespmem:s31+$0x6D0];
	v10 =	vadd.f32 v11, v10;
	v11 =	vmul.f32 v15, v14  }
0xe3: {  	v22 =	vld [tilespmem:s31+$0xC6D0]  }
0xe4: {  	v23 =	vld [tilespmem:s31+$0x6E0];
	v10 =	vadd.f32 v11, v10;
	v11 =	vmul.f32 v17, v16  }
0xe5: {  	v24 =	vld [tilespmem:s31+$0xC6E0]  }
0xe6: {  	v25 =	vld [tilespmem:s31+$0x6F0];
	v10 =	vadd.f32 v11, v10;
	v11 =	vmul.f32 v20, v63  }
0xe7: {  	v26 =	vld [tilespmem:s31+$0xC6F0]  }
0xe8: {  	v27 =	vld [tilespmem:s31+$0xA80];
	v10 =	vadd.f32 v11, v10;
	v11 =	vmul.f32 v22, v21  }
0xe9: {  	v28 =	vld [tilespmem:s31+$0xCA80]  }
0xea: {  	v29 =	vld [tilespmem:s31+$0xA90];
	v10 =	vadd.f32 v11, v10;
	v11 =	vmul.f32 v24, v23  }
0xeb: {  	v30 =	vld [tilespmem:s31+$0xCA90]  }
0xec: {  	v31 =	vld [tilespmem:s31+$0xAA0];
	v10 =	vadd.f32 v11, v10;
	v11 =	vmul.f32 v26, v25  }
0xed: {  	v32 =	vld [tilespmem:s31+$0xCAA0]  }
0xee: {  	v33 =	vld [tilespmem:s31+$0xAB0];
	v10 =	vadd.f32 v11, v10;
	v11 =	vmul.f32 v28, v27  }
0xef: {  	v34 =	vld [tilespmem:s31+$0xCAB0]  }
0xf0: {  	v35 =	vld [tilespmem:s31+$0xAC0];
	v10 =	vadd.f32 v11, v10;
	v11 =	vmul.f32 v30, v29  }
0xf1: {  	v36 =	vld [tilespmem:s31+$0xCAC0]  }
0xf2: {  	v37 =	vld [tilespmem:s31+$0xAD0];
	v10 =	vadd.f32 v11, v10;
	v11 =	vmul.f32 v32, v31  }
0xf3: {  	v38 =	vld [tilespmem:s31+$0xCAD0]  }
0xf4: {  	v39 =	vld [tilespmem:s31+$0xAE0];
	v10 =	vadd.f32 v11, v10;
	v11 =	vmul.f32 v34, v33  }
0xf5: {  	v40 =	vld [tilespmem:s31+$0xCAE0]  }
0xf6: {  	v41 =	vld [tilespmem:s31+$0xAF0];
	v10 =	vadd.f32 v11, v10;
	v11 =	vmul.f32 v36, v35  }
0xf7: {  	s26 =	sadd.s32 s28, s26;
	v42 =	vld [tilespmem:s31+$0xCAF0]  }
0xf8: {  	v43 =	vld [tilespmem:s26+$0xE80];
	v10 =	vadd.f32 v11, v10;
	v11 =	vmul.f32 v38, v37  }
0xf9: {  	v44 =	vld [tilespmem:s26+$0xCE80]  }
0xfa: {  	v45 =	vld [tilespmem:s26+$0xE90];
	v10 =	vadd.f32 v11, v10;
	v11 =	vmul.f32 v40, v39  }
0xfb: {  	v46 =	vld [tilespmem:s26+$0xCE90]  }
0xfc: {  	v47 =	vld [tilespmem:s26+$0xEA0];
	v10 =	vadd.f32 v11, v10;
	v11 =	vmul.f32 v42, v41  }
0xfd: {  	v48 =	vld [tilespmem:s26+$0xCEA0]  }
0xfe: {  	v49 =	vld [tilespmem:s26+$0xEB0];
	v10 =	vadd.f32 v11, v10;
	v11 =	vmul.f32 v44, v43  }
0xff: {  	v50 =	vld [tilespmem:s26+$0xCEB0]  }
0x100: {  	v51 =	vld [tilespmem:s26+$0xEC0];
	v10 =	vadd.f32 v11, v10;
	v11 =	vmul.f32 v46, v45  }
0x101: {  	v52 =	vld [tilespmem:s26+$0xCEC0]  }
0x102: {  	v53 =	vld [tilespmem:s26+$0xED0];
	v10 =	vadd.f32 v11, v10;
	v11 =	vmul.f32 v48, v47  }
0x103: {  	v54 =	vld [tilespmem:s26+$0xCED0]  }
0x104: {  	v55 =	vld [tilespmem:s26+$0xEE0];
	v10 =	vadd.f32 v11, v10;
	v11 =	vmul.f32 v50, v49  }
0x105: {  	v56 =	vld [tilespmem:s26+$0xCEE0]  }
0x106: {  	v57 =	vld [tilespmem:s26+$0xEF0];
	v10 =	vadd.f32 v11, v10;
	v11 =	vmul.f32 v52, v51  }
0x107: {  	v58 =	vld [tilespmem:s26+$0xCEF0]  }
0x108: {  	v59 =	vld [tilespmem:s26+$0x1280];
	v10 =	vadd.f32 v11, v10;
	v11 =	vmul.f32 v54, v53  }
0x109: {  	v60 =	vld [tilespmem:s26+$0xD280]  }
0x10a: {  	v61 =	vld [tilespmem:s26+$0x1290];
	v10 =	vadd.f32 v11, v10;
	v11 =	vmul.f32 v56, v55  }
0x10b: {  	v62 =	vld [tilespmem:s26+$0xD290]  }
0x10c: {  	v63 =	vld [tilespmem:s26+$0x12A0];
	v10 =	vadd.f32 v11, v10;
	v11 =	vmul.f32 v58, v57  }
0x10d: {  	v20 =	vld [tilespmem:s26+$0xD2A0]  }
0x10e: {  	v21 =	vld [tilespmem:s26+$0x12B0];
	v10 =	vadd.f32 v11, v10;
	v11 =	vmul.f32 v60, v59  }
0x10f: {  	v22 =	vld [tilespmem:s26+$0xD2B0]  }
0x110: {  	v23 =	vld [tilespmem:s26+$0x12C0];
	v10 =	vadd.f32 v11, v10;
	v11 =	vmul.f32 v62, v61  }
0x111: {  	v24 =	vld [tilespmem:s26+$0xD2C0]  }
0x112: {  	v25 =	vld [tilespmem:s26+$0x12D0];
	v10 =	vadd.f32 v11, v10;
	v11 =	vmul.f32 v20, v63  }
0x113: {  	v26 =	vld [tilespmem:s26+$0xD2D0]  }
0x114: {  	v27 =	vld [tilespmem:s26+$0x12E0];
	v10 =	vadd.f32 v11, v10;
	v11 =	vmul.f32 v22, v21  }
0x115: {  	v28 =	vld [tilespmem:s26+$0xD2E0]  }
0x116: {  	v29 =	vld [tilespmem:s26+$0x12F0];
	v10 =	vadd.f32 v11, v10;
	v11 =	vmul.f32 v24, v23  }
0x117: {  	v30 =	vld [tilespmem:s26+$0xD2F0]  }
0x118: {  	v31 =	vld [tilespmem:s26+$0x1680];
	v10 =	vadd.f32 v11, v10;
	v11 =	vmul.f32 v26, v25  }
0x119: {  	v32 =	vld [tilespmem:s26+$0xD680]  }
0x11a: {  	v33 =	vld [tilespmem:s26+$0x1690];
	v10 =	vadd.f32 v11, v10;
	v11 =	vmul.f32 v28, v27  }
0x11b: {  	v34 =	vld [tilespmem:s26+$0xD690]  }
0x11c: {  	v35 =	vld [tilespmem:s26+$0x16A0];
	v10 =	vadd.f32 v11, v10;
	v11 =	vmul.f32 v30, v29  }
0x11d: {  	v36 =	vld [tilespmem:s26+$0xD6A0]  }
0x11e: {  	v37 =	vld [tilespmem:s26+$0x16B0];
	v10 =	vadd.f32 v11, v10;
	v11 =	vmul.f32 v32, v31  }
0x11f: {  	v38 =	vld [tilespmem:s26+$0xD6B0]  }
0x120: {  	v39 =	vld [tilespmem:s26+$0x16C0];
	v10 =	vadd.f32 v11, v10;
	v11 =	vmul.f32 v34, v33  }
0x121: {  	v40 =	vld [tilespmem:s26+$0xD6C0]  }
0x122: {  	v41 =	vld [tilespmem:s26+$0x16D0];
	v10 =	vadd.f32 v11, v10;
	v11 =	vmul.f32 v36, v35  }
0x123: {  	v42 =	vld [tilespmem:s26+$0xD6D0]  }
0x124: {  	v43 =	vld [tilespmem:s26+$0x16E0];
	v10 =	vadd.f32 v11, v10;
	v11 =	vmul.f32 v38, v37  }
0x125: {  	v44 =	vld [tilespmem:s26+$0xD6E0]  }
0x126: {  	v45 =	vld [tilespmem:s26+$0x16F0];
	v10 =	vadd.f32 v11, v10;
	v11 =	vmul.f32 v40, v39  }
0x127: {  	v46 =	vld [tilespmem:s26+$0xD6F0]  }
0x128: {  	v47 =	vld [tilespmem:s26+$0x1A80];
	v10 =	vadd.f32 v11, v10;
	v11 =	vmul.f32 v42, v41  }
0x129: {  	v48 =	vld [tilespmem:s26+$0xDA80]  }
0x12a: {  	v49 =	vld [tilespmem:s26+$0x1A90];
	v10 =	vadd.f32 v11, v10;
	v11 =	vmul.f32 v44, v43  }
0x12b: {  	v50 =	vld [tilespmem:s26+$0xDA90]  }
0x12c: {  	v51 =	vld [tilespmem:s26+$0x1AA0];
	v10 =	vadd.f32 v11, v10;
	v11 =	vmul.f32 v46, v45  }
0x12d: {  	v52 =	vld [tilespmem:s26+$0xDAA0]  }
0x12e: {  	v53 =	vld [tilespmem:s26+$0x1AB0];
	v10 =	vadd.f32 v11, v10;
	v11 =	vmul.f32 v48, v47  }
0x12f: {  	v54 =	vld [tilespmem:s26+$0xDAB0]  }
0x130: {  	v55 =	vld [tilespmem:s26+$0x1AC0];
	v10 =	vadd.f32 v11, v10;
	v11 =	vmul.f32 v50, v49  }
0x131: {  	v56 =	vld [tilespmem:s26+$0xDAC0]  }
0x132: {  	v57 =	vld [tilespmem:s26+$0x1AD0];
	v10 =	vadd.f32 v11, v10;
	v11 =	vmul.f32 v52, v51  }
0x133: {  	v58 =	vld [tilespmem:s26+$0xDAD0]  }
0x134: {  	v59 =	vld [tilespmem:s26+$0x1AE0];
	v10 =	vadd.f32 v11, v10;
	v11 =	vmul.f32 v54, v53  }
0x135: {  	v60 =	vld [tilespmem:s26+$0xDAE0]  }
0x136: {  	v61 =	vld [tilespmem:s26+$0x1AF0];
	v10 =	vadd.f32 v11, v10;
	v11 =	vmul.f32 v56, v55  }
0x137: {  	v62 =	vld [tilespmem:s26+$0xDAF0]  }
0x138: {  	v10 =	vadd.f32 v11, v10;
	v11 =	vmul.f32 v58, v57;
	_ =	sdelay $0x1  }
0x139: {  	v10 =	vadd.f32 v11, v10;
	v11 =	vmul.f32 v60, v59;
	_ =	sdelay $0x1  }
0x13a: {  	v10 =	vadd.f32 v11, v10;
	v11 =	vmul.f32 v62, v61;
	_ =	sdelay $0x1  }
0x13b: {  	v10 =	vadd.f32 v11, v10;
	_ =	sdelay $0x1  }
0x13c: {  	v11 =	vperm.xlane v10, v3;
	_ =	sdelay $0x1  }
0x13d: {  	v10 =	vadd.f32 v10, v11;
	_ =	sdelay $0x1  }
0x13e: {  	v11 =	vperm.xlane v10, v4;
	_ =	sdelay $0x1  }
0x13f: {  	v10 =	vadd.f32 v10, v11;
	_ =	sdelay $0x1  }
0x140: {  	v11 =	vperm.xlane v10, v5;
	_ =	sdelay $0x1  }
0x141: {  	s29 =	sadd.s32 $0x0, s22;
	v11 =	vadd.f32 v10, v11  }
0x142: {  	v10 =	vmov s29  }
0x143: {  	s31 =	simm.s32 $0x0;
	v63 =	vperm.xlane v11, v9  }
0x144: {  	s28 =	smul.u32 $0x1800, s31  }
0x145: {  	s25 =	simm.s32 $0x1;
	s26 =	simm.s32 $0x80;
	v11 =	vadd.f32 v11, v63  }
0x146: {  	s30 =	sand.u32 $0x380, s26;
	s29 =	sadd.s32 s23, s28;
	s28 =	simm.s32 $0x2  }
.LBB2_5:
0x147: {  	p0 =	sne.s32 s28, $0x1F;
	s31 =	sor.u32 s30, s29;
	[tilespmem:v10+s18+$0x0] =	vst.idx.msk $0x1, v11  }
0x148: {  	v10 =	vld [tilespmem:s31+$0xC680]  }
0x149: {  	v11 =	vld [tilespmem:s31+$0x680]  }
0x14a: {  	v12 =	vld [tilespmem:s31+$0x690]  }
0x14b: {  	v13 =	vld [tilespmem:s31+$0xC690]  }
0x14c: {  	v14 =	vld [tilespmem:s31+$0x6A0]  }
0x14d: {  	v15 =	vld [tilespmem:s31+$0xC6A0]  }
0x14e: {  	v16 =	vld [tilespmem:s31+$0x6B0]  }
0x14f: {  	v17 =	vld [tilespmem:s31+$0xC6B0]  }
0x150: {  	v10 =	vmul.f32 v10, v11;
	v11 =	vmul.f32 v13, v12;
	v12 =	vld [tilespmem:s31+$0x6C0]  }
0x151: {  	v13 =	vld [tilespmem:s31+$0xC6C0]  }
0x152: {  	v10 =	vadd.f32 v11, v10;
	v11 =	vmul.f32 v15, v14;
	v14 =	vld [tilespmem:s31+$0x6D0]  }
0x153: {  	v15 =	vld [tilespmem:s31+$0xC6D0]  }
0x154: {  	v10 =	vadd.f32 v11, v10;
	v11 =	vmul.f32 v17, v16;
	v16 =	vld [tilespmem:s31+$0x6E0]  }
0x155: {  	v17 =	vld [tilespmem:s31+$0xC6E0]  }
0x156: {  	v10 =	vadd.f32 v11, v10;
	v11 =	vmul.f32 v13, v12;
	v12 =	vld [tilespmem:s31+$0x6F0]  }
0x157: {  	v13 =	vld [tilespmem:s31+$0xC6F0]  }
0x158: {  	v10 =	vadd.f32 v11, v10;
	v11 =	vmul.f32 v15, v14;
	v14 =	vld [tilespmem:s31+$0xA80]  }
0x159: {  	v15 =	vld [tilespmem:s31+$0xCA80]  }
0x15a: {  	v10 =	vadd.f32 v11, v10;
	v11 =	vmul.f32 v17, v16;
	v16 =	vld [tilespmem:s31+$0xA90]  }
0x15b: {  	v17 =	vld [tilespmem:s31+$0xCA90]  }
0x15c: {  	v10 =	vadd.f32 v11, v10;
	v11 =	vmul.f32 v13, v12;
	v12 =	vld [tilespmem:s31+$0xAA0]  }
0x15d: {  	v13 =	vld [tilespmem:s31+$0xCAA0]  }
0x15e: {  	v10 =	vadd.f32 v11, v10;
	v11 =	vmul.f32 v15, v14;
	v14 =	vld [tilespmem:s31+$0xAB0]  }
0x15f: {  	v15 =	vld [tilespmem:s31+$0xCAB0]  }
0x160: {  	v10 =	vadd.f32 v11, v10;
	v11 =	vmul.f32 v17, v16;
	v16 =	vld [tilespmem:s31+$0xAC0]  }
0x161: {  	v17 =	vld [tilespmem:s31+$0xCAC0]  }
0x162: {  	v10 =	vadd.f32 v11, v10;
	v11 =	vmul.f32 v13, v12;
	v12 =	vld [tilespmem:s31+$0xAD0]  }
0x163: {  	v13 =	vld [tilespmem:s31+$0xCAD0]  }
0x164: {  	v10 =	vadd.f32 v11, v10;
	v11 =	vmul.f32 v15, v14;
	v14 =	vld [tilespmem:s31+$0xAE0]  }
0x165: {  	v15 =	vld [tilespmem:s31+$0xCAE0]  }
0x166: {  	v10 =	vadd.f32 v11, v10;
	v11 =	vmul.f32 v17, v16;
	v16 =	vld [tilespmem:s31+$0xAF0]  }
0x167: {  	s29 =	sadd.s32 s30, s29;
	v17 =	vld [tilespmem:s31+$0xCAF0]  }
0x168: {  	v10 =	vadd.f32 v11, v10;
	v11 =	vmul.f32 v13, v12;
	v12 =	vld [tilespmem:s29+$0xE80]  }
0x169: {  	v13 =	vld [tilespmem:s29+$0xCE80]  }
0x16a: {  	v10 =	vadd.f32 v11, v10;
	v11 =	vmul.f32 v15, v14;
	v14 =	vld [tilespmem:s29+$0xE90]  }
0x16b: {  	v15 =	vld [tilespmem:s29+$0xCE90]  }
0x16c: {  	v10 =	vadd.f32 v11, v10;
	v11 =	vmul.f32 v17, v16;
	v16 =	vld [tilespmem:s29+$0xEA0]  }
0x16d: {  	v17 =	vld [tilespmem:s29+$0xCEA0]  }
0x16e: {  	v10 =	vadd.f32 v11, v10;
	v11 =	vmul.f32 v13, v12;
	v12 =	vld [tilespmem:s29+$0xEB0]  }
0x16f: {  	v13 =	vld [tilespmem:s29+$0xCEB0]  }
0x170: {  	v10 =	vadd.f32 v11, v10;
	v11 =	vmul.f32 v15, v14;
	v14 =	vld [tilespmem:s29+$0xEC0]  }
0x171: {  	v15 =	vld [tilespmem:s29+$0xCEC0]  }
0x172: {  	v10 =	vadd.f32 v11, v10;
	v11 =	vmul.f32 v17, v16;
	v16 =	vld [tilespmem:s29+$0xED0]  }
0x173: {  	v17 =	vld [tilespmem:s29+$0xCED0]  }
0x174: {  	v10 =	vadd.f32 v11, v10;
	v11 =	vmul.f32 v13, v12;
	v12 =	vld [tilespmem:s29+$0xEE0]  }
0x175: {  	v13 =	vld [tilespmem:s29+$0xCEE0]  }
0x176: {  	v10 =	vadd.f32 v11, v10;
	v11 =	vmul.f32 v15, v14;
	v14 =	vld [tilespmem:s29+$0xEF0]  }
0x177: {  	v15 =	vld [tilespmem:s29+$0xCEF0]  }
0x178: {  	v10 =	vadd.f32 v11, v10;
	v11 =	vmul.f32 v17, v16;
	v16 =	vld [tilespmem:s29+$0x1280]  }
0x179: {  	v17 =	vld [tilespmem:s29+$0xD280]  }
0x17a: {  	v10 =	vadd.f32 v11, v10;
	v11 =	vmul.f32 v13, v12;
	v12 =	vld [tilespmem:s29+$0x1290]  }
0x17b: {  	v13 =	vld [tilespmem:s29+$0xD290]  }
0x17c: {  	v10 =	vadd.f32 v11, v10;
	v11 =	vmul.f32 v15, v14;
	v14 =	vld [tilespmem:s29+$0x12A0]  }
0x17d: {  	v15 =	vld [tilespmem:s29+$0xD2A0]  }
0x17e: {  	v10 =	vadd.f32 v11, v10;
	v11 =	vmul.f32 v17, v16;
	v16 =	vld [tilespmem:s29+$0x12B0]  }
0x17f: {  	v17 =	vld [tilespmem:s29+$0xD2B0]  }
0x180: {  	v10 =	vadd.f32 v11, v10;
	v11 =	vmul.f32 v13, v12;
	v12 =	vld [tilespmem:s29+$0x12C0]  }
0x181: {  	v13 =	vld [tilespmem:s29+$0xD2C0]  }
0x182: {  	v10 =	vadd.f32 v11, v10;
	v11 =	vmul.f32 v15, v14;
	v14 =	vld [tilespmem:s29+$0x12D0]  }
0x183: {  	v15 =	vld [tilespmem:s29+$0xD2D0]  }
0x184: {  	v10 =	vadd.f32 v11, v10;
	v11 =	vmul.f32 v17, v16;
	v16 =	vld [tilespmem:s29+$0x12E0]  }
0x185: {  	v17 =	vld [tilespmem:s29+$0xD2E0]  }
0x186: {  	v10 =	vadd.f32 v11, v10;
	v11 =	vmul.f32 v13, v12;
	v12 =	vld [tilespmem:s29+$0x12F0]  }
0x187: {  	v13 =	vld [tilespmem:s29+$0xD2F0]  }
0x188: {  	v10 =	vadd.f32 v11, v10;
	v11 =	vmul.f32 v15, v14;
	v14 =	vld [tilespmem:s29+$0x1680]  }
0x189: {  	v15 =	vld [tilespmem:s29+$0xD680]  }
0x18a: {  	v10 =	vadd.f32 v11, v10;
	v11 =	vmul.f32 v17, v16;
	v16 =	vld [tilespmem:s29+$0x1690]  }
0x18b: {  	v17 =	vld [tilespmem:s29+$0xD690]  }
0x18c: {  	v10 =	vadd.f32 v11, v10;
	v11 =	vmul.f32 v13, v12;
	v12 =	vld [tilespmem:s29+$0x16A0]  }
0x18d: {  	v13 =	vld [tilespmem:s29+$0xD6A0]  }
0x18e: {  	v10 =	vadd.f32 v11, v10;
	v11 =	vmul.f32 v15, v14;
	v14 =	vld [tilespmem:s29+$0x16B0]  }
0x18f: {  	v15 =	vld [tilespmem:s29+$0xD6B0]  }
0x190: {  	v10 =	vadd.f32 v11, v10;
	v11 =	vmul.f32 v17, v16;
	v16 =	vld [tilespmem:s29+$0x16C0]  }
0x191: {  	v17 =	vld [tilespmem:s29+$0xD6C0]  }
0x192: {  	v10 =	vadd.f32 v11, v10;
	v11 =	vmul.f32 v13, v12;
	v12 =	vld [tilespmem:s29+$0x16D0]  }
0x193: {  	v13 =	vld [tilespmem:s29+$0xD6D0]  }
0x194: {  	v10 =	vadd.f32 v11, v10;
	v11 =	vmul.f32 v15, v14;
	v14 =	vld [tilespmem:s29+$0x16E0]  }
0x195: {  	v15 =	vld [tilespmem:s29+$0xD6E0]  }
0x196: {  	v10 =	vadd.f32 v11, v10;
	v11 =	vmul.f32 v17, v16;
	v16 =	vld [tilespmem:s29+$0x16F0]  }
0x197: {  	v17 =	vld [tilespmem:s29+$0xD6F0]  }
0x198: {  	v10 =	vadd.f32 v11, v10;
	v11 =	vmul.f32 v13, v12;
	v12 =	vld [tilespmem:s29+$0x1A80]  }
0x199: {  	v13 =	vld [tilespmem:s29+$0xDA80]  }
0x19a: {  	v10 =	vadd.f32 v11, v10;
	v11 =	vmul.f32 v15, v14;
	v14 =	vld [tilespmem:s29+$0x1A90]  }
0x19b: {  	v15 =	vld [tilespmem:s29+$0xDA90]  }
0x19c: {  	v10 =	vadd.f32 v11, v10;
	v11 =	vmul.f32 v17, v16;
	v16 =	vld [tilespmem:s29+$0x1AA0]  }
0x19d: {  	v17 =	vld [tilespmem:s29+$0xDAA0]  }
0x19e: {  	v10 =	vadd.f32 v11, v10;
	v11 =	vmul.f32 v13, v12;
	v12 =	vld [tilespmem:s29+$0x1AB0]  }
0x19f: {  	v13 =	vld [tilespmem:s29+$0xDAB0]  }
0x1a0: {  	v10 =	vadd.f32 v11, v10;
	v11 =	vmul.f32 v15, v14;
	v14 =	vld [tilespmem:s29+$0x1AC0]  }
0x1a1: {  	v15 =	vld [tilespmem:s29+$0xDAC0]  }
0x1a2: {  	v10 =	vadd.f32 v11, v10;
	v11 =	vmul.f32 v17, v16;
	v16 =	vld [tilespmem:s29+$0x1AD0]  }
0x1a3: {  	v17 =	vld [tilespmem:s29+$0xDAD0]  }
0x1a4: {  	v10 =	vadd.f32 v11, v10;
	v11 =	vmul.f32 v13, v12;
	v12 =	vld [tilespmem:s29+$0x1AE0]  }
0x1a5: {  	v13 =	vld [tilespmem:s29+$0xDAE0]  }
0x1a6: {  	v10 =	vadd.f32 v11, v10;
	v11 =	vmul.f32 v15, v14;
	v14 =	vld [tilespmem:s29+$0x1AF0]  }
0x1a7: {  	v15 =	vld [tilespmem:s29+$0xDAF0]  }
0x1a8: {  	v10 =	vadd.f32 v11, v10;
	v11 =	vmul.f32 v17, v16;
	_ =	sdelay $0x1  }
0x1a9: {  	v10 =	vadd.f32 v11, v10;
	v11 =	vmul.f32 v13, v12;
	_ =	sdelay $0x1  }
0x1aa: {  	v10 =	vadd.f32 v11, v10;
	v11 =	vmul.f32 v15, v14;
	_ =	sdelay $0x1  }
0x1ab: {  	v10 =	vadd.f32 v11, v10;
	_ =	sdelay $0x1  }
0x1ac: {  	v11 =	vperm.xlane v10, v3;
	_ =	sdelay $0x1  }
0x1ad: {  	v10 =	vadd.f32 v10, v11;
	_ =	sdelay $0x1  }
0x1ae: {  	v11 =	vperm.xlane v10, v4;
	_ =	sdelay $0x1  }
0x1af: {  	v10 =	vadd.f32 v10, v11;
	_ =	sdelay $0x1  }
0x1b0: {  	v11 =	vperm.xlane v10, v5;
	_ =	sdelay $0x1  }
0x1b1: {  	s29 =	sadd.s32 s25, s22;
	s25 =	smov.u32 s28;
	v11 =	vadd.f32 v10, v11  }
.Ltmp1:
0x1b2: {  	v10 =	vmov s29;
	(pc) =	sbr.rel @p0 .LBB2_5-.Ltmp1, $4  }
0x1b3: {  	s29 =	sshrl.u32 s28, $0x3;
	v12 =	vperm.xlane v11, v9  }
0x1b4: {  	s29 =	smul.u32 $0x1800, s29  }
0x1b5: {  	s26 =	sadd.s32 $0x80, s26;
	v11 =	vadd.f32 v11, v12  }
0x1b6: {  	s30 =	sand.u32 $0x380, s26;
	s28 =	sadd.s32 $0x1, s28;
	s29 =	sadd.s32 s23, s29  }
0x1b7: {  	_ =	sdelay $0x3  }
0x1b8: {  	s23 =	sor.u32 s30, s29;
	[tilespmem:v10+s18+$0x0] =	vst.idx.msk $0x1, v11  }
0x1b9: {  	v10 =	vld [tilespmem:s23+$0xC680]  }
0x1ba: {  	v11 =	vld [tilespmem:s23+$0x680]  }
0x1bb: {  	v12 =	vld [tilespmem:s23+$0x690]  }
0x1bc: {  	v13 =	vld [tilespmem:s23+$0xC690]  }
0x1bd: {  	v14 =	vld [tilespmem:s23+$0x6A0]  }
0x1be: {  	v15 =	vld [tilespmem:s23+$0xC6A0]  }
0x1bf: {  	v16 =	vld [tilespmem:s23+$0x6B0]  }
0x1c0: {  	v17 =	vld [tilespmem:s23+$0xC6B0]  }
0x1c1: {  	v63 =	vld [tilespmem:s23+$0x6C0];
	v10 =	vmul.f32 v10, v11;
	v11 =	vmul.f32 v13, v12  }
0x1c2: {  	v20 =	vld [tilespmem:s23+$0xC6C0]  }
0x1c3: {  	v21 =	vld [tilespmem:s23+$0x6D0];
	v10 =	vadd.f32 v11, v10;
	v11 =	vmul.f32 v15, v14  }
0x1c4: {  	v22 =	vld [tilespmem:s23+$0xC6D0]  }
0x1c5: {  	v23 =	vld [tilespmem:s23+$0x6E0];
	v10 =	vadd.f32 v11, v10;
	v11 =	vmul.f32 v17, v16  }
0x1c6: {  	v24 =	vld [tilespmem:s23+$0xC6E0]  }
0x1c7: {  	v25 =	vld [tilespmem:s23+$0x6F0];
	v10 =	vadd.f32 v11, v10;
	v11 =	vmul.f32 v20, v63  }
0x1c8: {  	v26 =	vld [tilespmem:s23+$0xC6F0]  }
0x1c9: {  	v27 =	vld [tilespmem:s23+$0xA80];
	v10 =	vadd.f32 v11, v10;
	v11 =	vmul.f32 v22, v21  }
0x1ca: {  	v28 =	vld [tilespmem:s23+$0xCA80]  }
0x1cb: {  	v29 =	vld [tilespmem:s23+$0xA90];
	v10 =	vadd.f32 v11, v10;
	v11 =	vmul.f32 v24, v23  }
0x1cc: {  	v30 =	vld [tilespmem:s23+$0xCA90]  }
0x1cd: {  	v31 =	vld [tilespmem:s23+$0xAA0];
	v10 =	vadd.f32 v11, v10;
	v11 =	vmul.f32 v26, v25  }
0x1ce: {  	v32 =	vld [tilespmem:s23+$0xCAA0]  }
0x1cf: {  	v33 =	vld [tilespmem:s23+$0xAB0];
	v10 =	vadd.f32 v11, v10;
	v11 =	vmul.f32 v28, v27  }
0x1d0: {  	v34 =	vld [tilespmem:s23+$0xCAB0]  }
0x1d1: {  	v35 =	vld [tilespmem:s23+$0xAC0];
	v10 =	vadd.f32 v11, v10;
	v11 =	vmul.f32 v30, v29  }
0x1d2: {  	v36 =	vld [tilespmem:s23+$0xCAC0]  }
0x1d3: {  	v37 =	vld [tilespmem:s23+$0xAD0];
	v10 =	vadd.f32 v11, v10;
	v11 =	vmul.f32 v32, v31  }
0x1d4: {  	v38 =	vld [tilespmem:s23+$0xCAD0]  }
0x1d5: {  	v39 =	vld [tilespmem:s23+$0xAE0];
	v10 =	vadd.f32 v11, v10;
	v11 =	vmul.f32 v34, v33  }
0x1d6: {  	v40 =	vld [tilespmem:s23+$0xCAE0]  }
0x1d7: {  	v41 =	vld [tilespmem:s23+$0xAF0];
	v10 =	vadd.f32 v11, v10;
	v11 =	vmul.f32 v36, v35  }
0x1d8: {  	s31 =	sadd.s32 s30, s29;
	v42 =	vld [tilespmem:s23+$0xCAF0]  }
0x1d9: {  	v43 =	vld [tilespmem:s31+$0xE80];
	v10 =	vadd.f32 v11, v10;
	v11 =	vmul.f32 v38, v37  }
0x1da: {  	v44 =	vld [tilespmem:s31+$0xCE80]  }
0x1db: {  	v45 =	vld [tilespmem:s31+$0xE90];
	v10 =	vadd.f32 v11, v10;
	v11 =	vmul.f32 v40, v39  }
0x1dc: {  	v46 =	vld [tilespmem:s31+$0xCE90]  }
0x1dd: {  	v47 =	vld [tilespmem:s31+$0xEA0];
	v10 =	vadd.f32 v11, v10;
	v11 =	vmul.f32 v42, v41  }
0x1de: {  	v48 =	vld [tilespmem:s31+$0xCEA0]  }
0x1df: {  	v49 =	vld [tilespmem:s31+$0xEB0];
	v10 =	vadd.f32 v11, v10;
	v11 =	vmul.f32 v44, v43  }
0x1e0: {  	v50 =	vld [tilespmem:s31+$0xCEB0]  }
0x1e1: {  	v51 =	vld [tilespmem:s31+$0xEC0];
	v10 =	vadd.f32 v11, v10;
	v11 =	vmul.f32 v46, v45  }
0x1e2: {  	v52 =	vld [tilespmem:s31+$0xCEC0]  }
0x1e3: {  	v53 =	vld [tilespmem:s31+$0xED0];
	v10 =	vadd.f32 v11, v10;
	v11 =	vmul.f32 v48, v47  }
0x1e4: {  	v54 =	vld [tilespmem:s31+$0xCED0]  }
0x1e5: {  	v55 =	vld [tilespmem:s31+$0xEE0];
	v10 =	vadd.f32 v11, v10;
	v11 =	vmul.f32 v50, v49  }
0x1e6: {  	v56 =	vld [tilespmem:s31+$0xCEE0]  }
0x1e7: {  	v57 =	vld [tilespmem:s31+$0xEF0];
	v10 =	vadd.f32 v11, v10;
	v11 =	vmul.f32 v52, v51  }
0x1e8: {  	v58 =	vld [tilespmem:s31+$0xCEF0]  }
0x1e9: {  	v59 =	vld [tilespmem:s31+$0x1280];
	v10 =	vadd.f32 v11, v10;
	v11 =	vmul.f32 v54, v53  }
0x1ea: {  	v60 =	vld [tilespmem:s31+$0xD280]  }
0x1eb: {  	v61 =	vld [tilespmem:s31+$0x1290];
	v10 =	vadd.f32 v11, v10;
	v11 =	vmul.f32 v56, v55  }
0x1ec: {  	v62 =	vld [tilespmem:s31+$0xD290]  }
0x1ed: {  	v63 =	vld [tilespmem:s31+$0x12A0];
	v10 =	vadd.f32 v11, v10;
	v11 =	vmul.f32 v58, v57  }
0x1ee: {  	v20 =	vld [tilespmem:s31+$0xD2A0]  }
0x1ef: {  	v21 =	vld [tilespmem:s31+$0x12B0];
	v10 =	vadd.f32 v11, v10;
	v11 =	vmul.f32 v60, v59  }
0x1f0: {  	v22 =	vld [tilespmem:s31+$0xD2B0]  }
0x1f1: {  	v23 =	vld [tilespmem:s31+$0x12C0];
	v10 =	vadd.f32 v11, v10;
	v11 =	vmul.f32 v62, v61  }
0x1f2: {  	v24 =	vld [tilespmem:s31+$0xD2C0]  }
0x1f3: {  	v25 =	vld [tilespmem:s31+$0x12D0];
	v10 =	vadd.f32 v11, v10;
	v11 =	vmul.f32 v20, v63  }
0x1f4: {  	v26 =	vld [tilespmem:s31+$0xD2D0]  }
0x1f5: {  	v27 =	vld [tilespmem:s31+$0x12E0];
	v10 =	vadd.f32 v11, v10;
	v11 =	vmul.f32 v22, v21  }
0x1f6: {  	v28 =	vld [tilespmem:s31+$0xD2E0]  }
0x1f7: {  	v29 =	vld [tilespmem:s31+$0x12F0];
	v10 =	vadd.f32 v11, v10;
	v11 =	vmul.f32 v24, v23  }
0x1f8: {  	v30 =	vld [tilespmem:s31+$0xD2F0]  }
0x1f9: {  	v31 =	vld [tilespmem:s31+$0x1680];
	v10 =	vadd.f32 v11, v10;
	v11 =	vmul.f32 v26, v25  }
0x1fa: {  	v32 =	vld [tilespmem:s31+$0xD680]  }
0x1fb: {  	v33 =	vld [tilespmem:s31+$0x1690];
	v10 =	vadd.f32 v11, v10;
	v11 =	vmul.f32 v28, v27  }
0x1fc: {  	v34 =	vld [tilespmem:s31+$0xD690]  }
0x1fd: {  	v35 =	vld [tilespmem:s31+$0x16A0];
	v10 =	vadd.f32 v11, v10;
	v11 =	vmul.f32 v30, v29  }
0x1fe: {  	v36 =	vld [tilespmem:s31+$0xD6A0]  }
0x1ff: {  	v37 =	vld [tilespmem:s31+$0x16B0];
	v10 =	vadd.f32 v11, v10;
	v11 =	vmul.f32 v32, v31  }
0x200: {  	v38 =	vld [tilespmem:s31+$0xD6B0]  }
0x201: {  	v39 =	vld [tilespmem:s31+$0x16C0];
	v10 =	vadd.f32 v11, v10;
	v11 =	vmul.f32 v34, v33  }
0x202: {  	v40 =	vld [tilespmem:s31+$0xD6C0]  }
0x203: {  	v41 =	vld [tilespmem:s31+$0x16D0];
	v10 =	vadd.f32 v11, v10;
	v11 =	vmul.f32 v36, v35  }
0x204: {  	v42 =	vld [tilespmem:s31+$0xD6D0]  }
0x205: {  	v43 =	vld [tilespmem:s31+$0x16E0];
	v10 =	vadd.f32 v11, v10;
	v11 =	vmul.f32 v38, v37  }
0x206: {  	v44 =	vld [tilespmem:s31+$0xD6E0]  }
0x207: {  	v45 =	vld [tilespmem:s31+$0x16F0];
	v10 =	vadd.f32 v11, v10;
	v11 =	vmul.f32 v40, v39  }
0x208: {  	v46 =	vld [tilespmem:s31+$0xD6F0]  }
0x209: {  	v47 =	vld [tilespmem:s31+$0x1A80];
	v10 =	vadd.f32 v11, v10;
	v11 =	vmul.f32 v42, v41  }
0x20a: {  	v48 =	vld [tilespmem:s31+$0xDA80]  }
0x20b: {  	v49 =	vld [tilespmem:s31+$0x1A90];
	v10 =	vadd.f32 v11, v10;
	v11 =	vmul.f32 v44, v43  }
0x20c: {  	v50 =	vld [tilespmem:s31+$0xDA90]  }
0x20d: {  	v51 =	vld [tilespmem:s31+$0x1AA0];
	v10 =	vadd.f32 v11, v10;
	v11 =	vmul.f32 v46, v45  }
0x20e: {  	v52 =	vld [tilespmem:s31+$0xDAA0]  }
0x20f: {  	v53 =	vld [tilespmem:s31+$0x1AB0];
	v10 =	vadd.f32 v11, v10;
	v11 =	vmul.f32 v48, v47  }
0x210: {  	v54 =	vld [tilespmem:s31+$0xDAB0]  }
0x211: {  	v55 =	vld [tilespmem:s31+$0x1AC0];
	v10 =	vadd.f32 v11, v10;
	v11 =	vmul.f32 v50, v49  }
0x212: {  	v56 =	vld [tilespmem:s31+$0xDAC0]  }
0x213: {  	v57 =	vld [tilespmem:s31+$0x1AD0];
	v10 =	vadd.f32 v11, v10;
	v11 =	vmul.f32 v52, v51  }
0x214: {  	v58 =	vld [tilespmem:s31+$0xDAD0]  }
0x215: {  	v59 =	vld [tilespmem:s31+$0x1AE0];
	v10 =	vadd.f32 v11, v10;
	v11 =	vmul.f32 v54, v53  }
0x216: {  	v60 =	vld [tilespmem:s31+$0xDAE0]  }
0x217: {  	v61 =	vld [tilespmem:s31+$0x1AF0];
	v10 =	vadd.f32 v11, v10;
	v11 =	vmul.f32 v56, v55  }
0x218: {  	v62 =	vld [tilespmem:s31+$0xDAF0]  }
0x219: {  	v10 =	vadd.f32 v11, v10;
	v11 =	vmul.f32 v58, v57;
	_ =	sdelay $0x1  }
0x21a: {  	v10 =	vadd.f32 v11, v10;
	v11 =	vmul.f32 v60, v59;
	_ =	sdelay $0x1  }
0x21b: {  	v10 =	vadd.f32 v11, v10;
	v11 =	vmul.f32 v62, v61;
	_ =	sdelay $0x1  }
0x21c: {  	v10 =	vadd.f32 v11, v10;
	_ =	sdelay $0x1  }
0x21d: {  	v11 =	vperm.xlane v10, v3;
	_ =	sdelay $0x1  }
0x21e: {  	v10 =	vadd.f32 v10, v11;
	_ =	sdelay $0x1  }
0x21f: {  	v11 =	vperm.xlane v10, v4;
	_ =	sdelay $0x1  }
0x220: {  	v10 =	vadd.f32 v10, v11;
	_ =	sdelay $0x1  }
0x221: {  	v11 =	vperm.xlane v10, v5;
	_ =	sdelay $0x1  }
0x222: {  	s22 =	sadd.s32 s25, s22;
	s21 =	sadd.s32 $0x1, s21;
	v10 =	vadd.f32 v10, v11  }
0x223: {  	p0 =	sne.s32 s21, $0x10;
	v11 =	vmov s22  }
.Ltmp2:
0x224: {  	v63 =	vperm.xlane v10, v9;
	(pc) =	sbr.rel @p0 .LBB2_2-.Ltmp2, $3  }
0x225: {  	_ = 	snop  }
0x226: {  	v10 =	vadd.f32 v10, v63;
	_ =	sdelay $0x1  }
0x227: {  	[tilespmem:v11+s18+$0x0] =	vst.idx.msk $0x1, v10  }
0x228: {  	s20 =	sadd.s32 $0x1, s20  }
0x229: {  	p0 =	sne.s32 s20, s12  }
.Ltmp3:
0x22a: {  	_ = 	snop;
	(pc) =	sbr.rel @p0 .LBB2_1-.Ltmp3, $4  }
0x22b: {  	[hbm4b:s11+s5] =	stream.linear.scatter [tilespmem:s18], [sflag:$0x3], $0x200, $0x38;
	[tilespmem:$0x18880] =	vst v63  }
0x22c: {  	_ =	swait.ge [sflag:s19], $0x200  }
0x22d: {  	[sflag:s19] =	ssyncset.done $0x0  }
0x22e: {  	[sflag:s19] =	ssyncadd.s32 $0xFFFFFE00  }
0x22f: {  	_ =	sfence.sel $0x180000  }
0x230: {  	[bflag:$0x0] =	sbarrier.arrive $0xFFFF  }
0x231: {  	_ =	strace $0x9000004A  }
0x232: {  	s0 =	stileid.u32;
	[bflag:$0x2] =	sbarrier.arrive $0xFFFF  }
0x233: {  	p0 =	sne.s32 s0, $0x0;
	s0 =	rddreg [dreg:$0x4]  }
0x234: {  	s0 =	sadd.s32 @!p0 $0x100000, s0  }
0x235: {  	[sflag:s0] =	ssyncadd.tile.s32 @!p0 $0x1;
	_ =	shalt  }
.Lfunc_end2:
_tile_overlayer_lowered:
.L_overlay_start_2:
0x236: {  	(tag) =	ssettag $0x2  }
0x237: {  	s0 =	rddreg [dreg:$0x0];
	s2 =	stileid.u32  }
0x238: {  	s1 =	rddreg [dreg:$0x1];
	p0 =	sne.s32 s2, $0x0  }
0x239: {  	s3 =	rddreg [dreg:$0x2];
	[bflag:$0x3] =	sbarrier.arrive $0xFFFF;
	s2 =	simm.s32 @!p0 $0x1C03  }
0x23a: {  	[timem:s3], [sflag:s2] =	dma.local @!p0 [hbm:s0], s1  }
0x23b: {  	s0 =	simm.s32 @!p0 $0x3  }
0x23c: {  	_ =	swait.ge @!p0 [sflag:s0], s1  }
0x23d: {  	s1 =	ssub.s32 @!p0 $0x0, s1;
	[sflag:s0] =	ssyncset.done @!p0 $0x0  }
0x23e: {  	[sflag:s0] =	ssyncadd.s32 @!p0 s1  }
0x23f: {  	[bflag:$0x3] =	sbarrier.arrive $0xFFFF  }
0x240: {  	_ =	shalt  }

// kernel: kernel.7.cloned.1.call-start
scs
__scs_entry_jumppad:
0x0: {  	(pc) =	sbr.rel $0x88, $3  }
0x1: {  	(tag) =	ssettag $0x0;
	lr =	simm.s32 $0x1  }
0x2: {  	[smem:$0x3F98] =	sst lr;
	_ =	strace $0xD0000000  }
0x3: {  	_ = 	snop  }
0x4: {  	_ = 	snop  }
0x5: {  	_ = 	snop  }
0x6: {  	_ = 	snop  }
0x7: {  	_ = 	snop  }
__scs_overlays_trampoline_lowered:
0x8: {  	[smem:$0x3FA7] =	sst s0  }
0x9: {  	[smem:$0x3FA8] =	sst s1  }
0xa: {  	[smem:$0x3FA9] =	sst s2  }
0xb: {  	[smem:$0x3FAA] =	sst s3  }
0xc: {  	[smem:$0x3FAB] =	sst s4  }
0xd: {  	[smem:$0x3FAC] =	sst s5  }
0xe: {  	[smem:$0x3FAD] =	sst s6  }
0xf: {  	[smem:$0x3FAE] =	sst s7  }
0x10: {  	[smem:$0x3FAF] =	sst s8  }
0x11: {  	[smem:$0x3FB0] =	sst s9;
	s0 =	simm.s32 @!p0 $0x0  }
0x12: {  	s1 =	sld [smem:$0x3F96];
	s0 =	simm.s32 @p0 $0x1  }
0x13: {  	[smem:$0x3FB1] =	sst s0;
	s0 =	simm.s32 @!p1 $0x0  }
0x14: {  	s2 =	sld [smem:$0x3F95];
	s0 =	simm.s32 @p1 $0x1  }
0x15: {  	[smem:$0x3FB2] =	sst s0;
	s0 =	simm.s32 @!p2 $0x0  }
0x16: {  	s3 =	sld [smem:$0x3FDB];
	s0 =	simm.s32 @p2 $0x1  }
0x17: {  	s4 =	simm.s32 $0x1BF5;
	[smem:$0x3FB4] =	sst s0  }
0x18: {  	s0 =	sld [smem:$0x3F97];
	_ =	swait.ge [sflag:s4], $0x0  }
0x19: {  	s7 =	sld [smem:$0x3F98]  }
0x1a: {  	s8 =	sadd.s32 $0xFFFFE003, lr  }
0x1b: {  	s9 =	sadd.s32 $0xFFFFFEF7, lr;
	s5 =	simm.s32 $0xFFFFFFFF;
	p2 =	slt.u32 s8, $0xFFFFF086  }
0x1c: {  	p1 =	slt.u32 s9, $0xF7A;
	s5 =	simm.s32 @!p2 $0x0  }
0x1d: {  	s5 =	simm.s32 @p1 $0x1;
	p0 =	seq.s32 s7, s2  }
0x1e: {  	s7 =	smul.u32 @!p0 $0xF7A, s2;
	p2 =	seq.s32 @!p0 s5, $0x0  }
0x1f: {  	s9 =	smul.u32 $0xF7A, s1;
	s8 =	simm.s32 @!p0 $0x1BF5;
	p2 =	por !p2, p0  }
0x20: {  	[sflag:s8] =	ssyncset.s32 @!p0 $0xFFFFF086;
	s6 =	sadd.s32 @!p0 s3, s7;
	s7 =	simm.s32 @!p0 $0x108  }
0x21: {  	s3 =	sadd.s32 s3, s9;
	s6 =	sadd.s32 @!p0 $0x88, s6;
	s7 =	simm.s32 @p2 $0x1082  }
0x22: {  	[simem:s7], [sflag:s8] =	dma.local @!p0 [hbm:s6], $0xF7A  }
0x23: {  	s9 =	sor.u32 $0xD0000000, s2;
	s6 =	simm.s32 $0x108;
	_ =	swait.ge @!p0 [sflag:s8], $0x0  }
0x24: {  	s3 =	sadd.s32 $0x88, s3;
	s6 =	simm.s32 @!p1 $0x1082;
	[sflag:s4] =	ssyncset.s32 $0xFFFFF086  }
0x25: {  	[simem:s6], [sflag:s4] =	dma.local [hbm:s3], $0xF7A  }
0x26: {  	[smem:$0x3F98] =	sst s1;
	(tag) =	ssettag s2;
	_ =	strace s9  }
0x27: {  	s1 =	sld [smem:$0x3FA8]  }
0x28: {  	s2 =	sld [smem:$0x3FA9]  }
0x29: {  	s4 =	sld [smem:$0x3FAB]  }
0x2a: {  	p0 =	seq.s32 s5, $0x0;
	s5 =	sld [smem:$0x3FAC]  }
0x2b: {  	s6 =	sld [smem:$0x3FAD]  }
0x2c: {  	s7 =	sld [smem:$0x3FAE]  }
0x2d: {  	s3 =	simm.s32 $0x108;
	s8 =	sld [smem:$0x3FAF]  }
0x2e: {  	s3 =	simm.s32 @!p0 $0x1082;
	s9 =	sld [smem:$0x3FB0]  }
0x2f: {  	lr =	sadd.s32 s0, s3;
	s0 =	sld [smem:$0x3FA7]  }
0x30: {  	s3 =	sld [smem:$0x3FAA]  }
0x31: {  	[smem:$0x3FB3] =	sst s10  }
0x32: {  	s10 =	sld [smem:$0x3FB1];
	_ =	sdelay $0x3  }
0x33: {  	p0 =	seq.s32 s10, $0x1;
	s10 =	sld [smem:$0x3FB3];
	_ =	sdelay $0x3  }
0x34: {  	[smem:$0x3FB3] =	sst s10  }
0x35: {  	s10 =	sld [smem:$0x3FB2];
	_ =	sdelay $0x3  }
0x36: {  	p1 =	seq.s32 s10, $0x1;
	s10 =	sld [smem:$0x3FB3];
	_ =	sdelay $0x3  }
0x37: {  	[smem:$0x3FB3] =	sst s10  }
0x38: {  	s10 =	sld [smem:$0x3FB4]  }
0x39: {  	_ = 	snop;
	(pc) =	sbr.ind lr, $3  }
0x3a: {  	_ = 	snop  }
0x3b: {  	_ = 	snop  }
0x3c: {  	p2 =	seq.s32 s10, $0x1;
	s10 =	sld [smem:$0x3FB3]  }
0x3d: {  	_ =	shalt  }
0x3e: {  	_ =	shalt  }
0x3f: {  	_ =	shalt  }
0x40: {  	_ =	shalt  }
0x41: {  	_ =	shalt  }
0x42: {  	_ =	shalt  }
0x43: {  	_ =	shalt  }
0x44: {  	_ =	shalt  }
0x45: {  	_ =	shalt  }
0x46: {  	_ =	shalt  }
0x47: {  	_ =	shalt  }
0x48: {  	_ =	shalt  }
0x49: {  	_ =	shalt  }
0x4a: {  	_ =	shalt  }
0x4b: {  	_ =	shalt  }
0x4c: {  	_ =	shalt  }
0x4d: {  	_ =	shalt  }
0x4e: {  	_ =	shalt  }
0x4f: {  	_ =	shalt  }
0x50: {  	_ =	shalt  }
0x51: {  	_ =	shalt  }
0x52: {  	_ =	shalt  }
0x53: {  	_ =	shalt  }
0x54: {  	_ =	shalt  }
0x55: {  	_ =	shalt  }
0x56: {  	_ =	shalt  }
0x57: {  	_ =	shalt  }
0x58: {  	_ =	shalt  }
0x59: {  	_ =	shalt  }
0x5a: {  	_ =	shalt  }
0x5b: {  	_ =	shalt  }
0x5c: {  	_ =	shalt  }
0x5d: {  	_ =	shalt  }
0x5e: {  	_ =	shalt  }
0x5f: {  	_ =	shalt  }
0x60: {  	_ =	shalt  }
0x61: {  	_ =	shalt  }
0x62: {  	_ =	shalt  }
0x63: {  	_ =	shalt  }
0x64: {  	_ =	shalt  }
0x65: {  	_ =	shalt  }
0x66: {  	_ =	shalt  }
0x67: {  	_ =	shalt  }
0x68: {  	_ =	shalt  }
0x69: {  	_ =	shalt  }
0x6a: {  	_ =	shalt  }
0x6b: {  	_ =	shalt  }
0x6c: {  	_ =	shalt  }
0x6d: {  	_ =	shalt  }
0x6e: {  	_ =	shalt  }
0x6f: {  	_ =	shalt  }
0x70: {  	_ =	shalt  }
0x71: {  	_ =	shalt  }
0x72: {  	_ =	shalt  }
0x73: {  	_ =	shalt  }
0x74: {  	_ =	shalt  }
0x75: {  	_ =	shalt  }
0x76: {  	_ =	shalt  }
0x77: {  	_ =	shalt  }
0x78: {  	_ =	shalt  }
0x79: {  	_ =	shalt  }
0x7a: {  	_ =	shalt  }
0x7b: {  	_ =	shalt  }
0x7c: {  	_ =	shalt  }
0x7d: {  	_ =	shalt  }
0x7e: {  	_ =	shalt  }
0x7f: {  	_ =	shalt  }
0x80: {  	_ =	shalt  }
0x81: {  	_ =	shalt  }
0x82: {  	_ =	shalt  }
0x83: {  	_ =	shalt  }
0x84: {  	_ =	shalt  }
0x85: {  	_ =	shalt  }
0x86: {  	_ =	shalt  }
0x87: {  	_ =	shalt  }
.Lfunc_end0:
.L_simem_size_0:
called_computation.1_lowered:
.L_overlay_start_0:
0x88: {  	s2 =	sld [smem:$0x3FD9]  }
0x89: {  	s3 =	sld [smem:$0x3FFE];
	_ =	sdelay $0x1  }
0x8a: {  	s1 =	srdreg.scid  }
0x8b: {  	s0 =	sand.u32 $0x1, s1  }
0x8c: {  	s17 =	sshll.u32 s0, $0xA;
	s2 =	sadd.s32 s3, s2  }
0x8d: {  	s2 =	sadd.s32 s2, s17  }
0x8e: {  	[smem:$0x3FBF] =	sst s2  }
0x8f: {  	_ = 	snop  }
0x90: {  	s2 =	sld [smem:$0x3FC3]  }
0x91: {  	s18 =	sld [smem:$0x3FC2]  }
0x92: {  	s4 =	sld [smem:$0x3FD0];
	(tm) =	ssettm $0x1  }
0x93: {  	s5 =	sld [smem:$0x3FFB];
	_ =	sdelay $0x3  }
0x94: {  	_ =	strace s5  }
0x95: {  	s5 =	sld [smem:$0x3FFC];
	_ =	sdelay $0x3  }
0x96: {  	_ =	strace s5  }
0x97: {  	s5 =	sld [smem:$0x3FFD];
	_ =	sdelay $0x3  }
0x98: {  	_ =	strace s5  }
0x99: {  	_ =	strace $0x8FFFFFFF  }
0x9a: {  	s19 =	sld [smem:$0x3FDB];
	_ =	sdelay $0x1  }
0x9b: {  	s6 =	simm.s32 $_scs_section_size  }
0x9c: {  	s7 =	simm.s32 $_size__tile_overlayer_lowered;
	s8 =	simm.s32 $_tile_overlayer_lowered  }
0x9d: {  	s22 =	simm.s32 $0x1BFF;
	s21 =	sshll.u32 s8, $0x1;
	s5 =	sadd.s32 s6, s19  }
0x9e: {  	s9 =	simm.s32 $0x0;
	s20 =	sshll.u32 s7, $0x1;
	s7 =	sadd.s32 s21, s5  }
0x9f: {  	[timem:s9], [sflag:s22] =	dma.local [hbm:s7], s20  }
0xa0: {  	_ =	swait.ge [sflag:s22], s20  }
0xa1: {  	s6 =	ssub.s32 $0x0, s20;
	[sflag:s22] =	ssyncset.done $0x0  }
0xa2: {  	[sflag:s22] =	ssyncadd.s32 s6;
	_ =	sdelay $0x1  }
0xa3: {  	s23 =	simm.s32 $0x1B8B  }
0xa4: {  	_ =	swait.ge [sflag:s23], $0x1  }
0xa5: {  	[sflag:s23] =	ssyncset.done $0x0  }
0xa6: {  	s25 =	simm.s32 $0x1B8E;
	s24 =	sld [smem:$0x3FFE];
	[sflag:s23] =	ssyncadd.s32 $0xFFFFFFFF  }
0xa7: {  	s26 =	simm.s32 $execute0_lowered;
	[smem:$0x3FD2] =	sst s25  }
0xa8: {  	s7 =	sshll.u32 s26, $0x1;
	_ =	strace $0x80000046;
	[dreg:$0x1] =	wrdreg $0xFFFFFFFF  }
0xa9: {  	s28 =	simm.s32 $_size_execute0_lowered;
	s5 =	sadd.s32 s5, s7;
	[dreg:$0x0] =	wrdreg $0x0  }
0xaa: {  	s7 =	sshll.u32 s28, $0x1;
	[dreg:$0x2] =	wrdreg s5  }
0xab: {  	[dreg:$0x3] =	wrdreg s7  }
0xac: {  	[dreg:$0x4] =	wrdreg $0xC0  }
0xad: {  	_ =	task [dreg:s9], $0x5FFFF  }
0xae: {  	[dreg:$0x1] =	wrdreg $0xFFFFFFFF  }
0xaf: {  	[dreg:$0x0] =	wrdreg $0x60  }
0xb0: {  	[dreg:$0x2] =	wrdreg s4  }
0xb1: {  	[dreg:$0x3] =	wrdreg s24  }
0xb2: {  	[dreg:$0x4] =	wrdreg s2  }
0xb3: {  	[dreg:$0x5] =	wrdreg s18  }
0xb4: {  	[dreg:$0x6] =	wrdreg $0xA  }
0xb5: {  	_ =	task.clear_ibuf [dreg:s9], $0x7FFFF;
	_ =	strace $0x90000046  }
0xb6: {  	s29 =	simm.s32 $0xA;
	_ =	strace $0x80000048  }
0xb7: {  	_ =	swait.ge [sflag:s29], $0x1  }
0xb8: {  	[sflag:s29] =	ssyncadd.s32 $0xFFFFFFFF  }
0xb9: {  	_ =	strace $0x90000048  }
0xba: {  	_ =	sfence  }
0xbb: {  	s30 =	sld [smem:$0x0];
	_ =	sdelay $0x2  }
0xbc: {  	s31 =	sshll.u32 s1, $0xD;
	s1 =	sshrl.u32 s1, $0x2  }
0xbd: {  	s3 =	sand.u32 $0x4000, s31;
	s1 =	sadd.s32 s1, s30  }
0xbe: {  	s0 =	sor.u32 s3, s0;
	s1 =	sshll.u32 s1, $0x11  }
0xbf: {  	s0 =	sor.u32 s1, s0  }
0xc0: {  	s0 =	sadd.s32 $0x8F2B, s0  }
0xc1: {  	[sflag:s0] =	ssyncadd.remote.s32 $0x1  }
0xc2: {  	_ =	sfence.sel $0xFFFF  }
0xc3: {  	[dreg:$0x0] =	wrdreg $0xFFFFFFFF;
	(pc) =	sbr.abs _section_cstart, $3  }
0xc4: {  	[dreg:$0x1] =	wrdreg $0xFFFFFFFF  }
0xc5: {  	_ =	task.clear_ibuf [dreg:s9], $0x2FFFF;
	_ =	strace $0x9FFFFFFF  }
0xc6: {  	(tm) =	ssettm $0x7FFFFFFF  }
0xc7: {  	_ =	shalt  }
tec
execute0_lowered:
.L_overlay_start_1:
0x0: {  	(tag) =	ssettag $0x1  }
0x1: {  	s0 =	rddreg [dreg:$0x1]  }
0x2: {  	s2 =	rddreg [dreg:$0x2];
	v0 =	vimm.s32 $0xFEDCBA98;
	v1 =	vimm.s32 $0x76543210  }
0x3: {  	s3 =	rddreg [dreg:$0x3];
	v5 =	vimm.s32 $0x32107654;
	v6 =	vimm.s32 $0xDCFE98BA;
	v0 =	vunpack.c.l.s4.s8 v0  }
0x4: {  	s5 =	simm.s32 $0x0;
	s1 =	srdreg.scid;
	s4 =	stileid.u32;
	v7 =	vimm.s32 $0x54761032;
	v8 =	vimm.s32 $0xEFCDAB89;
	v1 =	vunpack.c.l.s4.s8 v1  }
0x5: {  	v9 =	vimm.s32 $0x67452301;
	s13 =	simm.s32 $0x1;
	s15 =	simm.s32 $0x3;
	s16 =	simm.s32 $0x40;
	vm0 =	vmmov $0xf;
	v2 =	vunpack.c.0.s8.s32 v0  }
0x6: {  	s18 =	simm.s32 $0xA80;
	s20 =	simm.s32 $0x4A80;
	s22 =	simm.s32 $0x8A80;
	v5 =	vunpack.c.l.s4.s8 v5;
	v6 =	vunpack.c.l.s4.s8 v6;
	v3 =	vunpack.c.0.s8.s32 v1  }
0x7: {  	s23 =	simm.s32 $0x680;
	s1 =	sand.u32 $0x1, s1;
	s4 =	sshll.u32 s4, $0x1;
	v7 =	vunpack.c.l.s4.s8 v7;
	v8 =	vunpack.c.l.s4.s8 v8;
	v4 =	vand.u32 $0xF, v2  }
0x8: {  	s24 =	simm.s32 $0x8B80;
	s25 =	simm.s32 $0x8C80;
	v9 =	vunpack.c.l.s4.s8 v9;
	s4 =	sor.u32 s1, s4;
	v3 =	vcombine.low v4, v3;
	v4 =	vimm.s32 $0xBA98FEDC  }
0x9: {  	s26 =	simm.s32 $0x0;
	s28 =	simm.s32 $0x0;
	[smem:$0x7FF] =	sst s5;
	v0 =	vmov s4;
	v6 =	vunpack.c.0.s8.s32 v6;
	v4 =	vunpack.c.l.s4.s8 v4  }
0xa: {  	s6 =	sadd.s32 $0x1800, s0;
	s7 =	sadd.s32 $0x188A00, s0;
	s1 =	ssub.s32 $0x2, s1;
	v7 =	vunpack.c.0.s8.s32 v7;
	v8 =	vunpack.c.0.s8.s32 v8;
	v9 =	vunpack.c.0.s8.s32 v9  }
0xb: {  	s8 =	sadd.s32 $0x1EA600, s0;
	s4 =	sshll.u32 s4, $0x6;
	v1 =	vimm.s32 $0x0;
	s10 =	sshrl.u32 s1, $0x1;
	v5 =	vunpack.c.0.s8.s32 v5;
	v4 =	vunpack.c.0.s8.s32 v4  }
0xc: {  	s9 =	sadd.s32 $0x2200, s0;
	s4 =	sadd.s32 s4, s0;
	s31 =	ssub.s32 s1, s10;
	v2 =	vlaneseq.u32;
	v6 =	vcombine.low v7, v6;
	v8 =	vcombine.low v9, v8  }
0xd: {  	_ =	strace $0x80000047;
	s10 =	sadd.s32 $0x2400, s4;
	s11 =	smax.u32 s31, $0x1;
	v7 =	vor.u32 $0x10, v2;
	v4 =	vcombine.low v5, v4;
	v5 =	vmul.u32 $0x8, v2  }
.LBB2_1:
0xe: {  	[tilespmem:$0x400] =	vst v0  }
0xf: {  	v9 =	vld.msk [tilespmem:$0x400], $0x1;
	_ =	sdelay $0x4  }
0x10: {  	v10 =	vshll.u32 v9, $0x2  }
0x11: {  	v9 =	vand.u32 $0x7, v9;
	v10 =	vand.u32 $0xFFFFFFE0, v10  }
0x12: {  	v9 =	vor.u32 v9, v10  }
0x13: {  	v9 =	vperm.xlane v9, v1;
	_ =	sdelay $0x1  }
0x14: {  	v9 =	vadd.s32 v5, v9;
	_ =	sdelay $0x3  }
0x15: {  	s0 =	rddreg [dreg:$0x0]  }
0x16: {  	[tilespmem:s5], [sflag:$0x1] =	stream.indirect_vreg.gather [hbm4b:s0+s5], $0x80, v9, vm0, $0xb8;
	[tilespmem:$0x8F00] =	vst v63  }
0x17: {  	v9 =	vld.msk [tilespmem:$0x400], $0x1;
	_ =	sdelay $0x4  }
0x18: {  	v10 =	vshll.u32 v9, $0x2  }
0x19: {  	v9 =	vand.u32 $0x7, v9;
	v10 =	vand.u32 $0xFFFFFFE0, v10  }
0x1a: {  	v9 =	vor.u32 v9, v10  }
0x1b: {  	v9 =	vperm.xlane v9, v1;
	_ =	sdelay $0x1  }
0x1c: {  	v9 =	vadd.s32 v5, v9;
	_ =	sdelay $0x3  }
0x1d: {  	s30 =	simm.s32 $0x200  }
0x1e: {  	[tilespmem:s30], [sflag:$0x1] =	stream.indirect_vreg.gather [hbm4b:s6+s5], $0x80, v9, vm0, $0xb8;
	[tilespmem:$0x8F00] =	vst v63  }
0x1f: {  	_ =	swait.ge [sflag:s13], $0x200  }
0x20: {  	[sflag:s13] =	ssyncset.done $0x0  }
0x21: {  	[sflag:s13] =	ssyncadd.s32 $0xFFFFFE00  }
0x22: {  	_ =	swait.ge [sflag:s13], $0x200  }
0x23: {  	[sflag:s13] =	ssyncset.done $0x0  }
0x24: {  	s31 =	simm.s32 $0x8E80;
	[sflag:s13] =	ssyncadd.s32 $0xFFFFFE00  }
0x25: {  	[tilespmem:s31], [sflag:$0x3] =	stream.linear.gather [hbm4b:s9+s5], $0x80, $0x38;
	[tilespmem:$0x8F00] =	vst v63  }
0x26: {  	_ =	swait.ge [sflag:s15], $0x80  }
0x27: {  	[sflag:s15] =	ssyncset.done $0x0  }
0x28: {  	[sflag:s15] =	ssyncadd.s32 $0xFFFFFF80  }
0x29: {  	s0 =	simm.s32 $0x0;
	v9 =	vld [tilespmem:$0x8E80]  }
0x2a: {  	v10 =	vld [tilespmem:s0+$0x200]  }
0x2b: {  	s1 =	simm.s32 $0x40;
	v11 =	vld [tilespmem:s0+$0x0]  }
.LBB2_2:
0x2c: {  	p0 =	sne.s32 s1, $0x7C0  }
.Ltmp0:
0x2d: {  	_ = 	snop;
	(pc) =	sbr.rel @p0 .LBB2_2-.Ltmp0, $4  }
0x2e: {  	_ = 	snop  }
0x2f: {  	s4 =	sshra.s32 s1, $0x2;
	s1 =	sadd.s32 $0x40, s1;
	[tilespmem:s0+$0x680] =	vst v10  }
0x30: {  	v10 =	vld [tilespmem:s4+$0x200];
	[tilespmem:s0+$0x480] =	vst v11;
	s0 =	smov.u32 s4  }
0x31: {  	v11 =	vld [tilespmem:s0+$0x0]  }
0x32: {  	_ =	sdelay $0x2  }
0x33: {  	[tilespmem:s0+$0x680] =	vst v10  }
0x34: {  	[tilespmem:s0+$0x480] =	vst v11  }
0x35: {  	v10 =	vld [tilespmem:$0x480]  }
0x36: {  	v11 =	vld [tilespmem:$0x680]  }
0x37: {  	v12 =	vld [tilespmem:$0x490]  }
0x38: {  	v13 =	vld [tilespmem:$0x690]  }
0x39: {  	v14 =	vld [tilespmem:$0x4A0]  }
0x3a: {  	v15 =	vld [tilespmem:$0x6A0];
	v10 =	vshrl.u32 v10, $0x2  }
0x3b: {  	[tilespmem:$0x880] =	vst v10;
	v10 =	vshrl.u32 v11, $0x2;
	v11 =	vld [tilespmem:$0x4B0]  }
0x3c: {  	v63 =	vld [tilespmem:$0x6B0];
	[tilespmem:$0x980] =	vst v10;
	v10 =	vshrl.u32 v12, $0x2  }
0x3d: {  	[tilespmem:$0x890] =	vst v10;
	v10 =	vshrl.u32 v13, $0x2  }
0x3e: {  	[tilespmem:$0x990] =	vst v10;
	v10 =	vshrl.u32 v14, $0x2  }
0x3f: {  	[tilespmem:$0x8A0] =	vst v10;
	v10 =	vshrl.u32 v15, $0x2  }
0x40: {  	[tilespmem:$0x9A0] =	vst v10;
	v10 =	vshrl.u32 v11, $0x2  }
0x41: {  	[tilespmem:$0x8B0] =	vst v10;
	v10 =	vshrl.u32 v63, $0x2  }
0x42: {  	s21 =	simm.s32 $0x880;
	[tilespmem:$0x9B0] =	vst v10  }
0x43: {  	[tilespmem:s18], [sflag:$0x1] =	stream.indirect.gather [hbm4b:s7+s16], $0x80, s21, s16, $0xb8;
	[tilespmem:$0x8F00] =	vst v63  }
0x44: {  	s30 =	simm.s32 $0x980  }
0x45: {  	[tilespmem:s20], [sflag:$0x1] =	stream.indirect.gather [hbm4b:s8+s16], $0x80, s30, s16, $0xb8;
	[tilespmem:$0x8F00] =	vst v63  }
0x46: {  	s31 =	simm.s32 $0x480  }
0x47: {  	[tilespmem:s22], [sflag:$0x1] =	stream.indirect.gather [hbm4b:s2+s16], $0x1, s31, s16, $0xb8;
	[tilespmem:$0x8F00] =	vst v63  }
0x48: {  	s29 =	simm.s32 $0x0  }
0x49: {  	[tilespmem:s24], [sflag:$0x1] =	stream.indirect.gather [hbm4b:s3+s16], $0x1, s23, s16, $0xb8;
	[tilespmem:$0x8F00] =	vst v63  }
.LBB2_4:
0x4a: {  	p0 =	seq.s32 s29, $0x7  }
0x4b: {  	s31 =	sshll.u32 @!p0 s29, $0x6  }
0x4c: {  	v10 =	vld @!p0 [tilespmem:s31+$0x4C0];
	_ =	sdelay $0x2  }
0x4d: {  	s30 =	sand.u32 $0x1, s29  }
0x4e: {  	s0 =	sxor.u32 @!p0 $0x1, s30  }
0x4f: {  	s1 =	sshll.u32 @!p0 s0, $0x7;
	v10 =	vshrl.u32 @!p0 v10, $0x2  }
0x50: {  	[tilespmem:s1+$0x880] =	vst @!p0 v10  }
0x51: {  	v10 =	vld @!p0 [tilespmem:s31+$0x6C0];
	_ =	sdelay $0x4  }
0x52: {  	v10 =	vshrl.u32 @!p0 v10, $0x2  }
0x53: {  	[tilespmem:s1+$0x980] =	vst @!p0 v10  }
0x54: {  	v10 =	vld @!p0 [tilespmem:s31+$0x4D0];
	_ =	sdelay $0x4  }
0x55: {  	v10 =	vshrl.u32 @!p0 v10, $0x2  }
0x56: {  	[tilespmem:s1+$0x890] =	vst @!p0 v10  }
0x57: {  	v10 =	vld @!p0 [tilespmem:s31+$0x6D0];
	_ =	sdelay $0x4  }
0x58: {  	v10 =	vshrl.u32 @!p0 v10, $0x2  }
0x59: {  	[tilespmem:s1+$0x990] =	vst @!p0 v10  }
0x5a: {  	v10 =	vld @!p0 [tilespmem:s31+$0x4E0];
	_ =	sdelay $0x4  }
0x5b: {  	v10 =	vshrl.u32 @!p0 v10, $0x2  }
0x5c: {  	[tilespmem:s1+$0x8A0] =	vst @!p0 v10  }
0x5d: {  	v10 =	vld @!p0 [tilespmem:s31+$0x6E0];
	_ =	sdelay $0x4  }
0x5e: {  	v10 =	vshrl.u32 @!p0 v10, $0x2  }
0x5f: {  	[tilespmem:s1+$0x9A0] =	vst @!p0 v10  }
0x60: {  	v10 =	vld @!p0 [tilespmem:s31+$0x4F0];
	_ =	sdelay $0x4  }
0x61: {  	v10 =	vshrl.u32 @!p0 v10, $0x2  }
0x62: {  	[tilespmem:s1+$0x8B0] =	vst @!p0 v10  }
0x63: {  	v10 =	vld @!p0 [tilespmem:s31+$0x6F0];
	_ =	sdelay $0x4  }
0x64: {  	s17 =	simm.s32 @!p0 $0x40;
	s12 =	sshll.u32 @!p0 s0, $0xD;
	v10 =	vshrl.u32 @!p0 v10, $0x2  }
0x65: {  	s0 =	sadd.s32 @!p0 $0x1, s0;
	s4 =	sadd.s32 @!p0 $0x880, s1;
	s14 =	sor.u32 @!p0 $0xA80, s12;
	[tilespmem:s1+$0x9B0] =	vst @!p0 v10  }
0x66: {  	[tilespmem:s14], [sflag:s0] =	stream.indirect.gather @!p0 [hbm4b:s7+s17], $0x80, s4, s17, $0xb8;
	[tilespmem:$0x8F00] =	vst v63  }
0x67: {  	s12 =	sor.u32 @!p0 $0x4A80, s12;
	s4 =	sadd.s32 @!p0 $0x980, s1  }
0x68: {  	[tilespmem:s12], [sflag:s0] =	stream.indirect.gather @!p0 [hbm4b:s8+s17], $0x80, s4, s17, $0xb8;
	[tilespmem:$0x8F00] =	vst v63  }
0x69: {  	s4 =	sadd.s32 @!p0 $0x4C0, s31;
	s12 =	sadd.s32 @!p0 $0x8A80, s1  }
0x6a: {  	[tilespmem:s12], [sflag:s0] =	stream.indirect.gather @!p0 [hbm4b:s2+s17], $0x1, s4, s17, $0xb8;
	[tilespmem:$0x8F00] =	vst v63  }
0x6b: {  	s14 =	sadd.s32 $0x1, s30;
	s1 =	sadd.s32 @!p0 $0x8B80, s1;
	s4 =	sadd.s32 @!p0 $0x6C0, s31  }
0x6c: {  	[tilespmem:s1], [sflag:s0] =	stream.indirect.gather @!p0 [hbm4b:s3+s17], $0x1, s4, s17, $0xb8;
	[tilespmem:$0x8F00] =	vst v63  }
0x6d: {  	_ =	swait.ge [sflag:s14], $0x2000  }
0x6e: {  	[sflag:s14] =	ssyncset.done $0x0  }
0x6f: {  	[sflag:s14] =	ssyncadd.s32 $0xFFFFE000  }
0x70: {  	_ =	swait.ge [sflag:s14], $0x2000  }
0x71: {  	[sflag:s14] =	ssyncset.done $0x0  }
0x72: {  	[sflag:s14] =	ssyncadd.s32 $0xFFFFE000  }
0x73: {  	_ =	swait.ge [sflag:s14], $0x40  }
0x74: {  	s31 =	simm.s32 @p0 $0x1C0;
	s17 =	sand.u32 $0xF, s28;
	[sflag:s14] =	ssyncset.done $0x0  }
0x75: {  	s19 =	sshll.u32 s31, $0x2;
	s1 =	sshll.u32 s17, $0x2;
	[sflag:s14] =	ssyncadd.s32 $0xFFFFFFC0  }
0x76: {  	s4 =	sshra.s32 s19, $0x2;
	s1 =	ssub.s32 $0x0, s1;
	_ =	swait.ge [sflag:s14], $0x40  }
0x77: {  	s12 =	sadd.s32 $0x480, s4;
	s1 =	sshra.s32 s1, $0x2;
	[sflag:s14] =	ssyncset.done $0x0  }
0x78: {  	s21 =	sadd.s32 s1, s12;
	[sflag:s14] =	ssyncadd.s32 $0xFFFFFFC0  }
0x79: {  	s4 =	sadd.s32 $0x680, s4;
	v10 =	vld [tilespmem:s21+$0x0]  }
0x7a: {  	s1 =	sadd.s32 s1, s4  }
0x7b: {  	v11 =	vld [tilespmem:s1+$0x0]  }
0x7c: {  	s14 =	sand.u32 $0xF, s28  }
0x7d: {  	v12 =	vmov s14  }
0x7e: {  	v10 =	vperm.xlane v10, v12  }
0x7f: {  	s0 =	sshll.u32 s30, $0xD  }
0x80: {  	s17 =	sadd.s32 $0x0, s0;
	v11 =	vperm.xlane v11, v12;
	v10 =	vshll.u32 v10, $0x5  }
0x81: {  	v62 =	vor.u32 s17, v2;
	v10 =	vand.u32 $0x60, v10  }
0x82: {  	v14 =	vor.u32 s17, v7;
	v11 =	vshll.u32 v11, $0x5;
	v13 =	vor.u32 v10, v62  }
0x83: {  	v11 =	vand.u32 $0x60, v11;
	v10 =	vor.u32 v10, v14  }
0x84: {  	v12 =	vor.u32 v11, v62  }
0x85: {  	v11 =	vor.u32 v11, v14;
	_ =	sdelay $0x1  }
0x86: {  	v13 =	vld.idx.msk [tilespmem:v13+s18+$0x0], $0xffff  }
0x87: {  	v10 =	vld.idx.msk [tilespmem:v10+s18+$0x0], $0xffff  }
0x88: {  	v12 =	vld.idx.msk [tilespmem:v12+s20+$0x0], $0xffff  }
0x89: {  	v11 =	vld.idx.msk [tilespmem:v11+s20+$0x0], $0xffff;
	_ =	sdelay $0x4  }
0x8a: {  	v12 =	vmul.f32 v12, v13;
	v10 =	vmul.f32 v11, v10;
	_ =	sdelay $0x1  }
0x8b: {  	v10 =	vadd.f32 v10, v12;
	_ =	sdelay $0x1  }
0x8c: {  	v11 =	vperm.xlane v10, v3;
	_ =	sdelay $0x1  }
0x8d: {  	v10 =	vadd.f32 v10, v11;
	_ =	sdelay $0x1  }
0x8e: {  	v11 =	vperm.xlane v10, v4;
	_ =	sdelay $0x1  }
0x8f: {  	v10 =	vadd.f32 v10, v11;
	_ =	sdelay $0x1  }
0x90: {  	v11 =	vperm.xlane v10, v6;
	_ =	sdelay $0x1  }
0x91: {  	s21 =	sadd.s32 $0x0, s31;
	v11 =	vadd.f32 v10, v11  }
0x92: {  	s1 =	simm.s32 $0x1;
	v10 =	vmov s21  }
0x93: {  	s19 =	sand.u32 $0xF, s1;
	v63 =	vperm.xlane v11, v8  }
0x94: {  	s14 =	sshll.u32 s19, $0x2  }
0x95: {  	s17 =	simm.s32 $0x1;
	s14 =	ssub.s32 $0x0, s14;
	v11 =	vadd.f32 v11, v63  }
0x96: {  	s12 =	sadd.s32 $0x1, s12;
	s19 =	sshra.s32 s14, $0x2;
	s14 =	simm.s32 $0x2  }
.LBB2_5:
0x97: {  	p0 =	sne.s32 s14, $0x3F;
	s21 =	sadd.s32 s19, s12;
	[tilespmem:v10+s25+$0x0] =	vst.idx.msk $0x1, v11  }
0x98: {  	s4 =	sadd.s32 $0x1, s4;
	v10 =	vld [tilespmem:s21+$0x0]  }
0x99: {  	s19 =	sadd.s32 s19, s4  }
0x9a: {  	v11 =	vld [tilespmem:s19+$0x0]  }
0x9b: {  	s19 =	sand.u32 $0xF, s1  }
0x9c: {  	v12 =	vmov s19  }
0x9d: {  	v10 =	vperm.xlane v10, v12  }
0x9e: {  	s19 =	sshll.u32 s1, $0x7  }
0x9f: {  	s19 =	sadd.s32 s0, s19;
	v11 =	vperm.xlane v11, v12;
	v10 =	vshll.u32 v10, $0x5  }
0xa0: {  	v12 =	vor.u32 s19, v2;
	v10 =	vand.u32 $0x60, v10  }
0xa1: {  	v14 =	vor.u32 s19, v7;
	v11 =	vshll.u32 v11, $0x5;
	v13 =	vor.u32 v10, v12  }
0xa2: {  	v10 =	vor.u32 v10, v14;
	v11 =	vand.u32 $0x60, v11  }
0xa3: {  	v12 =	vor.u32 v11, v12  }
0xa4: {  	v11 =	vor.u32 v11, v14;
	_ =	sdelay $0x1  }
0xa5: {  	v13 =	vld.idx.msk [tilespmem:v13+s18+$0x0], $0xffff  }
0xa6: {  	v10 =	vld.idx.msk [tilespmem:v10+s18+$0x0], $0xffff  }
0xa7: {  	v12 =	vld.idx.msk [tilespmem:v12+s20+$0x0], $0xffff  }
0xa8: {  	v11 =	vld.idx.msk [tilespmem:v11+s20+$0x0], $0xffff;
	_ =	sdelay $0x5  }
0xa9: {  	v12 =	vmul.f32 v12, v13;
	v10 =	vmul.f32 v11, v10;
	_ =	sdelay $0x1  }
0xaa: {  	v10 =	vadd.f32 v10, v12;
	_ =	sdelay $0x1  }
0xab: {  	v11 =	vperm.xlane v10, v3;
	_ =	sdelay $0x1  }
0xac: {  	v10 =	vadd.f32 v10, v11;
	_ =	sdelay $0x1  }
0xad: {  	v11 =	vperm.xlane v10, v4;
	_ =	sdelay $0x1  }
0xae: {  	v10 =	vadd.f32 v10, v11;
	_ =	sdelay $0x1  }
0xaf: {  	v11 =	vperm.xlane v10, v6;
	_ =	sdelay $0x1  }
0xb0: {  	s19 =	sadd.s32 s1, s31;
	s1 =	smov.u32 s14;
	v11 =	vadd.f32 v10, v11  }
.Ltmp1:
0xb1: {  	s17 =	sadd.s32 $0x1, s17;
	v10 =	vmov s19;
	(pc) =	sbr.rel @p0 .LBB2_5-.Ltmp1, $4  }
0xb2: {  	s19 =	sand.u32 $0xF, s17;
	v12 =	vperm.xlane v11, v8  }
0xb3: {  	s19 =	sshll.u32 s19, $0x2  }
0xb4: {  	s19 =	ssub.s32 $0x0, s19;
	v11 =	vadd.f32 v11, v12  }
0xb5: {  	s12 =	sadd.s32 $0x1, s12;
	s14 =	sadd.s32 $0x1, s14;
	s19 =	sshra.s32 s19, $0x2  }
0xb6: {  	_ =	sdelay $0x3  }
0xb7: {  	s12 =	sadd.s32 s19, s12;
	[tilespmem:v10+s25+$0x0] =	vst.idx.msk $0x1, v11  }
0xb8: {  	s4 =	sadd.s32 $0x1, s4;
	v10 =	vld [tilespmem:s12+$0x0]  }
0xb9: {  	s4 =	sadd.s32 s19, s4  }
0xba: {  	v11 =	vld [tilespmem:s4+$0x0]  }
0xbb: {  	s14 =	sand.u32 $0xF, s1  }
0xbc: {  	v12 =	vmov s14  }
0xbd: {  	v10 =	vperm.xlane v10, v12  }
0xbe: {  	s17 =	sshll.u32 s1, $0x7  }
0xbf: {  	s0 =	sadd.s32 s0, s17;
	v11 =	vperm.xlane v11, v12;
	v10 =	vshll.u32 v10, $0x5  }
0xc0: {  	v58 =	vor.u32 s0, v2;
	v10 =	vand.u32 $0x60, v10  }
0xc1: {  	v14 =	vor.u32 s0, v7;
	v11 =	vshll.u32 v11, $0x5;
	v13 =	vor.u32 v10, v58  }
0xc2: {  	v11 =	vand.u32 $0x60, v11;
	v10 =	vor.u32 v10, v14  }
0xc3: {  	v12 =	vor.u32 v11, v58  }
0xc4: {  	v11 =	vor.u32 v11, v14;
	_ =	sdelay $0x1  }
0xc5: {  	v13 =	vld.idx.msk [tilespmem:v13+s18+$0x0], $0xffff  }
0xc6: {  	v10 =	vld.idx.msk [tilespmem:v10+s18+$0x0], $0xffff  }
0xc7: {  	v12 =	vld.idx.msk [tilespmem:v12+s20+$0x0], $0xffff  }
0xc8: {  	v11 =	vld.idx.msk [tilespmem:v11+s20+$0x0], $0xffff;
	_ =	sdelay $0x4  }
0xc9: {  	v12 =	vmul.f32 v12, v13;
	v10 =	vmul.f32 v11, v10;
	_ =	sdelay $0x1  }
0xca: {  	v10 =	vadd.f32 v10, v12;
	_ =	sdelay $0x1  }
0xcb: {  	v11 =	vperm.xlane v10, v3;
	_ =	sdelay $0x1  }
0xcc: {  	v10 =	vadd.f32 v10, v11;
	_ =	sdelay $0x1  }
0xcd: {  	v11 =	vperm.xlane v10, v4;
	_ =	sdelay $0x1  }
0xce: {  	v10 =	vadd.f32 v10, v11;
	_ =	sdelay $0x1  }
0xcf: {  	v11 =	vperm.xlane v10, v6;
	_ =	sdelay $0x1  }
0xd0: {  	s19 =	sadd.s32 s1, s31;
	v10 =	vadd.f32 v10, v11  }
0xd1: {  	v11 =	vmov s19  }
0xd2: {  	v59 =	vperm.xlane v10, v8;
	_ =	sdelay $0x1  }
0xd3: {  	v10 =	vadd.f32 v10, v59  }
0xd4: {  	s21 =	sshll.u32 s29, $0x6  }
0xd5: {  	s0 =	sand.u32 $0x3FFFFFC0, s21;
	[tilespmem:v11+s25+$0x0] =	vst.idx.msk $0x1, v10  }
0xd6: {  	s31 =	sshll.u32 s30, $0x7;
	v10 =	vld [tilespmem:s0+$0x8C80]  }
0xd7: {  	v11 =	vld [tilespmem:s31+$0x8A80];
	_ =	sdelay $0x1  }
0xd8: {  	v60 =	vld [tilespmem:s31+$0x8B80];
	_ =	sdelay $0x2  }
0xd9: {  	v10 =	vadd.f32 v11, v10;
	_ =	sdelay $0x1  }
0xda: {  	v10 =	vadd.f32 v60, v10;
	_ =	sdelay $0x1  }
0xdb: {  	v10 =	vadd.f32 v10, v9;
	_ =	sdelay $0x1  }
0xdc: {  	[tilespmem:s0+$0x8C80] =	vst v10;
	v10 =	vld [tilespmem:s0+$0x8C90]  }
0xdd: {  	v11 =	vld [tilespmem:s31+$0x8A90];
	_ =	sdelay $0x1  }
0xde: {  	v61 =	vld [tilespmem:s31+$0x8B90];
	_ =	sdelay $0x2  }
0xdf: {  	v10 =	vadd.f32 v11, v10;
	_ =	sdelay $0x1  }
0xe0: {  	v10 =	vadd.f32 v61, v10;
	_ =	sdelay $0x1  }
0xe1: {  	v10 =	vadd.f32 v10, v9;
	_ =	sdelay $0x1  }
0xe2: {  	[tilespmem:s0+$0x8C90] =	vst v10;
	v10 =	vld [tilespmem:s0+$0x8CA0]  }
0xe3: {  	v11 =	vld [tilespmem:s31+$0x8AA0];
	_ =	sdelay $0x1  }
0xe4: {  	v62 =	vld [tilespmem:s31+$0x8BA0];
	_ =	sdelay $0x2  }
0xe5: {  	v10 =	vadd.f32 v11, v10;
	_ =	sdelay $0x1  }
0xe6: {  	v10 =	vadd.f32 v62, v10;
	_ =	sdelay $0x1  }
0xe7: {  	v10 =	vadd.f32 v10, v9;
	_ =	sdelay $0x1  }
0xe8: {  	[tilespmem:s0+$0x8CA0] =	vst v10;
	v10 =	vld [tilespmem:s0+$0x8CB0]  }
0xe9: {  	v11 =	vld [tilespmem:s31+$0x8AB0];
	_ =	sdelay $0x1  }
0xea: {  	v63 =	vld [tilespmem:s31+$0x8BB0];
	_ =	sdelay $0x2  }
0xeb: {  	s29 =	sadd.s32 $0x1, s29;
	v10 =	vadd.f32 v11, v10  }
0xec: {  	p0 =	sne.s32 s29, $0x8  }
.Ltmp2:
0xed: {  	v10 =	vadd.f32 v63, v10;
	(pc) =	sbr.rel @p0 .LBB2_4-.Ltmp2, $3  }
0xee: {  	_ = 	snop  }
0xef: {  	v10 =	vadd.f32 v10, v9;
	_ =	sdelay $0x1  }
0xf0: {  	[tilespmem:s0+$0x8CB0] =	vst v10  }
0xf1: {  	s26 =	sadd.s32 $0x1, s26  }
0xf2: {  	p0 =	sne.s32 s26, s11  }
.Ltmp3:
0xf3: {  	_ = 	snop;
	(pc) =	sbr.rel @p0 .LBB2_1-.Ltmp3, $4  }
0xf4: {  	[hbm4b:s10+s5] =	stream.linear.scatter [tilespmem:s25], [sflag:$0x3], $0x200, $0x38;
	[tilespmem:$0x8F00] =	vst v63  }
0xf5: {  	_ =	swait.ge [sflag:s15], $0x200  }
0xf6: {  	[sflag:s15] =	ssyncset.done $0x0  }
0xf7: {  	[sflag:s15] =	ssyncadd.s32 $0xFFFFFE00  }
0xf8: {  	_ =	sfence.sel $0x180000  }
0xf9: {  	[bflag:$0x0] =	sbarrier.arrive $0xFFFF  }
0xfa: {  	_ =	strace $0x90000047  }
0xfb: {  	s0 =	stileid.u32;
	[bflag:$0x2] =	sbarrier.arrive $0xFFFF  }
0xfc: {  	p0 =	sne.s32 s0, $0x0;
	s0 =	rddreg [dreg:$0x4]  }
0xfd: {  	s0 =	sadd.s32 @!p0 $0x100000, s0  }
0xfe: {  	[sflag:s0] =	ssyncadd.tile.s32 @!p0 $0x1;
	_ =	shalt  }
.Lfunc_end2:
_tile_overlayer_lowered:
.L_overlay_start_2:
0xff: {  	(tag) =	ssettag $0x2  }
0x100: {  	s0 =	rddreg [dreg:$0x0];
	s2 =	stileid.u32  }
0x101: {  	s1 =	rddreg [dreg:$0x1];
	p0 =	sne.s32 s2, $0x0  }
0x102: {  	s3 =	rddreg [dreg:$0x2];
	[bflag:$0x3] =	sbarrier.arrive $0xFFFF;
	s2 =	simm.s32 @!p0 $0x1C03  }
0x103: {  	[timem:s3], [sflag:s2] =	dma.local @!p0 [hbm:s0], s1  }
0x104: {  	s0 =	simm.s32 @!p0 $0x3  }
0x105: {  	_ =	swait.ge @!p0 [sflag:s0], s1  }
0x106: {  	s1 =	ssub.s32 @!p0 $0x0, s1;
	[sflag:s0] =	ssyncset.done @!p0 $0x0  }
0x107: {  	[sflag:s0] =	ssyncadd.s32 @!p0 s1  }
0x108: {  	[bflag:$0x3] =	sbarrier.arrive $0xFFFF  }
0x109: {  	_ =	shalt  }

</sc_bundles>
